<compile_context>
chip_gen: v7x
topology: tpu7x:2x2x1
jax: 0.10.2.dev20260603
libtpu: 0.0.44.dev20260713+nightly
codegen_flags: <defaults>
</compile_context>

<pallas_src>
import functools

import jax
import jax.numpy as jnp
from jax import lax
from jax.experimental import pallas as pl
from jax.experimental.pallas import tpu as pltpu
from jax.experimental.pallas import tpu_sc as plsc

_N, _C, _H, _W = 4, 21, 512, 512
_PIX = _H * _W
_NW = 32
_PPW = _PIX // _NW
_K = 2048
_R = 6.0
_DELTA = 2.0 * _R / _K
_INV_DELTA = 1.0 / _DELTA
_E_LO = 1.0 - _R


_ROWS = _PPW // _W


def _sc_hist_body(x_hbm, t_hbm, out_hbm, tgt_v, xbuf, hist0, hist1,
                  s0, s1, s2, s3, h0, h1):
    hists = (hist0, hist1)
    cid = lax.axis_index("c")
    sid = lax.axis_index("s")
    wid = sid * 2 + cid
    rbase = wid * _ROWS
    sems = (s0, s1, s2, s3)
    hsems = (h0, h1)

    for n in range(_N):
        pltpu.sync_copy(t_hbm.at[n, pl.ds(rbase, _ROWS)], tgt_v.at[n])

    for n in range(_N):
        pltpu.async_copy(
            x_hbm.at[n, 0, pl.ds(rbase, _ROWS)], xbuf.at[0, n], sems[n])

    def class_body(c, carry):
        par = lax.rem(c, 2)
        for n in range(_N):
            pltpu.make_async_copy(
                x_hbm.at[n, c, pl.ds(rbase, _ROWS)],
                xbuf.at[par, n], sems[n]).wait()

        @pl.when(c + 1 < _C)
        def _prefetch():
            for n in range(_N):
                pltpu.async_copy(
                    x_hbm.at[n, c + 1, pl.ds(rbase, _ROWS)],
                    xbuf.at[1 - par, n], sems[n])

        def do_half(pstat):
            hist = hists[pstat]
            @pl.when(c >= 2)
            def _drain_flush():
                pltpu.make_async_copy(
                    hist, out_hbm.at[c - 2, wid], hsems[pstat]).wait()

            @plsc.parallel_loop(0, 2 * _K // 16, unroll=8)
            def _zero(j):
                hist[pl.ds(j * 16, 16)] = jnp.zeros((16,), jnp.int32)

            ones = jnp.ones((16,), jnp.int32)
            for n in range(_N):
                @plsc.parallel_loop(0, _PPW // 16, unroll=8)
                def _scatter(i):
                    r = i // (_W // 16)
                    col = lax.rem(i, _W // 16) * 16
                    xv = xbuf[pstat, n, r, pl.ds(col, 16)]
                    tv = tgt_v[n, r, pl.ds(col, 16)]
                    b = jnp.clip((xv + _R) * _INV_DELTA, 0.0, _K - 1.0)
                    b = b.astype(jnp.int32)
                    idx = jnp.where(tv == c, b + _K, b)
                    plsc.addupdate_scatter(hist, [idx], ones)

            pltpu.async_copy(hist, out_hbm.at[c, wid], hsems[pstat])

        @pl.when(par == 0)
        def _even():
            do_half(0)

        @pl.when(par == 1)
        def _odd():
            do_half(1)

        return carry

    lax.fori_loop(0, _C, class_body, 0)

    for cc in (_C - 2, _C - 1):
        pltpu.make_async_copy(
            hists[cc % 2], out_hbm.at[cc, wid], hsems[cc % 2]).wait()


@functools.cache
def _sc_hist():
    return pl.kernel(
        _sc_hist_body,
        out_type=jax.ShapeDtypeStruct((_C, _NW, 2 * _K), jnp.int32),
        mesh=plsc.VectorSubcoreMesh(core_axis_name="c", subcore_axis_name="s"),
        scratch_types=[
            pltpu.VMEM((_N, _ROWS, _W), jnp.int32),
            pltpu.VMEM((2, _N, _ROWS, _W), jnp.float32),
            pltpu.VMEM((2 * _K,), jnp.int32),
            pltpu.VMEM((2 * _K,), jnp.int32),
            pltpu.SemaphoreType.DMA,
            pltpu.SemaphoreType.DMA,
            pltpu.SemaphoreType.DMA,
            pltpu.SemaphoreType.DMA,
            pltpu.SemaphoreType.DMA,
            pltpu.SemaphoreType.DMA,
        ],
        compiler_params=pltpu.CompilerParams(
            needs_layout_passes=False, use_tc_tiling_on_sc=True),
    )


def _prefix_cumsum(x):
    m, n = x.shape
    s = 1
    while s < n:
        x = x + jnp.concatenate(
            [jnp.zeros((m, s), x.dtype), x[:, :-s]], axis=1)
        s *= 2
    return x


def _rev_rows(a):
    k = 128
    m = _K // k
    x = a.reshape(_C * m, k)
    ik = lax.broadcasted_iota(jnp.int32, (k, k), 0)
    jk = lax.broadcasted_iota(jnp.int32, (k, k), 1)
    rev_k = (ik + jk == k - 1).astype(jnp.float32)
    n = _C * m
    ia = lax.broadcasted_iota(jnp.int32, (n, n), 0)
    ja = lax.broadcasted_iota(jnp.int32, (n, n), 1)
    perm = ((ia // m == ja // m)
            & (ia % m + ja % m == m - 1)).astype(jnp.float32)
    return jnp.dot(perm, jnp.dot(x, rev_k)).reshape(_C, _K)


def _tc_integral_body(hist_ref, out_ref):
    s = hist_ref[:, 0, :].astype(jnp.float32)
    for w in range(1, _NW):
        s = s + hist_ref[:, w, :].astype(jnp.float32)
    neg_e = s[:, :_K]
    hpos = s[:, _K:]
    pos_e = _rev_rows(hpos)
    tot = neg_e + pos_e

    S = _prefix_cumsum(tot)
    Sp = _prefix_cumsum(pos_e)
    T = S[:, _K - 1:_K]
    p = Sp[:, _K - 1:_K]
    f_above = T - S
    p_above = p - Sp
    f_bot = f_above + tot
    p_bot = p_above + pos_e

    def jacc(F, P):
        return 1.0 - (p - P) / jnp.maximum(p + F - P, 1.0)

    lane = lax.broadcasted_iota(jnp.int32, (1, _K), 1).astype(jnp.float32)
    t_top = _E_LO + (lane + 1.0) * _DELTA
    w_bin = jnp.clip(t_top, 0.0, _DELTA)
    integ = w_bin * 0.5 * (jacc(f_above, p_above) + jacc(f_bot, p_bot))
    loss = jnp.sum(integ, axis=1, keepdims=True)
    present = (p > 0.0).astype(jnp.float32)
    loss = jnp.where(p > 0.0, loss, 0.0)
    total = jnp.sum(loss) / jnp.maximum(jnp.sum(present), 1.0)

    row = lax.broadcasted_iota(jnp.int32, (8, 128), 0)
    out_lane = lax.broadcasted_iota(jnp.int32, (8, 128), 1)
    out_ref[...] = jnp.where((row == 0) & (out_lane == 0), total, 0.0)


_tc_integral = pl.pallas_call(
    _tc_integral_body,
    grid=(1,),
    in_specs=[pl.BlockSpec((_C, _NW, 2 * _K), lambda i: (0, 0, 0))],
    out_specs=pl.BlockSpec((8, 128), lambda i: (0, 0)),
    out_shape=jax.ShapeDtypeStruct((8, 128), jnp.float32),
)


def kernel(inputs, targets):
    hist = _sc_hist()(inputs, targets.astype(jnp.int32))
    out = _tc_integral(hist)
    return out[0, 0]

# --- scband reference (transcript-rebuilt; emitter-appended) ---
"""Pipeline reference for scband-lovasz-loss-29283087024843 (READ-ONLY COPY).

The authoritative reference and input builder live on the scoring server;
editing this copy changes nothing except your own understanding.
"""

import jax, jax.numpy as jnp
import numpy as np

N, C, H, W = 4, 21, 512, 512

def setup_inputs(seed: int = 0) -> dict:
    key = jax.random.key(seed)
    k1, k2 = jax.random.split(key)
    inputs = jax.random.normal(k1, (N, C, H, W), dtype=jnp.float32)
    targets = jax.random.randint(k2, (N, H, W), 0, C, dtype=jnp.int64)
    return {"inputs": inputs, "targets": targets}


def _lovasz_grad(gt_sorted):
    gts = jnp.sum(gt_sorted)
    intersection = gts - jnp.cumsum(gt_sorted)
    union = gts + jnp.cumsum(1.0 - gt_sorted)
    jaccard = 1.0 - intersection / union
    jaccard = jnp.concatenate([jaccard[:1], jaccard[1:] - jaccard[:-1]])
    # if no positives, torch returns zeros (class is excluded anyway via mask)
    return jnp.where(gts > 0, jaccard, jnp.zeros_like(jaccard))


def _lovasz_hinge_flat(logits, labels):
    signs = 2.0 * labels - 1.0
    errors = 1.0 - logits * signs
    perm = jnp.argsort(-errors)  # descending sort indices (detached, as perm.data in torch)
    errors_sorted = errors[perm]
    gt_sorted = labels[perm]
    grad = _lovasz_grad(gt_sorted)
    return jnp.dot(jax.nn.relu(errors_sorted), grad)


def reference(inputs, targets):
    n, c = inputs.shape[0], inputs.shape[1]
    inputs_flat = inputs.reshape(n, c, -1)
    targets_flat = targets.reshape(n, -1)
    losses = []
    present = []
    for cls in range(c):
        class_logits = inputs_flat[:, cls, :].reshape(-1)
        class_labels = (targets_flat == cls).astype(jnp.float32).reshape(-1)
        has_pos = jnp.sum(class_labels) > 0
        loss_c = _lovasz_hinge_flat(class_logits, class_labels)
        losses.append(jnp.where(has_pos, loss_c, 0.0))
        present.append(has_pos.astype(jnp.float32))
    losses = jnp.stack(losses)
    cnt = jnp.stack(present).sum()
    # reduction == 'mean'
    return losses.sum() / jnp.maximum(cnt, 1.0)

if __name__ == "__main__":
    import jax
    _d = setup_inputs()
    print(jax.jit(kernel)(*tuple(_d.values())))

</pallas_src>

<mosaic_0001>
#map = affine_map<(d0, d1) -> (0, 0, 0, 0)>
#map1 = affine_map<(d0, d1) -> (0, 0, 0)>
module attributes {stable_mosaic.version = 14 : i64} {
  func.func @_sc_hist_body(%arg0: i32, %arg1: i32, %arg2: memref<4x21x512x512xf32, #tpu.memory_space<hbm>>, %arg3: memref<4x512x512xi32, #tpu.memory_space<hbm>>, %arg4: memref<21x32x4096xi32, #tpu.memory_space<hbm>>, %arg5: memref<4x16x512xi32, #tpu.memory_space<vmem>>, %arg6: memref<2x4x16x512xf32, #tpu.memory_space<vmem>>, %arg7: memref<4096xi32, #tpu.memory_space<vmem>>, %arg8: memref<4096xi32, #tpu.memory_space<vmem>>, %arg9: memref<!tpu.dma_semaphore, #tpu.memory_space<semaphore_mem>>, %arg10: memref<!tpu.dma_semaphore, #tpu.memory_space<semaphore_mem>>, %arg11: memref<!tpu.dma_semaphore, #tpu.memory_space<semaphore_mem>>, %arg12: memref<!tpu.dma_semaphore, #tpu.memory_space<semaphore_mem>>, %arg13: memref<!tpu.dma_semaphore, #tpu.memory_space<semaphore_mem>>, %arg14: memref<!tpu.dma_semaphore, #tpu.memory_space<semaphore_mem>>) attributes {dimension_semantics = [#tpu.dimension_semantics<core_parallel>, #tpu.dimension_semantics<subcore_parallel>], iteration_bounds = array<i64: 2, 16>, scalar_prefetch = 0 : i64, scratch_operands = 10 : i64, tpu.core_type = #tpu.core_type<sc_vector_subcore>, window_params = [{transform_indices = #map}, {transform_indices = #map1}, {transform_indices = #map1}]} {
    %mul3A = arith.constant 2 : i32
    %mul3A_0 = arith.muli %arg1, %mul3A : i32
    %add3A = arith.addi %mul3A_0, %arg0 : i32
    %mul3A_1 = arith.constant 16 : i32
    %mul3A_2 = arith.muli %add3A, %mul3A_1 : i32
    %run_scoped3A = arith.constant 0 : i32
    %run_scoped3A_3 = arith.constant 0 : i32
    "tpu.region"() ({
      %run_scoped3A_99 = tpu.sem_alloc : memref<!tpu.dma_semaphore, #tpu.memory_space<semaphore_mem>>
      %dma_start3A_100 = arith.constant 0 : i32
      %dma_start3A_101 = arith.constant 0 : i32
      %dma_start3A_102 = tpu.memref_slice %arg5[%run_scoped3A_3, %dma_start3A_100, %dma_start3A_101] : memref<4x16x512xi32, #tpu.memory_space<vmem>> -> memref<1x16x512xi32, #tpu.memory_space<vmem>>
      %dma_start3A_103 = tpu.memref_squeeze %dma_start3A_102 : memref<1x16x512xi32, #tpu.memory_space<vmem>> -> memref<16x512xi32, #tpu.memory_space<vmem>>
      %dma_start3A_104 = arith.constant 0 : i32
      %dma_start3A_105 = tpu.memref_slice %arg3[%run_scoped3A, %mul3A_2, %dma_start3A_104] : memref<4x512x512xi32, #tpu.memory_space<hbm>> -> memref<1x16x512xi32, #tpu.memory_space<hbm>>
      %dma_start3A_106 = tpu.memref_squeeze %dma_start3A_105 : memref<1x16x512xi32, #tpu.memory_space<hbm>> -> memref<16x512xi32, #tpu.memory_space<hbm>>
      %dma_start3A_107 = arith.constant 0 : i32
      %dma_start3A_108 = arith.constant 0 : i32
      %dma_start3A_109 = tpu.memref_slice %arg5[%run_scoped3A_3, %dma_start3A_107, %dma_start3A_108] : memref<4x16x512xi32, #tpu.memory_space<vmem>> -> memref<1x16x512xi32, #tpu.memory_space<vmem>>
      %dma_start3A_110 = tpu.memref_squeeze %dma_start3A_109 : memref<1x16x512xi32, #tpu.memory_space<vmem>> -> memref<16x512xi32, #tpu.memory_space<vmem>>
      %dma_start3A_111 = arith.constant 0 : i32
      %dma_start3A_112 = tpu.memref_slice %arg3[%run_scoped3A, %mul3A_2, %dma_start3A_111] : memref<4x512x512xi32, #tpu.memory_space<hbm>> -> memref<1x16x512xi32, #tpu.memory_space<hbm>>
      %dma_start3A_113 = tpu.memref_squeeze %dma_start3A_112 : memref<1x16x512xi32, #tpu.memory_space<hbm>> -> memref<16x512xi32, #tpu.memory_space<hbm>>
      tpu.enqueue_dma source(%dma_start3A_113 : memref<16x512xi32, #tpu.memory_space<hbm>>) target(%dma_start3A_110 : memref<16x512xi32, #tpu.memory_space<vmem>>) target_semaphore(%run_scoped3A_99 : memref<!tpu.dma_semaphore, #tpu.memory_space<semaphore_mem>>)
      %dma_wait3A_114 = arith.constant 0 : i32
      %dma_wait3A_115 = arith.constant 0 : i32
      %dma_wait3A_116 = tpu.memref_slice %arg5[%run_scoped3A_3, %dma_wait3A_114, %dma_wait3A_115] : memref<4x16x512xi32, #tpu.memory_space<vmem>> -> memref<1x16x512xi32, #tpu.memory_space<vmem>>
      %dma_wait3A_117 = tpu.memref_squeeze %dma_wait3A_116 : memref<1x16x512xi32, #tpu.memory_space<vmem>> -> memref<16x512xi32, #tpu.memory_space<vmem>>
      %dma_wait3A_118 = arith.constant 0 : i32
      %dma_wait3A_119 = tpu.memref_slice %arg3[%run_scoped3A, %mul3A_2, %dma_wait3A_118] : memref<4x512x512xi32, #tpu.memory_space<hbm>> -> memref<1x16x512xi32, #tpu.memory_space<hbm>>
      %dma_wait3A_120 = tpu.memref_squeeze %dma_wait3A_119 : memref<1x16x512xi32, #tpu.memory_space<hbm>> -> memref<16x512xi32, #tpu.memory_space<hbm>>
      %dma_wait3A_121 = arith.constant 0 : i32
      %dma_wait3A_122 = arith.constant 0 : i32
      %dma_wait3A_123 = tpu.memref_slice %arg5[%run_scoped3A_3, %dma_wait3A_121, %dma_wait3A_122] : memref<4x16x512xi32, #tpu.memory_space<vmem>> -> memref<1x16x512xi32, #tpu.memory_space<vmem>>
      %dma_wait3A_124 = tpu.memref_squeeze %dma_wait3A_123 : memref<1x16x512xi32, #tpu.memory_space<vmem>> -> memref<16x512xi32, #tpu.memory_space<vmem>>
      %dma_wait3A_125 = arith.constant 0 : i32
      %dma_wait3A_126 = tpu.memref_slice %arg3[%run_scoped3A, %mul3A_2, %dma_wait3A_125] : memref<4x512x512xi32, #tpu.memory_space<hbm>> -> memref<1x16x512xi32, #tpu.memory_space<hbm>>
      %dma_wait3A_127 = tpu.memref_squeeze %dma_wait3A_126 : memref<1x16x512xi32, #tpu.memory_space<hbm>> -> memref<16x512xi32, #tpu.memory_space<hbm>>
      tpu.wait_dma2 semaphore(%run_scoped3A_99 : memref<!tpu.dma_semaphore, #tpu.memory_space<semaphore_mem>>) src(%dma_wait3A_127 : memref<16x512xi32, #tpu.memory_space<hbm>>) dst(%dma_wait3A_124 : memref<16x512xi32, #tpu.memory_space<vmem>>)
      tpu.yield
    }) : () -> ()
    %run_scoped3A_4 = arith.constant 1 : i32
    %run_scoped3A_5 = arith.constant 1 : i32
    "tpu.region"() ({
      %run_scoped3A_99 = tpu.sem_alloc : memref<!tpu.dma_semaphore, #tpu.memory_space<semaphore_mem>>
      %dma_start3A_100 = arith.constant 0 : i32
      %dma_start3A_101 = arith.constant 0 : i32
      %dma_start3A_102 = tpu.memref_slice %arg5[%run_scoped3A_5, %dma_start3A_100, %dma_start3A_101] : memref<4x16x512xi32, #tpu.memory_space<vmem>> -> memref<1x16x512xi32, #tpu.memory_space<vmem>>
      %dma_start3A_103 = tpu.memref_squeeze %dma_start3A_102 : memref<1x16x512xi32, #tpu.memory_space<vmem>> -> memref<16x512xi32, #tpu.memory_space<vmem>>
      %dma_start3A_104 = arith.constant 0 : i32
      %dma_start3A_105 = tpu.memref_slice %arg3[%run_scoped3A_4, %mul3A_2, %dma_start3A_104] : memref<4x512x512xi32, #tpu.memory_space<hbm>> -> memref<1x16x512xi32, #tpu.memory_space<hbm>>
      %dma_start3A_106 = tpu.memref_squeeze %dma_start3A_105 : memref<1x16x512xi32, #tpu.memory_space<hbm>> -> memref<16x512xi32, #tpu.memory_space<hbm>>
      %dma_start3A_107 = arith.constant 0 : i32
      %dma_start3A_108 = arith.constant 0 : i32
      %dma_start3A_109 = tpu.memref_slice %arg5[%run_scoped3A_5, %dma_start3A_107, %dma_start3A_108] : memref<4x16x512xi32, #tpu.memory_space<vmem>> -> memref<1x16x512xi32, #tpu.memory_space<vmem>>
      %dma_start3A_110 = tpu.memref_squeeze %dma_start3A_109 : memref<1x16x512xi32, #tpu.memory_space<vmem>> -> memref<16x512xi32, #tpu.memory_space<vmem>>
      %dma_start3A_111 = arith.constant 0 : i32
      %dma_start3A_112 = tpu.memref_slice %arg3[%run_scoped3A_4, %mul3A_2, %dma_start3A_111] : memref<4x512x512xi32, #tpu.memory_space<hbm>> -> memref<1x16x512xi32, #tpu.memory_space<hbm>>
      %dma_start3A_113 = tpu.memref_squeeze %dma_start3A_112 : memref<1x16x512xi32, #tpu.memory_space<hbm>> -> memref<16x512xi32, #tpu.memory_space<hbm>>
      tpu.enqueue_dma source(%dma_start3A_113 : memref<16x512xi32, #tpu.memory_space<hbm>>) target(%dma_start3A_110 : memref<16x512xi32, #tpu.memory_space<vmem>>) target_semaphore(%run_scoped3A_99 : memref<!tpu.dma_semaphore, #tpu.memory_space<semaphore_mem>>)
      %dma_wait3A_114 = arith.constant 0 : i32
      %dma_wait3A_115 = arith.constant 0 : i32
      %dma_wait3A_116 = tpu.memref_slice %arg5[%run_scoped3A_5, %dma_wait3A_114, %dma_wait3A_115] : memref<4x16x512xi32, #tpu.memory_space<vmem>> -> memref<1x16x512xi32, #tpu.memory_space<vmem>>
      %dma_wait3A_117 = tpu.memref_squeeze %dma_wait3A_116 : memref<1x16x512xi32, #tpu.memory_space<vmem>> -> memref<16x512xi32, #tpu.memory_space<vmem>>
      %dma_wait3A_118 = arith.constant 0 : i32
      %dma_wait3A_119 = tpu.memref_slice %arg3[%run_scoped3A_4, %mul3A_2, %dma_wait3A_118] : memref<4x512x512xi32, #tpu.memory_space<hbm>> -> memref<1x16x512xi32, #tpu.memory_space<hbm>>
      %dma_wait3A_120 = tpu.memref_squeeze %dma_wait3A_119 : memref<1x16x512xi32, #tpu.memory_space<hbm>> -> memref<16x512xi32, #tpu.memory_space<hbm>>
      %dma_wait3A_121 = arith.constant 0 : i32
      %dma_wait3A_122 = arith.constant 0 : i32
      %dma_wait3A_123 = tpu.memref_slice %arg5[%run_scoped3A_5, %dma_wait3A_121, %dma_wait3A_122] : memref<4x16x512xi32, #tpu.memory_space<vmem>> -> memref<1x16x512xi32, #tpu.memory_space<vmem>>
      %dma_wait3A_124 = tpu.memref_squeeze %dma_wait3A_123 : memref<1x16x512xi32, #tpu.memory_space<vmem>> -> memref<16x512xi32, #tpu.memory_space<vmem>>
      %dma_wait3A_125 = arith.constant 0 : i32
      %dma_wait3A_126 = tpu.memref_slice %arg3[%run_scoped3A_4, %mul3A_2, %dma_wait3A_125] : memref<4x512x512xi32, #tpu.memory_space<hbm>> -> memref<1x16x512xi32, #tpu.memory_space<hbm>>
      %dma_wait3A_127 = tpu.memref_squeeze %dma_wait3A_126 : memref<1x16x512xi32, #tpu.memory_space<hbm>> -> memref<16x512xi32, #tpu.memory_space<hbm>>
      tpu.wait_dma2 semaphore(%run_scoped3A_99 : memref<!tpu.dma_semaphore, #tpu.memory_space<semaphore_mem>>) src(%dma_wait3A_127 : memref<16x512xi32, #tpu.memory_space<hbm>>) dst(%dma_wait3A_124 : memref<16x512xi32, #tpu.memory_space<vmem>>)
      tpu.yield
    }) : () -> ()
    %run_scoped3A_6 = arith.constant 2 : i32
    %run_scoped3A_7 = arith.constant 2 : i32
    "tpu.region"() ({
      %run_scoped3A_99 = tpu.sem_alloc : memref<!tpu.dma_semaphore, #tpu.memory_space<semaphore_mem>>
      %dma_start3A_100 = arith.constant 0 : i32
      %dma_start3A_101 = arith.constant 0 : i32
      %dma_start3A_102 = tpu.memref_slice %arg5[%run_scoped3A_7, %dma_start3A_100, %dma_start3A_101] : memref<4x16x512xi32, #tpu.memory_space<vmem>> -> memref<1x16x512xi32, #tpu.memory_space<vmem>>
      %dma_start3A_103 = tpu.memref_squeeze %dma_start3A_102 : memref<1x16x512xi32, #tpu.memory_space<vmem>> -> memref<16x512xi32, #tpu.memory_space<vmem>>
      %dma_start3A_104 = arith.constant 0 : i32
      %dma_start3A_105 = tpu.memref_slice %arg3[%run_scoped3A_6, %mul3A_2, %dma_start3A_104] : memref<4x512x512xi32, #tpu.memory_space<hbm>> -> memref<1x16x512xi32, #tpu.memory_space<hbm>>
      %dma_start3A_106 = tpu.memref_squeeze %dma_start3A_105 : memref<1x16x512xi32, #tpu.memory_space<hbm>> -> memref<16x512xi32, #tpu.memory_space<hbm>>
      %dma_start3A_107 = arith.constant 0 : i32
      %dma_start3A_108 = arith.constant 0 : i32
      %dma_start3A_109 = tpu.memref_slice %arg5[%run_scoped3A_7, %dma_start3A_107, %dma_start3A_108] : memref<4x16x512xi32, #tpu.memory_space<vmem>> -> memref<1x16x512xi32, #tpu.memory_space<vmem>>
      %dma_start3A_110 = tpu.memref_squeeze %dma_start3A_109 : memref<1x16x512xi32, #tpu.memory_space<vmem>> -> memref<16x512xi32, #tpu.memory_space<vmem>>
      %dma_start3A_111 = arith.constant 0 : i32
      %dma_start3A_112 = tpu.memref_slice %arg3[%run_scoped3A_6, %mul3A_2, %dma_start3A_111] : memref<4x512x512xi32, #tpu.memory_space<hbm>> -> memref<1x16x512xi32, #tpu.memory_space<hbm>>
      %dma_start3A_113 = tpu.memref_squeeze %dma_start3A_112 : memref<1x16x512xi32, #tpu.memory_space<hbm>> -> memref<16x512xi32, #tpu.memory_space<hbm>>
      tpu.enqueue_dma source(%dma_start3A_113 : memref<16x512xi32, #tpu.memory_space<hbm>>) target(%dma_start3A_110 : memref<16x512xi32, #tpu.memory_space<vmem>>) target_semaphore(%run_scoped3A_99 : memref<!tpu.dma_semaphore, #tpu.memory_space<semaphore_mem>>)
      %dma_wait3A_114 = arith.constant 0 : i32
      %dma_wait3A_115 = arith.constant 0 : i32
      %dma_wait3A_116 = tpu.memref_slice %arg5[%run_scoped3A_7, %dma_wait3A_114, %dma_wait3A_115] : memref<4x16x512xi32, #tpu.memory_space<vmem>> -> memref<1x16x512xi32, #tpu.memory_space<vmem>>
      %dma_wait3A_117 = tpu.memref_squeeze %dma_wait3A_116 : memref<1x16x512xi32, #tpu.memory_space<vmem>> -> memref<16x512xi32, #tpu.memory_space<vmem>>
      %dma_wait3A_118 = arith.constant 0 : i32
      %dma_wait3A_119 = tpu.memref_slice %arg3[%run_scoped3A_6, %mul3A_2, %dma_wait3A_118] : memref<4x512x512xi32, #tpu.memory_space<hbm>> -> memref<1x16x512xi32, #tpu.memory_space<hbm>>
      %dma_wait3A_120 = tpu.memref_squeeze %dma_wait3A_119 : memref<1x16x512xi32, #tpu.memory_space<hbm>> -> memref<16x512xi32, #tpu.memory_space<hbm>>
      %dma_wait3A_121 = arith.constant 0 : i32
      %dma_wait3A_122 = arith.constant 0 : i32
      %dma_wait3A_123 = tpu.memref_slice %arg5[%run_scoped3A_7, %dma_wait3A_121, %dma_wait3A_122] : memref<4x16x512xi32, #tpu.memory_space<vmem>> -> memref<1x16x512xi32, #tpu.memory_space<vmem>>
      %dma_wait3A_124 = tpu.memref_squeeze %dma_wait3A_123 : memref<1x16x512xi32, #tpu.memory_space<vmem>> -> memref<16x512xi32, #tpu.memory_space<vmem>>
      %dma_wait3A_125 = arith.constant 0 : i32
      %dma_wait3A_126 = tpu.memref_slice %arg3[%run_scoped3A_6, %mul3A_2, %dma_wait3A_125] : memref<4x512x512xi32, #tpu.memory_space<hbm>> -> memref<1x16x512xi32, #tpu.memory_space<hbm>>
      %dma_wait3A_127 = tpu.memref_squeeze %dma_wait3A_126 : memref<1x16x512xi32, #tpu.memory_space<hbm>> -> memref<16x512xi32, #tpu.memory_space<hbm>>
      tpu.wait_dma2 semaphore(%run_scoped3A_99 : memref<!tpu.dma_semaphore, #tpu.memory_space<semaphore_mem>>) src(%dma_wait3A_127 : memref<16x512xi32, #tpu.memory_space<hbm>>) dst(%dma_wait3A_124 : memref<16x512xi32, #tpu.memory_space<vmem>>)
      tpu.yield
    }) : () -> ()
    %run_scoped3A_8 = arith.constant 3 : i32
    %run_scoped3A_9 = arith.constant 3 : i32
    "tpu.region"() ({
      %run_scoped3A_99 = tpu.sem_alloc : memref<!tpu.dma_semaphore, #tpu.memory_space<semaphore_mem>>
      %dma_start3A_100 = arith.constant 0 : i32
      %dma_start3A_101 = arith.constant 0 : i32
      %dma_start3A_102 = tpu.memref_slice %arg5[%run_scoped3A_9, %dma_start3A_100, %dma_start3A_101] : memref<4x16x512xi32, #tpu.memory_space<vmem>> -> memref<1x16x512xi32, #tpu.memory_space<vmem>>
      %dma_start3A_103 = tpu.memref_squeeze %dma_start3A_102 : memref<1x16x512xi32, #tpu.memory_space<vmem>> -> memref<16x512xi32, #tpu.memory_space<vmem>>
      %dma_start3A_104 = arith.constant 0 : i32
      %dma_start3A_105 = tpu.memref_slice %arg3[%run_scoped3A_8, %mul3A_2, %dma_start3A_104] : memref<4x512x512xi32, #tpu.memory_space<hbm>> -> memref<1x16x512xi32, #tpu.memory_space<hbm>>
      %dma_start3A_106 = tpu.memref_squeeze %dma_start3A_105 : memref<1x16x512xi32, #tpu.memory_space<hbm>> -> memref<16x512xi32, #tpu.memory_space<hbm>>
      %dma_start3A_107 = arith.constant 0 : i32
      %dma_start3A_108 = arith.constant 0 : i32
      %dma_start3A_109 = tpu.memref_slice %arg5[%run_scoped3A_9, %dma_start3A_107, %dma_start3A_108] : memref<4x16x512xi32, #tpu.memory_space<vmem>> -> memref<1x16x512xi32, #tpu.memory_space<vmem>>
      %dma_start3A_110 = tpu.memref_squeeze %dma_start3A_109 : memref<1x16x512xi32, #tpu.memory_space<vmem>> -> memref<16x512xi32, #tpu.memory_space<vmem>>
      %dma_start3A_111 = arith.constant 0 : i32
      %dma_start3A_112 = tpu.memref_slice %arg3[%run_scoped3A_8, %mul3A_2, %dma_start3A_111] : memref<4x512x512xi32, #tpu.memory_space<hbm>> -> memref<1x16x512xi32, #tpu.memory_space<hbm>>
      %dma_start3A_113 = tpu.memref_squeeze %dma_start3A_112 : memref<1x16x512xi32, #tpu.memory_space<hbm>> -> memref<16x512xi32, #tpu.memory_space<hbm>>
      tpu.enqueue_dma source(%dma_start3A_113 : memref<16x512xi32, #tpu.memory_space<hbm>>) target(%dma_start3A_110 : memref<16x512xi32, #tpu.memory_space<vmem>>) target_semaphore(%run_scoped3A_99 : memref<!tpu.dma_semaphore, #tpu.memory_space<semaphore_mem>>)
      %dma_wait3A_114 = arith.constant 0 : i32
      %dma_wait3A_115 = arith.constant 0 : i32
      %dma_wait3A_116 = tpu.memref_slice %arg5[%run_scoped3A_9, %dma_wait3A_114, %dma_wait3A_115] : memref<4x16x512xi32, #tpu.memory_space<vmem>> -> memref<1x16x512xi32, #tpu.memory_space<vmem>>
      %dma_wait3A_117 = tpu.memref_squeeze %dma_wait3A_116 : memref<1x16x512xi32, #tpu.memory_space<vmem>> -> memref<16x512xi32, #tpu.memory_space<vmem>>
      %dma_wait3A_118 = arith.constant 0 : i32
      %dma_wait3A_119 = tpu.memref_slice %arg3[%run_scoped3A_8, %mul3A_2, %dma_wait3A_118] : memref<4x512x512xi32, #tpu.memory_space<hbm>> -> memref<1x16x512xi32, #tpu.memory_space<hbm>>
      %dma_wait3A_120 = tpu.memref_squeeze %dma_wait3A_119 : memref<1x16x512xi32, #tpu.memory_space<hbm>> -> memref<16x512xi32, #tpu.memory_space<hbm>>
      %dma_wait3A_121 = arith.constant 0 : i32
      %dma_wait3A_122 = arith.constant 0 : i32
      %dma_wait3A_123 = tpu.memref_slice %arg5[%run_scoped3A_9, %dma_wait3A_121, %dma_wait3A_122] : memref<4x16x512xi32, #tpu.memory_space<vmem>> -> memref<1x16x512xi32, #tpu.memory_space<vmem>>
      %dma_wait3A_124 = tpu.memref_squeeze %dma_wait3A_123 : memref<1x16x512xi32, #tpu.memory_space<vmem>> -> memref<16x512xi32, #tpu.memory_space<vmem>>
      %dma_wait3A_125 = arith.constant 0 : i32
      %dma_wait3A_126 = tpu.memref_slice %arg3[%run_scoped3A_8, %mul3A_2, %dma_wait3A_125] : memref<4x512x512xi32, #tpu.memory_space<hbm>> -> memref<1x16x512xi32, #tpu.memory_space<hbm>>
      %dma_wait3A_127 = tpu.memref_squeeze %dma_wait3A_126 : memref<1x16x512xi32, #tpu.memory_space<hbm>> -> memref<16x512xi32, #tpu.memory_space<hbm>>
      tpu.wait_dma2 semaphore(%run_scoped3A_99 : memref<!tpu.dma_semaphore, #tpu.memory_space<semaphore_mem>>) src(%dma_wait3A_127 : memref<16x512xi32, #tpu.memory_space<hbm>>) dst(%dma_wait3A_124 : memref<16x512xi32, #tpu.memory_space<vmem>>)
      tpu.yield
    }) : () -> ()
    %dma_start3A = arith.constant 0 : i32
    %dma_start3A_10 = arith.constant 0 : i32
    %dma_start3A_11 = arith.constant 0 : i32
    %dma_start3A_12 = arith.constant 0 : i32
    %dma_start3A_13 = arith.constant 0 : i32
    %dma_start3A_14 = arith.constant 0 : i32
    %dma_start3A_15 = tpu.memref_slice %arg6[%dma_start3A_11, %dma_start3A_12, %dma_start3A_13, %dma_start3A_14] : memref<2x4x16x512xf32, #tpu.memory_space<vmem>> -> memref<1x1x16x512xf32, #tpu.memory_space<vmem>>
    %dma_start3A_16 = tpu.memref_squeeze %dma_start3A_15 : memref<1x1x16x512xf32, #tpu.memory_space<vmem>> -> memref<16x512xf32, #tpu.memory_space<vmem>>
    %dma_start3A_17 = arith.constant 0 : i32
    %dma_start3A_18 = tpu.memref_slice %arg2[%dma_start3A, %dma_start3A_10, %mul3A_2, %dma_start3A_17] : memref<4x21x512x512xf32, #tpu.memory_space<hbm>> -> memref<1x1x16x512xf32, #tpu.memory_space<hbm>>
    %dma_start3A_19 = tpu.memref_squeeze %dma_start3A_18 : memref<1x1x16x512xf32, #tpu.memory_space<hbm>> -> memref<16x512xf32, #tpu.memory_space<hbm>>
    %dma_start3A_20 = arith.constant 0 : i32
    %dma_start3A_21 = arith.constant 0 : i32
    %dma_start3A_22 = tpu.memref_slice %arg6[%dma_start3A_11, %dma_start3A_12, %dma_start3A_20, %dma_start3A_21] : memref<2x4x16x512xf32, #tpu.memory_space<vmem>> -> memref<1x1x16x512xf32, #tpu.memory_space<vmem>>
    %dma_start3A_23 = tpu.memref_squeeze %dma_start3A_22 : memref<1x1x16x512xf32, #tpu.memory_space<vmem>> -> memref<16x512xf32, #tpu.memory_space<vmem>>
    %dma_start3A_24 = arith.constant 0 : i32
    %dma_start3A_25 = tpu.memref_slice %arg2[%dma_start3A, %dma_start3A_10, %mul3A_2, %dma_start3A_24] : memref<4x21x512x512xf32, #tpu.memory_space<hbm>> -> memref<1x1x16x512xf32, #tpu.memory_space<hbm>>
    %dma_start3A_26 = tpu.memref_squeeze %dma_start3A_25 : memref<1x1x16x512xf32, #tpu.memory_space<hbm>> -> memref<16x512xf32, #tpu.memory_space<hbm>>
    tpu.enqueue_dma source(%dma_start3A_26 : memref<16x512xf32, #tpu.memory_space<hbm>>) target(%dma_start3A_23 : memref<16x512xf32, #tpu.memory_space<vmem>>) target_semaphore(%arg9 : memref<!tpu.dma_semaphore, #tpu.memory_space<semaphore_mem>>)
    %dma_start3A_27 = arith.constant 1 : i32
    %dma_start3A_28 = arith.constant 0 : i32
    %dma_start3A_29 = arith.constant 0 : i32
    %dma_start3A_30 = arith.constant 1 : i32
    %dma_start3A_31 = arith.constant 0 : i32
    %dma_start3A_32 = arith.constant 0 : i32
    %dma_start3A_33 = tpu.memref_slice %arg6[%dma_start3A_29, %dma_start3A_30, %dma_start3A_31, %dma_start3A_32] : memref<2x4x16x512xf32, #tpu.memory_space<vmem>> -> memref<1x1x16x512xf32, #tpu.memory_space<vmem>>
    %dma_start3A_34 = tpu.memref_squeeze %dma_start3A_33 : memref<1x1x16x512xf32, #tpu.memory_space<vmem>> -> memref<16x512xf32, #tpu.memory_space<vmem>>
    %dma_start3A_35 = arith.constant 0 : i32
    %dma_start3A_36 = tpu.memref_slice %arg2[%dma_start3A_27, %dma_start3A_28, %mul3A_2, %dma_start3A_35] : memref<4x21x512x512xf32, #tpu.memory_space<hbm>> -> memref<1x1x16x512xf32, #tpu.memory_space<hbm>>
    %dma_start3A_37 = tpu.memref_squeeze %dma_start3A_36 : memref<1x1x16x512xf32, #tpu.memory_space<hbm>> -> memref<16x512xf32, #tpu.memory_space<hbm>>
    %dma_start3A_38 = arith.constant 0 : i32
    %dma_start3A_39 = arith.constant 0 : i32
    %dma_start3A_40 = tpu.memref_slice %arg6[%dma_start3A_29, %dma_start3A_30, %dma_start3A_38, %dma_start3A_39] : memref<2x4x16x512xf32, #tpu.memory_space<vmem>> -> memref<1x1x16x512xf32, #tpu.memory_space<vmem>>
    %dma_start3A_41 = tpu.memref_squeeze %dma_start3A_40 : memref<1x1x16x512xf32, #tpu.memory_space<vmem>> -> memref<16x512xf32, #tpu.memory_space<vmem>>
    %dma_start3A_42 = arith.constant 0 : i32
    %dma_start3A_43 = tpu.memref_slice %arg2[%dma_start3A_27, %dma_start3A_28, %mul3A_2, %dma_start3A_42] : memref<4x21x512x512xf32, #tpu.memory_space<hbm>> -> memref<1x1x16x512xf32, #tpu.memory_space<hbm>>
    %dma_start3A_44 = tpu.memref_squeeze %dma_start3A_43 : memref<1x1x16x512xf32, #tpu.memory_space<hbm>> -> memref<16x512xf32, #tpu.memory_space<hbm>>
    tpu.enqueue_dma source(%dma_start3A_44 : memref<16x512xf32, #tpu.memory_space<hbm>>) target(%dma_start3A_41 : memref<16x512xf32, #tpu.memory_space<vmem>>) target_semaphore(%arg10 : memref<!tpu.dma_semaphore, #tpu.memory_space<semaphore_mem>>)
    %dma_start3A_45 = arith.constant 2 : i32
    %dma_start3A_46 = arith.constant 0 : i32
    %dma_start3A_47 = arith.constant 0 : i32
    %dma_start3A_48 = arith.constant 2 : i32
    %dma_start3A_49 = arith.constant 0 : i32
    %dma_start3A_50 = arith.constant 0 : i32
    %dma_start3A_51 = tpu.memref_slice %arg6[%dma_start3A_47, %dma_start3A_48, %dma_start3A_49, %dma_start3A_50] : memref<2x4x16x512xf32, #tpu.memory_space<vmem>> -> memref<1x1x16x512xf32, #tpu.memory_space<vmem>>
    %dma_start3A_52 = tpu.memref_squeeze %dma_start3A_51 : memref<1x1x16x512xf32, #tpu.memory_space<vmem>> -> memref<16x512xf32, #tpu.memory_space<vmem>>
    %dma_start3A_53 = arith.constant 0 : i32
    %dma_start3A_54 = tpu.memref_slice %arg2[%dma_start3A_45, %dma_start3A_46, %mul3A_2, %dma_start3A_53] : memref<4x21x512x512xf32, #tpu.memory_space<hbm>> -> memref<1x1x16x512xf32, #tpu.memory_space<hbm>>
    %dma_start3A_55 = tpu.memref_squeeze %dma_start3A_54 : memref<1x1x16x512xf32, #tpu.memory_space<hbm>> -> memref<16x512xf32, #tpu.memory_space<hbm>>
    %dma_start3A_56 = arith.constant 0 : i32
    %dma_start3A_57 = arith.constant 0 : i32
    %dma_start3A_58 = tpu.memref_slice %arg6[%dma_start3A_47, %dma_start3A_48, %dma_start3A_56, %dma_start3A_57] : memref<2x4x16x512xf32, #tpu.memory_space<vmem>> -> memref<1x1x16x512xf32, #tpu.memory_space<vmem>>
    %dma_start3A_59 = tpu.memref_squeeze %dma_start3A_58 : memref<1x1x16x512xf32, #tpu.memory_space<vmem>> -> memref<16x512xf32, #tpu.memory_space<vmem>>
    %dma_start3A_60 = arith.constant 0 : i32
    %dma_start3A_61 = tpu.memref_slice %arg2[%dma_start3A_45, %dma_start3A_46, %mul3A_2, %dma_start3A_60] : memref<4x21x512x512xf32, #tpu.memory_space<hbm>> -> memref<1x1x16x512xf32, #tpu.memory_space<hbm>>
    %dma_start3A_62 = tpu.memref_squeeze %dma_start3A_61 : memref<1x1x16x512xf32, #tpu.memory_space<hbm>> -> memref<16x512xf32, #tpu.memory_space<hbm>>
    tpu.enqueue_dma source(%dma_start3A_62 : memref<16x512xf32, #tpu.memory_space<hbm>>) target(%dma_start3A_59 : memref<16x512xf32, #tpu.memory_space<vmem>>) target_semaphore(%arg11 : memref<!tpu.dma_semaphore, #tpu.memory_space<semaphore_mem>>)
    %dma_start3A_63 = arith.constant 3 : i32
    %dma_start3A_64 = arith.constant 0 : i32
    %dma_start3A_65 = arith.constant 0 : i32
    %dma_start3A_66 = arith.constant 3 : i32
    %dma_start3A_67 = arith.constant 0 : i32
    %dma_start3A_68 = arith.constant 0 : i32
    %dma_start3A_69 = tpu.memref_slice %arg6[%dma_start3A_65, %dma_start3A_66, %dma_start3A_67, %dma_start3A_68] : memref<2x4x16x512xf32, #tpu.memory_space<vmem>> -> memref<1x1x16x512xf32, #tpu.memory_space<vmem>>
    %dma_start3A_70 = tpu.memref_squeeze %dma_start3A_69 : memref<1x1x16x512xf32, #tpu.memory_space<vmem>> -> memref<16x512xf32, #tpu.memory_space<vmem>>
    %dma_start3A_71 = arith.constant 0 : i32
    %dma_start3A_72 = tpu.memref_slice %arg2[%dma_start3A_63, %dma_start3A_64, %mul3A_2, %dma_start3A_71] : memref<4x21x512x512xf32, #tpu.memory_space<hbm>> -> memref<1x1x16x512xf32, #tpu.memory_space<hbm>>
    %dma_start3A_73 = tpu.memref_squeeze %dma_start3A_72 : memref<1x1x16x512xf32, #tpu.memory_space<hbm>> -> memref<16x512xf32, #tpu.memory_space<hbm>>
    %dma_start3A_74 = arith.constant 0 : i32
    %dma_start3A_75 = arith.constant 0 : i32
    %dma_start3A_76 = tpu.memref_slice %arg6[%dma_start3A_65, %dma_start3A_66, %dma_start3A_74, %dma_start3A_75] : memref<2x4x16x512xf32, #tpu.memory_space<vmem>> -> memref<1x1x16x512xf32, #tpu.memory_space<vmem>>
    %dma_start3A_77 = tpu.memref_squeeze %dma_start3A_76 : memref<1x1x16x512xf32, #tpu.memory_space<vmem>> -> memref<16x512xf32, #tpu.memory_space<vmem>>
    %dma_start3A_78 = arith.constant 0 : i32
    %dma_start3A_79 = tpu.memref_slice %arg2[%dma_start3A_63, %dma_start3A_64, %mul3A_2, %dma_start3A_78] : memref<4x21x512x512xf32, #tpu.memory_space<hbm>> -> memref<1x1x16x512xf32, #tpu.memory_space<hbm>>
    %dma_start3A_80 = tpu.memref_squeeze %dma_start3A_79 : memref<1x1x16x512xf32, #tpu.memory_space<hbm>> -> memref<16x512xf32, #tpu.memory_space<hbm>>
    tpu.enqueue_dma source(%dma_start3A_80 : memref<16x512xf32, #tpu.memory_space<hbm>>) target(%dma_start3A_77 : memref<16x512xf32, #tpu.memory_space<vmem>>) target_semaphore(%arg12 : memref<!tpu.dma_semaphore, #tpu.memory_space<semaphore_mem>>)
    %scan3A = arith.constant 0 : i32
    %scan3A_81 = arith.constant 0 : i32
    %scan3A_82 = arith.constant 21 : i32
    %scan3A_83 = arith.addi %scan3A_81, %scan3A_82 : i32
    %scan3A_84 = arith.constant 1 : i32
    scf.for %scan3A_99 = %scan3A_81 to %scan3A_83 step %scan3A_84  : i32 {
      %rem3A = arith.constant 2 : i32
      %rem3A_100 = arith.remsi %scan3A_99, %rem3A : i32
      %dma_wait3A_101 = arith.constant 0 : i32
      %dma_wait3A_102 = arith.constant 0 : i32
      %dma_wait3A_103 = arith.constant 0 : i32
      %dma_wait3A_104 = arith.constant 0 : i32
      %dma_wait3A_105 = tpu.memref_slice %arg6[%rem3A_100, %dma_wait3A_102, %dma_wait3A_103, %dma_wait3A_104] : memref<2x4x16x512xf32, #tpu.memory_space<vmem>> -> memref<1x1x16x512xf32, #tpu.memory_space<vmem>>
      %dma_wait3A_106 = tpu.memref_squeeze %dma_wait3A_105 : memref<1x1x16x512xf32, #tpu.memory_space<vmem>> -> memref<16x512xf32, #tpu.memory_space<vmem>>
      %dma_wait3A_107 = arith.constant 0 : i32
      %dma_wait3A_108 = tpu.memref_slice %arg2[%dma_wait3A_101, %scan3A_99, %mul3A_2, %dma_wait3A_107] : memref<4x21x512x512xf32, #tpu.memory_space<hbm>> -> memref<1x1x16x512xf32, #tpu.memory_space<hbm>>
      %dma_wait3A_109 = tpu.memref_squeeze %dma_wait3A_108 : memref<1x1x16x512xf32, #tpu.memory_space<hbm>> -> memref<16x512xf32, #tpu.memory_space<hbm>>
      %dma_wait3A_110 = arith.constant 0 : i32
      %dma_wait3A_111 = arith.constant 0 : i32
      %dma_wait3A_112 = tpu.memref_slice %arg6[%rem3A_100, %dma_wait3A_102, %dma_wait3A_110, %dma_wait3A_111] : memref<2x4x16x512xf32, #tpu.memory_space<vmem>> -> memref<1x1x16x512xf32, #tpu.memory_space<vmem>>
      %dma_wait3A_113 = tpu.memref_squeeze %dma_wait3A_112 : memref<1x1x16x512xf32, #tpu.memory_space<vmem>> -> memref<16x512xf32, #tpu.memory_space<vmem>>
      %dma_wait3A_114 = arith.constant 0 : i32
      %dma_wait3A_115 = tpu.memref_slice %arg2[%dma_wait3A_101, %scan3A_99, %mul3A_2, %dma_wait3A_114] : memref<4x21x512x512xf32, #tpu.memory_space<hbm>> -> memref<1x1x16x512xf32, #tpu.memory_space<hbm>>
      %dma_wait3A_116 = tpu.memref_squeeze %dma_wait3A_115 : memref<1x1x16x512xf32, #tpu.memory_space<hbm>> -> memref<16x512xf32, #tpu.memory_space<hbm>>
      tpu.wait_dma2 semaphore(%arg9 : memref<!tpu.dma_semaphore, #tpu.memory_space<semaphore_mem>>) src(%dma_wait3A_116 : memref<16x512xf32, #tpu.memory_space<hbm>>) dst(%dma_wait3A_113 : memref<16x512xf32, #tpu.memory_space<vmem>>)
      %dma_wait3A_117 = arith.constant 1 : i32
      %dma_wait3A_118 = arith.constant 1 : i32
      %dma_wait3A_119 = arith.constant 0 : i32
      %dma_wait3A_120 = arith.constant 0 : i32
      %dma_wait3A_121 = tpu.memref_slice %arg6[%rem3A_100, %dma_wait3A_118, %dma_wait3A_119, %dma_wait3A_120] : memref<2x4x16x512xf32, #tpu.memory_space<vmem>> -> memref<1x1x16x512xf32, #tpu.memory_space<vmem>>
      %dma_wait3A_122 = tpu.memref_squeeze %dma_wait3A_121 : memref<1x1x16x512xf32, #tpu.memory_space<vmem>> -> memref<16x512xf32, #tpu.memory_space<vmem>>
      %dma_wait3A_123 = arith.constant 0 : i32
      %dma_wait3A_124 = tpu.memref_slice %arg2[%dma_wait3A_117, %scan3A_99, %mul3A_2, %dma_wait3A_123] : memref<4x21x512x512xf32, #tpu.memory_space<hbm>> -> memref<1x1x16x512xf32, #tpu.memory_space<hbm>>
      %dma_wait3A_125 = tpu.memref_squeeze %dma_wait3A_124 : memref<1x1x16x512xf32, #tpu.memory_space<hbm>> -> memref<16x512xf32, #tpu.memory_space<hbm>>
      %dma_wait3A_126 = arith.constant 0 : i32
      %dma_wait3A_127 = arith.constant 0 : i32
      %dma_wait3A_128 = tpu.memref_slice %arg6[%rem3A_100, %dma_wait3A_118, %dma_wait3A_126, %dma_wait3A_127] : memref<2x4x16x512xf32, #tpu.memory_space<vmem>> -> memref<1x1x16x512xf32, #tpu.memory_space<vmem>>
      %dma_wait3A_129 = tpu.memref_squeeze %dma_wait3A_128 : memref<1x1x16x512xf32, #tpu.memory_space<vmem>> -> memref<16x512xf32, #tpu.memory_space<vmem>>
      %dma_wait3A_130 = arith.constant 0 : i32
      %dma_wait3A_131 = tpu.memref_slice %arg2[%dma_wait3A_117, %scan3A_99, %mul3A_2, %dma_wait3A_130] : memref<4x21x512x512xf32, #tpu.memory_space<hbm>> -> memref<1x1x16x512xf32, #tpu.memory_space<hbm>>
      %dma_wait3A_132 = tpu.memref_squeeze %dma_wait3A_131 : memref<1x1x16x512xf32, #tpu.memory_space<hbm>> -> memref<16x512xf32, #tpu.memory_space<hbm>>
      tpu.wait_dma2 semaphore(%arg10 : memref<!tpu.dma_semaphore, #tpu.memory_space<semaphore_mem>>) src(%dma_wait3A_132 : memref<16x512xf32, #tpu.memory_space<hbm>>) dst(%dma_wait3A_129 : memref<16x512xf32, #tpu.memory_space<vmem>>)
      %dma_wait3A_133 = arith.constant 2 : i32
      %dma_wait3A_134 = arith.constant 2 : i32
      %dma_wait3A_135 = arith.constant 0 : i32
      %dma_wait3A_136 = arith.constant 0 : i32
      %dma_wait3A_137 = tpu.memref_slice %arg6[%rem3A_100, %dma_wait3A_134, %dma_wait3A_135, %dma_wait3A_136] : memref<2x4x16x512xf32, #tpu.memory_space<vmem>> -> memref<1x1x16x512xf32, #tpu.memory_space<vmem>>
      %dma_wait3A_138 = tpu.memref_squeeze %dma_wait3A_137 : memref<1x1x16x512xf32, #tpu.memory_space<vmem>> -> memref<16x512xf32, #tpu.memory_space<vmem>>
      %dma_wait3A_139 = arith.constant 0 : i32
      %dma_wait3A_140 = tpu.memref_slice %arg2[%dma_wait3A_133, %scan3A_99, %mul3A_2, %dma_wait3A_139] : memref<4x21x512x512xf32, #tpu.memory_space<hbm>> -> memref<1x1x16x512xf32, #tpu.memory_space<hbm>>
      %dma_wait3A_141 = tpu.memref_squeeze %dma_wait3A_140 : memref<1x1x16x512xf32, #tpu.memory_space<hbm>> -> memref<16x512xf32, #tpu.memory_space<hbm>>
      %dma_wait3A_142 = arith.constant 0 : i32
      %dma_wait3A_143 = arith.constant 0 : i32
      %dma_wait3A_144 = tpu.memref_slice %arg6[%rem3A_100, %dma_wait3A_134, %dma_wait3A_142, %dma_wait3A_143] : memref<2x4x16x512xf32, #tpu.memory_space<vmem>> -> memref<1x1x16x512xf32, #tpu.memory_space<vmem>>
      %dma_wait3A_145 = tpu.memref_squeeze %dma_wait3A_144 : memref<1x1x16x512xf32, #tpu.memory_space<vmem>> -> memref<16x512xf32, #tpu.memory_space<vmem>>
      %dma_wait3A_146 = arith.constant 0 : i32
      %dma_wait3A_147 = tpu.memref_slice %arg2[%dma_wait3A_133, %scan3A_99, %mul3A_2, %dma_wait3A_146] : memref<4x21x512x512xf32, #tpu.memory_space<hbm>> -> memref<1x1x16x512xf32, #tpu.memory_space<hbm>>
      %dma_wait3A_148 = tpu.memref_squeeze %dma_wait3A_147 : memref<1x1x16x512xf32, #tpu.memory_space<hbm>> -> memref<16x512xf32, #tpu.memory_space<hbm>>
      tpu.wait_dma2 semaphore(%arg11 : memref<!tpu.dma_semaphore, #tpu.memory_space<semaphore_mem>>) src(%dma_wait3A_148 : memref<16x512xf32, #tpu.memory_space<hbm>>) dst(%dma_wait3A_145 : memref<16x512xf32, #tpu.memory_space<vmem>>)
      %dma_wait3A_149 = arith.constant 3 : i32
      %dma_wait3A_150 = arith.constant 3 : i32
      %dma_wait3A_151 = arith.constant 0 : i32
      %dma_wait3A_152 = arith.constant 0 : i32
      %dma_wait3A_153 = tpu.memref_slice %arg6[%rem3A_100, %dma_wait3A_150, %dma_wait3A_151, %dma_wait3A_152] : memref<2x4x16x512xf32, #tpu.memory_space<vmem>> -> memref<1x1x16x512xf32, #tpu.memory_space<vmem>>
      %dma_wait3A_154 = tpu.memref_squeeze %dma_wait3A_153 : memref<1x1x16x512xf32, #tpu.memory_space<vmem>> -> memref<16x512xf32, #tpu.memory_space<vmem>>
      %dma_wait3A_155 = arith.constant 0 : i32
      %dma_wait3A_156 = tpu.memref_slice %arg2[%dma_wait3A_149, %scan3A_99, %mul3A_2, %dma_wait3A_155] : memref<4x21x512x512xf32, #tpu.memory_space<hbm>> -> memref<1x1x16x512xf32, #tpu.memory_space<hbm>>
      %dma_wait3A_157 = tpu.memref_squeeze %dma_wait3A_156 : memref<1x1x16x512xf32, #tpu.memory_space<hbm>> -> memref<16x512xf32, #tpu.memory_space<hbm>>
      %dma_wait3A_158 = arith.constant 0 : i32
      %dma_wait3A_159 = arith.constant 0 : i32
      %dma_wait3A_160 = tpu.memref_slice %arg6[%rem3A_100, %dma_wait3A_150, %dma_wait3A_158, %dma_wait3A_159] : memref<2x4x16x512xf32, #tpu.memory_space<vmem>> -> memref<1x1x16x512xf32, #tpu.memory_space<vmem>>
      %dma_wait3A_161 = tpu.memref_squeeze %dma_wait3A_160 : memref<1x1x16x512xf32, #tpu.memory_space<vmem>> -> memref<16x512xf32, #tpu.memory_space<vmem>>
      %dma_wait3A_162 = arith.constant 0 : i32
      %dma_wait3A_163 = tpu.memref_slice %arg2[%dma_wait3A_149, %scan3A_99, %mul3A_2, %dma_wait3A_162] : memref<4x21x512x512xf32, #tpu.memory_space<hbm>> -> memref<1x1x16x512xf32, #tpu.memory_space<hbm>>
      %dma_wait3A_164 = tpu.memref_squeeze %dma_wait3A_163 : memref<1x1x16x512xf32, #tpu.memory_space<hbm>> -> memref<16x512xf32, #tpu.memory_space<hbm>>
      tpu.wait_dma2 semaphore(%arg12 : memref<!tpu.dma_semaphore, #tpu.memory_space<semaphore_mem>>) src(%dma_wait3A_164 : memref<16x512xf32, #tpu.memory_space<hbm>>) dst(%dma_wait3A_161 : memref<16x512xf32, #tpu.memory_space<vmem>>)
      %add3A_165 = arith.constant 1 : i32
      %add3A_166 = arith.addi %scan3A_99, %add3A_165 : i32
      %lt3A = arith.constant 21 : i32
      %lt3A_167 = arith.cmpi slt, %add3A_166, %lt3A : i32
      %convert_element_type3A = arith.extui %lt3A_167 : i1 to i32
      %cond3A = arith.constant 0 : i32
      %cond3A_168 = arith.cmpi ne, %convert_element_type3A, %cond3A : i32
      scf.if %cond3A_168 {
        %add3A_178 = arith.constant 1 : i32
        %add3A_179 = arith.addi %scan3A_99, %add3A_178 : i32
        %sub3A = arith.constant 1 : i32
        %sub3A_180 = arith.subi %sub3A, %rem3A_100 : i32
        %dma_start3A_181 = arith.constant 0 : i32
        %dma_start3A_182 = arith.constant 0 : i32
        %dma_start3A_183 = arith.constant 0 : i32
        %dma_start3A_184 = arith.constant 0 : i32
        %dma_start3A_185 = tpu.memref_slice %arg6[%sub3A_180, %dma_start3A_182, %dma_start3A_183, %dma_start3A_184] : memref<2x4x16x512xf32, #tpu.memory_space<vmem>> -> memref<1x1x16x512xf32, #tpu.memory_space<vmem>>
        %dma_start3A_186 = tpu.memref_squeeze %dma_start3A_185 : memref<1x1x16x512xf32, #tpu.memory_space<vmem>> -> memref<16x512xf32, #tpu.memory_space<vmem>>
        %dma_start3A_187 = arith.constant 0 : i32
        %dma_start3A_188 = tpu.memref_slice %arg2[%dma_start3A_181, %add3A_179, %mul3A_2, %dma_start3A_187] : memref<4x21x512x512xf32, #tpu.memory_space<hbm>> -> memref<1x1x16x512xf32, #tpu.memory_space<hbm>>
        %dma_start3A_189 = tpu.memref_squeeze %dma_start3A_188 : memref<1x1x16x512xf32, #tpu.memory_space<hbm>> -> memref<16x512xf32, #tpu.memory_space<hbm>>
        %dma_start3A_190 = arith.constant 0 : i32
        %dma_start3A_191 = arith.constant 0 : i32
        %dma_start3A_192 = tpu.memref_slice %arg6[%sub3A_180, %dma_start3A_182, %dma_start3A_190, %dma_start3A_191] : memref<2x4x16x512xf32, #tpu.memory_space<vmem>> -> memref<1x1x16x512xf32, #tpu.memory_space<vmem>>
        %dma_start3A_193 = tpu.memref_squeeze %dma_start3A_192 : memref<1x1x16x512xf32, #tpu.memory_space<vmem>> -> memref<16x512xf32, #tpu.memory_space<vmem>>
        %dma_start3A_194 = arith.constant 0 : i32
        %dma_start3A_195 = tpu.memref_slice %arg2[%dma_start3A_181, %add3A_179, %mul3A_2, %dma_start3A_194] : memref<4x21x512x512xf32, #tpu.memory_space<hbm>> -> memref<1x1x16x512xf32, #tpu.memory_space<hbm>>
        %dma_start3A_196 = tpu.memref_squeeze %dma_start3A_195 : memref<1x1x16x512xf32, #tpu.memory_space<hbm>> -> memref<16x512xf32, #tpu.memory_space<hbm>>
        tpu.enqueue_dma source(%dma_start3A_196 : memref<16x512xf32, #tpu.memory_space<hbm>>) target(%dma_start3A_193 : memref<16x512xf32, #tpu.memory_space<vmem>>) target_semaphore(%arg9 : memref<!tpu.dma_semaphore, #tpu.memory_space<semaphore_mem>>)
        %add3A_197 = arith.constant 1 : i32
        %add3A_198 = arith.addi %scan3A_99, %add3A_197 : i32
        %sub3A_199 = arith.constant 1 : i32
        %sub3A_200 = arith.subi %sub3A_199, %rem3A_100 : i32
        %dma_start3A_201 = arith.constant 1 : i32
        %dma_start3A_202 = arith.constant 1 : i32
        %dma_start3A_203 = arith.constant 0 : i32
        %dma_start3A_204 = arith.constant 0 : i32
        %dma_start3A_205 = tpu.memref_slice %arg6[%sub3A_200, %dma_start3A_202, %dma_start3A_203, %dma_start3A_204] : memref<2x4x16x512xf32, #tpu.memory_space<vmem>> -> memref<1x1x16x512xf32, #tpu.memory_space<vmem>>
        %dma_start3A_206 = tpu.memref_squeeze %dma_start3A_205 : memref<1x1x16x512xf32, #tpu.memory_space<vmem>> -> memref<16x512xf32, #tpu.memory_space<vmem>>
        %dma_start3A_207 = arith.constant 0 : i32
        %dma_start3A_208 = tpu.memref_slice %arg2[%dma_start3A_201, %add3A_198, %mul3A_2, %dma_start3A_207] : memref<4x21x512x512xf32, #tpu.memory_space<hbm>> -> memref<1x1x16x512xf32, #tpu.memory_space<hbm>>
        %dma_start3A_209 = tpu.memref_squeeze %dma_start3A_208 : memref<1x1x16x512xf32, #tpu.memory_space<hbm>> -> memref<16x512xf32, #tpu.memory_space<hbm>>
        %dma_start3A_210 = arith.constant 0 : i32
        %dma_start3A_211 = arith.constant 0 : i32
        %dma_start3A_212 = tpu.memref_slice %arg6[%sub3A_200, %dma_start3A_202, %dma_start3A_210, %dma_start3A_211] : memref<2x4x16x512xf32, #tpu.memory_space<vmem>> -> memref<1x1x16x512xf32, #tpu.memory_space<vmem>>
        %dma_start3A_213 = tpu.memref_squeeze %dma_start3A_212 : memref<1x1x16x512xf32, #tpu.memory_space<vmem>> -> memref<16x512xf32, #tpu.memory_space<vmem>>
        %dma_start3A_214 = arith.constant 0 : i32
        %dma_start3A_215 = tpu.memref_slice %arg2[%dma_start3A_201, %add3A_198, %mul3A_2, %dma_start3A_214] : memref<4x21x512x512xf32, #tpu.memory_space<hbm>> -> memref<1x1x16x512xf32, #tpu.memory_space<hbm>>
        %dma_start3A_216 = tpu.memref_squeeze %dma_start3A_215 : memref<1x1x16x512xf32, #tpu.memory_space<hbm>> -> memref<16x512xf32, #tpu.memory_space<hbm>>
        tpu.enqueue_dma source(%dma_start3A_216 : memref<16x512xf32, #tpu.memory_space<hbm>>) target(%dma_start3A_213 : memref<16x512xf32, #tpu.memory_space<vmem>>) target_semaphore(%arg10 : memref<!tpu.dma_semaphore, #tpu.memory_space<semaphore_mem>>)
        %add3A_217 = arith.constant 1 : i32
        %add3A_218 = arith.addi %scan3A_99, %add3A_217 : i32
        %sub3A_219 = arith.constant 1 : i32
        %sub3A_220 = arith.subi %sub3A_219, %rem3A_100 : i32
        %dma_start3A_221 = arith.constant 2 : i32
        %dma_start3A_222 = arith.constant 2 : i32
        %dma_start3A_223 = arith.constant 0 : i32
        %dma_start3A_224 = arith.constant 0 : i32
        %dma_start3A_225 = tpu.memref_slice %arg6[%sub3A_220, %dma_start3A_222, %dma_start3A_223, %dma_start3A_224] : memref<2x4x16x512xf32, #tpu.memory_space<vmem>> -> memref<1x1x16x512xf32, #tpu.memory_space<vmem>>
        %dma_start3A_226 = tpu.memref_squeeze %dma_start3A_225 : memref<1x1x16x512xf32, #tpu.memory_space<vmem>> -> memref<16x512xf32, #tpu.memory_space<vmem>>
        %dma_start3A_227 = arith.constant 0 : i32
        %dma_start3A_228 = tpu.memref_slice %arg2[%dma_start3A_221, %add3A_218, %mul3A_2, %dma_start3A_227] : memref<4x21x512x512xf32, #tpu.memory_space<hbm>> -> memref<1x1x16x512xf32, #tpu.memory_space<hbm>>
        %dma_start3A_229 = tpu.memref_squeeze %dma_start3A_228 : memref<1x1x16x512xf32, #tpu.memory_space<hbm>> -> memref<16x512xf32, #tpu.memory_space<hbm>>
        %dma_start3A_230 = arith.constant 0 : i32
        %dma_start3A_231 = arith.constant 0 : i32
        %dma_start3A_232 = tpu.memref_slice %arg6[%sub3A_220, %dma_start3A_222, %dma_start3A_230, %dma_start3A_231] : memref<2x4x16x512xf32, #tpu.memory_space<vmem>> -> memref<1x1x16x512xf32, #tpu.memory_space<vmem>>
        %dma_start3A_233 = tpu.memref_squeeze %dma_start3A_232 : memref<1x1x16x512xf32, #tpu.memory_space<vmem>> -> memref<16x512xf32, #tpu.memory_space<vmem>>
        %dma_start3A_234 = arith.constant 0 : i32
        %dma_start3A_235 = tpu.memref_slice %arg2[%dma_start3A_221, %add3A_218, %mul3A_2, %dma_start3A_234] : memref<4x21x512x512xf32, #tpu.memory_space<hbm>> -> memref<1x1x16x512xf32, #tpu.memory_space<hbm>>
        %dma_start3A_236 = tpu.memref_squeeze %dma_start3A_235 : memref<1x1x16x512xf32, #tpu.memory_space<hbm>> -> memref<16x512xf32, #tpu.memory_space<hbm>>
        tpu.enqueue_dma source(%dma_start3A_236 : memref<16x512xf32, #tpu.memory_space<hbm>>) target(%dma_start3A_233 : memref<16x512xf32, #tpu.memory_space<vmem>>) target_semaphore(%arg11 : memref<!tpu.dma_semaphore, #tpu.memory_space<semaphore_mem>>)
        %add3A_237 = arith.constant 1 : i32
        %add3A_238 = arith.addi %scan3A_99, %add3A_237 : i32
        %sub3A_239 = arith.constant 1 : i32
        %sub3A_240 = arith.subi %sub3A_239, %rem3A_100 : i32
        %dma_start3A_241 = arith.constant 3 : i32
        %dma_start3A_242 = arith.constant 3 : i32
        %dma_start3A_243 = arith.constant 0 : i32
        %dma_start3A_244 = arith.constant 0 : i32
        %dma_start3A_245 = tpu.memref_slice %arg6[%sub3A_240, %dma_start3A_242, %dma_start3A_243, %dma_start3A_244] : memref<2x4x16x512xf32, #tpu.memory_space<vmem>> -> memref<1x1x16x512xf32, #tpu.memory_space<vmem>>
        %dma_start3A_246 = tpu.memref_squeeze %dma_start3A_245 : memref<1x1x16x512xf32, #tpu.memory_space<vmem>> -> memref<16x512xf32, #tpu.memory_space<vmem>>
        %dma_start3A_247 = arith.constant 0 : i32
        %dma_start3A_248 = tpu.memref_slice %arg2[%dma_start3A_241, %add3A_238, %mul3A_2, %dma_start3A_247] : memref<4x21x512x512xf32, #tpu.memory_space<hbm>> -> memref<1x1x16x512xf32, #tpu.memory_space<hbm>>
        %dma_start3A_249 = tpu.memref_squeeze %dma_start3A_248 : memref<1x1x16x512xf32, #tpu.memory_space<hbm>> -> memref<16x512xf32, #tpu.memory_space<hbm>>
        %dma_start3A_250 = arith.constant 0 : i32
        %dma_start3A_251 = arith.constant 0 : i32
        %dma_start3A_252 = tpu.memref_slice %arg6[%sub3A_240, %dma_start3A_242, %dma_start3A_250, %dma_start3A_251] : memref<2x4x16x512xf32, #tpu.memory_space<vmem>> -> memref<1x1x16x512xf32, #tpu.memory_space<vmem>>
        %dma_start3A_253 = tpu.memref_squeeze %dma_start3A_252 : memref<1x1x16x512xf32, #tpu.memory_space<vmem>> -> memref<16x512xf32, #tpu.memory_space<vmem>>
        %dma_start3A_254 = arith.constant 0 : i32
        %dma_start3A_255 = tpu.memref_slice %arg2[%dma_start3A_241, %add3A_238, %mul3A_2, %dma_start3A_254] : memref<4x21x512x512xf32, #tpu.memory_space<hbm>> -> memref<1x1x16x512xf32, #tpu.memory_space<hbm>>
        %dma_start3A_256 = tpu.memref_squeeze %dma_start3A_255 : memref<1x1x16x512xf32, #tpu.memory_space<hbm>> -> memref<16x512xf32, #tpu.memory_space<hbm>>
        tpu.enqueue_dma source(%dma_start3A_256 : memref<16x512xf32, #tpu.memory_space<hbm>>) target(%dma_start3A_253 : memref<16x512xf32, #tpu.memory_space<vmem>>) target_semaphore(%arg12 : memref<!tpu.dma_semaphore, #tpu.memory_space<semaphore_mem>>)
      } else {
      }
      %eq3A = arith.constant 0 : i32
      %eq3A_169 = arith.cmpi eq, %rem3A_100, %eq3A : i32
      %convert_element_type3A_170 = arith.extui %eq3A_169 : i1 to i32
      %cond3A_171 = arith.constant 0 : i32
      %cond3A_172 = arith.cmpi ne, %convert_element_type3A_170, %cond3A_171 : i32
      scf.if %cond3A_172 {
        %ge3A = arith.constant 2 : i32
        %ge3A_178 = arith.cmpi sge, %scan3A_99, %ge3A : i32
        %convert_element_type3A_179 = arith.extui %ge3A_178 : i1 to i32
        %cond3A_180 = arith.constant 0 : i32
        %cond3A_181 = arith.cmpi ne, %convert_element_type3A_179, %cond3A_180 : i32
        scf.if %cond3A_181 {
          %sub3A = arith.constant 2 : i32
          %sub3A_203 = arith.subi %scan3A_99, %sub3A : i32
          %dma_wait3A_204 = arith.constant 0 : i32
          %dma_wait3A_205 = tpu.memref_slice %arg4[%sub3A_203, %add3A, %dma_wait3A_204] : memref<21x32x4096xi32, #tpu.memory_space<hbm>> -> memref<1x1x4096xi32, #tpu.memory_space<hbm>>
          %dma_wait3A_206 = tpu.memref_squeeze %dma_wait3A_205 : memref<1x1x4096xi32, #tpu.memory_space<hbm>> -> memref<4096xi32, #tpu.memory_space<hbm>>
          %dma_wait3A_207 = arith.constant 0 : i32
          %dma_wait3A_208 = tpu.memref_slice %arg4[%sub3A_203, %add3A, %dma_wait3A_207] : memref<21x32x4096xi32, #tpu.memory_space<hbm>> -> memref<1x1x4096xi32, #tpu.memory_space<hbm>>
          %dma_wait3A_209 = tpu.memref_squeeze %dma_wait3A_208 : memref<1x1x4096xi32, #tpu.memory_space<hbm>> -> memref<4096xi32, #tpu.memory_space<hbm>>
          tpu.wait_dma2 semaphore(%arg13 : memref<!tpu.dma_semaphore, #tpu.memory_space<semaphore_mem>>) src(%arg7 : memref<4096xi32, #tpu.memory_space<vmem>>) dst(%dma_wait3A_209 : memref<4096xi32, #tpu.memory_space<hbm>>)
        } else {
        }
        %parallel_loop3A = arith.constant 0 : i32
        %parallel_loop3A_182 = arith.constant 256 : i32
        %parallel_loop3A_183 = arith.constant 1 : i32
        scf.for %parallel_loop3A_203 = %parallel_loop3A to %parallel_loop3A_182 step %parallel_loop3A_183  : i32 {
          %parallel_loop3A_204 = arith.constant 0 : i32
          %parallel_loop3A_205 = vector.broadcast %parallel_loop3A_204 : i32 to vector<16xi32>
          %parallel_loop3A_206 = arith.constant 16 : i32
          %parallel_loop3A_207 = arith.muli %parallel_loop3A_203, %parallel_loop3A_206 : i32
          %parallel_loop3A_208 = arith.index_cast %parallel_loop3A_207 : i32 to index
          %parallel_loop3A_209 = tpu.vector_load %arg7[%parallel_loop3A_208] {strides = array<i32>} : memref<4096xi32, #tpu.memory_space<vmem>>, vector<16xi32>,
          tpu.vector_store %arg7[%parallel_loop3A_208], %parallel_loop3A_205 {strides = array<i32>} : memref<4096xi32, #tpu.memory_space<vmem>>, vector<16xi32>,
        } {sc.loop_unroll_factor = 8 : i64, sc.parallel_access}
        %broadcast_in_dim3A = arith.constant 1 : i32
        %broadcast_in_dim3A_184 = vector.broadcast %broadcast_in_dim3A : i32 to vector<16xi32>
        %parallel_loop3A_185 = arith.constant 0 : i32
        %parallel_loop3A_186 = arith.constant 512 : i32
        %parallel_loop3A_187 = arith.constant 1 : i32
        scf.for %parallel_loop3A_203 = %parallel_loop3A_185 to %parallel_loop3A_186 step %parallel_loop3A_187  : i32 {
          %parallel_loop3A_204 = arith.constant 32 : i32
          %parallel_loop3A_205 = arith.divsi %parallel_loop3A_203, %parallel_loop3A_204 : i32
          %parallel_loop3A_206 = arith.constant 0 : i32
          %parallel_loop3A_207 = arith.cmpi sgt, %parallel_loop3A_203, %parallel_loop3A_206 : i32
          %parallel_loop3A_208 = arith.extui %parallel_loop3A_207 : i1 to i32
          %parallel_loop3A_209 = arith.constant 0 : i32
          %parallel_loop3A_210 = arith.cmpi slt, %parallel_loop3A_203, %parallel_loop3A_209 : i32
          %parallel_loop3A_211 = arith.extui %parallel_loop3A_210 : i1 to i32
          %parallel_loop3A_212 = arith.subi %parallel_loop3A_208, %parallel_loop3A_211 : i32
          %parallel_loop3A_213 = arith.constant 0 : i32
          %parallel_loop3A_214 = arith.cmpi sgt, %parallel_loop3A_204, %parallel_loop3A_213 : i32
          %parallel_loop3A_215 = arith.extui %parallel_loop3A_214 : i1 to i32
          %parallel_loop3A_216 = arith.constant 0 : i32
          %parallel_loop3A_217 = arith.cmpi slt, %parallel_loop3A_204, %parallel_loop3A_216 : i32
          %parallel_loop3A_218 = arith.extui %parallel_loop3A_217 : i1 to i32
          %parallel_loop3A_219 = arith.subi %parallel_loop3A_215, %parallel_loop3A_218 : i32
          %parallel_loop3A_220 = arith.cmpi ne, %parallel_loop3A_212, %parallel_loop3A_219 : i32
          %parallel_loop3A_221 = arith.remsi %parallel_loop3A_203, %parallel_loop3A_204 : i32
          %parallel_loop3A_222 = arith.constant 0 : i32
          %parallel_loop3A_223 = arith.cmpi ne, %parallel_loop3A_221, %parallel_loop3A_222 : i32
          %parallel_loop3A_224 = arith.andi %parallel_loop3A_220, %parallel_loop3A_223 : i1
          %parallel_loop3A_225 = arith.constant 1 : i32
          %parallel_loop3A_226 = arith.subi %parallel_loop3A_205, %parallel_loop3A_225 : i32
          %parallel_loop3A_227 = arith.select %parallel_loop3A_224, %parallel_loop3A_226, %parallel_loop3A_205 : i32
          %parallel_loop3A_228 = arith.constant 32 : i32
          %parallel_loop3A_229 = arith.remsi %parallel_loop3A_203, %parallel_loop3A_228 : i32
          %parallel_loop3A_230 = arith.constant 16 : i32
          %parallel_loop3A_231 = arith.muli %parallel_loop3A_229, %parallel_loop3A_230 : i32
          %parallel_loop3A_232 = arith.constant 0 : i32
          %parallel_loop3A_233 = arith.constant 0 : i32
          %parallel_loop3A_234 = arith.index_cast %parallel_loop3A_232 : i32 to index
          %parallel_loop3A_235 = arith.index_cast %parallel_loop3A_233 : i32 to index
          %parallel_loop3A_236 = arith.index_cast %parallel_loop3A_227 : i32 to index
          %parallel_loop3A_237 = arith.index_cast %parallel_loop3A_231 : i32 to index
          %parallel_loop3A_238 = tpu.vector_load %arg6[%parallel_loop3A_234, %parallel_loop3A_235, %parallel_loop3A_236, %parallel_loop3A_237] {strides = array<i32>} : memref<2x4x16x512xf32, #tpu.memory_space<vmem>>, vector<16xf32>,
          %parallel_loop3A_239 = arith.constant 0 : i32
          %parallel_loop3A_240 = arith.index_cast %parallel_loop3A_239 : i32 to index
          %parallel_loop3A_241 = arith.index_cast %parallel_loop3A_227 : i32 to index
          %parallel_loop3A_242 = arith.index_cast %parallel_loop3A_231 : i32 to index
          %parallel_loop3A_243 = tpu.vector_load %arg5[%parallel_loop3A_240, %parallel_loop3A_241, %parallel_loop3A_242] {strides = array<i32>} : memref<4x16x512xi32, #tpu.memory_space<vmem>>, vector<16xi32>,
          %parallel_loop3A_244 = arith.constant 6.000000e+00 : f32
          %parallel_loop3A_245 = vector.broadcast %parallel_loop3A_244 : f32 to vector<16xf32>
          %parallel_loop3A_246 = arith.addf %parallel_loop3A_238, %parallel_loop3A_245 : vector<16xf32>
          %parallel_loop3A_247 = arith.constant 170.666672 : f32
          %parallel_loop3A_248 = vector.broadcast %parallel_loop3A_247 : f32 to vector<16xf32>
          %parallel_loop3A_249 = arith.mulf %parallel_loop3A_246, %parallel_loop3A_248 : vector<16xf32>
          %parallel_loop3A_250 = arith.constant 0.000000e+00 : f32
          %parallel_loop3A_251 = arith.constant 2.047000e+03 : f32
          %parallel_loop3A_252 = vector.broadcast %parallel_loop3A_250 : f32 to vector<16xf32>
          %parallel_loop3A_253 = arith.maximumf %parallel_loop3A_252, %parallel_loop3A_249 : vector<16xf32>
          %parallel_loop3A_254 = vector.broadcast %parallel_loop3A_251 : f32 to vector<16xf32>
          %parallel_loop3A_255 = arith.minimumf %parallel_loop3A_254, %parallel_loop3A_253 : vector<16xf32>
          %parallel_loop3A_256 = arith.fptosi %parallel_loop3A_255 : vector<16xf32> to vector<16xi32>
          %parallel_loop3A_257 = vector.broadcast %scan3A_99 : i32 to vector<16xi32>
          %parallel_loop3A_258 = arith.cmpi eq, %parallel_loop3A_243, %parallel_loop3A_257 : vector<16xi32>
          %parallel_loop3A_259 = arith.constant 2048 : i32
          %parallel_loop3A_260 = vector.broadcast %parallel_loop3A_259 : i32 to vector<16xi32>
          %parallel_loop3A_261 = arith.addi %parallel_loop3A_256, %parallel_loop3A_260 : vector<16xi32>
          %parallel_loop3A_262 = arith.select %parallel_loop3A_258, %parallel_loop3A_261, %parallel_loop3A_256 : vector<16xi1>, vector<16xi32>
          tpu.vector_store_idx %arg7[%parallel_loop3A_262], %broadcast_in_dim3A_184 {add = true} : memref<4096xi32, #tpu.memory_space<vmem>>[vector<16xi32>], vector<16xi32>,
        } {sc.loop_unroll_factor = 8 : i64, sc.parallel_access}
        %parallel_loop3A_188 = arith.constant 0 : i32
        %parallel_loop3A_189 = arith.constant 512 : i32
        %parallel_loop3A_190 = arith.constant 1 : i32
        scf.for %parallel_loop3A_203 = %parallel_loop3A_188 to %parallel_loop3A_189 step %parallel_loop3A_190  : i32 {
          %parallel_loop3A_204 = arith.constant 32 : i32
          %parallel_loop3A_205 = arith.divsi %parallel_loop3A_203, %parallel_loop3A_204 : i32
          %parallel_loop3A_206 = arith.constant 0 : i32
          %parallel_loop3A_207 = arith.cmpi sgt, %parallel_loop3A_203, %parallel_loop3A_206 : i32
          %parallel_loop3A_208 = arith.extui %parallel_loop3A_207 : i1 to i32
          %parallel_loop3A_209 = arith.constant 0 : i32
          %parallel_loop3A_210 = arith.cmpi slt, %parallel_loop3A_203, %parallel_loop3A_209 : i32
          %parallel_loop3A_211 = arith.extui %parallel_loop3A_210 : i1 to i32
          %parallel_loop3A_212 = arith.subi %parallel_loop3A_208, %parallel_loop3A_211 : i32
          %parallel_loop3A_213 = arith.constant 0 : i32
          %parallel_loop3A_214 = arith.cmpi sgt, %parallel_loop3A_204, %parallel_loop3A_213 : i32
          %parallel_loop3A_215 = arith.extui %parallel_loop3A_214 : i1 to i32
          %parallel_loop3A_216 = arith.constant 0 : i32
          %parallel_loop3A_217 = arith.cmpi slt, %parallel_loop3A_204, %parallel_loop3A_216 : i32
          %parallel_loop3A_218 = arith.extui %parallel_loop3A_217 : i1 to i32
          %parallel_loop3A_219 = arith.subi %parallel_loop3A_215, %parallel_loop3A_218 : i32
          %parallel_loop3A_220 = arith.cmpi ne, %parallel_loop3A_212, %parallel_loop3A_219 : i32
          %parallel_loop3A_221 = arith.remsi %parallel_loop3A_203, %parallel_loop3A_204 : i32
          %parallel_loop3A_222 = arith.constant 0 : i32
          %parallel_loop3A_223 = arith.cmpi ne, %parallel_loop3A_221, %parallel_loop3A_222 : i32
          %parallel_loop3A_224 = arith.andi %parallel_loop3A_220, %parallel_loop3A_223 : i1
          %parallel_loop3A_225 = arith.constant 1 : i32
          %parallel_loop3A_226 = arith.subi %parallel_loop3A_205, %parallel_loop3A_225 : i32
          %parallel_loop3A_227 = arith.select %parallel_loop3A_224, %parallel_loop3A_226, %parallel_loop3A_205 : i32
          %parallel_loop3A_228 = arith.constant 32 : i32
          %parallel_loop3A_229 = arith.remsi %parallel_loop3A_203, %parallel_loop3A_228 : i32
          %parallel_loop3A_230 = arith.constant 16 : i32
          %parallel_loop3A_231 = arith.muli %parallel_loop3A_229, %parallel_loop3A_230 : i32
          %parallel_loop3A_232 = arith.constant 0 : i32
          %parallel_loop3A_233 = arith.constant 1 : i32
          %parallel_loop3A_234 = arith.index_cast %parallel_loop3A_232 : i32 to index
          %parallel_loop3A_235 = arith.index_cast %parallel_loop3A_233 : i32 to index
          %parallel_loop3A_236 = arith.index_cast %parallel_loop3A_227 : i32 to index
          %parallel_loop3A_237 = arith.index_cast %parallel_loop3A_231 : i32 to index
          %parallel_loop3A_238 = tpu.vector_load %arg6[%parallel_loop3A_234, %parallel_loop3A_235, %parallel_loop3A_236, %parallel_loop3A_237] {strides = array<i32>} : memref<2x4x16x512xf32, #tpu.memory_space<vmem>>, vector<16xf32>,
          %parallel_loop3A_239 = arith.constant 1 : i32
          %parallel_loop3A_240 = arith.index_cast %parallel_loop3A_239 : i32 to index
          %parallel_loop3A_241 = arith.index_cast %parallel_loop3A_227 : i32 to index
          %parallel_loop3A_242 = arith.index_cast %parallel_loop3A_231 : i32 to index
          %parallel_loop3A_243 = tpu.vector_load %arg5[%parallel_loop3A_240, %parallel_loop3A_241, %parallel_loop3A_242] {strides = array<i32>} : memref<4x16x512xi32, #tpu.memory_space<vmem>>, vector<16xi32>,
          %parallel_loop3A_244 = arith.constant 6.000000e+00 : f32
          %parallel_loop3A_245 = vector.broadcast %parallel_loop3A_244 : f32 to vector<16xf32>
          %parallel_loop3A_246 = arith.addf %parallel_loop3A_238, %parallel_loop3A_245 : vector<16xf32>
          %parallel_loop3A_247 = arith.constant 170.666672 : f32
          %parallel_loop3A_248 = vector.broadcast %parallel_loop3A_247 : f32 to vector<16xf32>
          %parallel_loop3A_249 = arith.mulf %parallel_loop3A_246, %parallel_loop3A_248 : vector<16xf32>
          %parallel_loop3A_250 = arith.constant 0.000000e+00 : f32
          %parallel_loop3A_251 = arith.constant 2.047000e+03 : f32
          %parallel_loop3A_252 = vector.broadcast %parallel_loop3A_250 : f32 to vector<16xf32>
          %parallel_loop3A_253 = arith.maximumf %parallel_loop3A_252, %parallel_loop3A_249 : vector<16xf32>
          %parallel_loop3A_254 = vector.broadcast %parallel_loop3A_251 : f32 to vector<16xf32>
          %parallel_loop3A_255 = arith.minimumf %parallel_loop3A_254, %parallel_loop3A_253 : vector<16xf32>
          %parallel_loop3A_256 = arith.fptosi %parallel_loop3A_255 : vector<16xf32> to vector<16xi32>
          %parallel_loop3A_257 = vector.broadcast %scan3A_99 : i32 to vector<16xi32>
          %parallel_loop3A_258 = arith.cmpi eq, %parallel_loop3A_243, %parallel_loop3A_257 : vector<16xi32>
          %parallel_loop3A_259 = arith.constant 2048 : i32
          %parallel_loop3A_260 = vector.broadcast %parallel_loop3A_259 : i32 to vector<16xi32>
          %parallel_loop3A_261 = arith.addi %parallel_loop3A_256, %parallel_loop3A_260 : vector<16xi32>
          %parallel_loop3A_262 = arith.select %parallel_loop3A_258, %parallel_loop3A_261, %parallel_loop3A_256 : vector<16xi1>, vector<16xi32>
          tpu.vector_store_idx %arg7[%parallel_loop3A_262], %broadcast_in_dim3A_184 {add = true} : memref<4096xi32, #tpu.memory_space<vmem>>[vector<16xi32>], vector<16xi32>,
        } {sc.loop_unroll_factor = 8 : i64, sc.parallel_access}
        %parallel_loop3A_191 = arith.constant 0 : i32
        %parallel_loop3A_192 = arith.constant 512 : i32
        %parallel_loop3A_193 = arith.constant 1 : i32
        scf.for %parallel_loop3A_203 = %parallel_loop3A_191 to %parallel_loop3A_192 step %parallel_loop3A_193  : i32 {
          %parallel_loop3A_204 = arith.constant 32 : i32
          %parallel_loop3A_205 = arith.divsi %parallel_loop3A_203, %parallel_loop3A_204 : i32
          %parallel_loop3A_206 = arith.constant 0 : i32
          %parallel_loop3A_207 = arith.cmpi sgt, %parallel_loop3A_203, %parallel_loop3A_206 : i32
          %parallel_loop3A_208 = arith.extui %parallel_loop3A_207 : i1 to i32
          %parallel_loop3A_209 = arith.constant 0 : i32
          %parallel_loop3A_210 = arith.cmpi slt, %parallel_loop3A_203, %parallel_loop3A_209 : i32
          %parallel_loop3A_211 = arith.extui %parallel_loop3A_210 : i1 to i32
          %parallel_loop3A_212 = arith.subi %parallel_loop3A_208, %parallel_loop3A_211 : i32
          %parallel_loop3A_213 = arith.constant 0 : i32
          %parallel_loop3A_214 = arith.cmpi sgt, %parallel_loop3A_204, %parallel_loop3A_213 : i32
          %parallel_loop3A_215 = arith.extui %parallel_loop3A_214 : i1 to i32
          %parallel_loop3A_216 = arith.constant 0 : i32
          %parallel_loop3A_217 = arith.cmpi slt, %parallel_loop3A_204, %parallel_loop3A_216 : i32
          %parallel_loop3A_218 = arith.extui %parallel_loop3A_217 : i1 to i32
          %parallel_loop3A_219 = arith.subi %parallel_loop3A_215, %parallel_loop3A_218 : i32
          %parallel_loop3A_220 = arith.cmpi ne, %parallel_loop3A_212, %parallel_loop3A_219 : i32
          %parallel_loop3A_221 = arith.remsi %parallel_loop3A_203, %parallel_loop3A_204 : i32
          %parallel_loop3A_222 = arith.constant 0 : i32
          %parallel_loop3A_223 = arith.cmpi ne, %parallel_loop3A_221, %parallel_loop3A_222 : i32
          %parallel_loop3A_224 = arith.andi %parallel_loop3A_220, %parallel_loop3A_223 : i1
          %parallel_loop3A_225 = arith.constant 1 : i32
          %parallel_loop3A_226 = arith.subi %parallel_loop3A_205, %parallel_loop3A_225 : i32
          %parallel_loop3A_227 = arith.select %parallel_loop3A_224, %parallel_loop3A_226, %parallel_loop3A_205 : i32
          %parallel_loop3A_228 = arith.constant 32 : i32
          %parallel_loop3A_229 = arith.remsi %parallel_loop3A_203, %parallel_loop3A_228 : i32
          %parallel_loop3A_230 = arith.constant 16 : i32
          %parallel_loop3A_231 = arith.muli %parallel_loop3A_229, %parallel_loop3A_230 : i32
          %parallel_loop3A_232 = arith.constant 0 : i32
          %parallel_loop3A_233 = arith.constant 2 : i32
          %parallel_loop3A_234 = arith.index_cast %parallel_loop3A_232 : i32 to index
          %parallel_loop3A_235 = arith.index_cast %parallel_loop3A_233 : i32 to index
          %parallel_loop3A_236 = arith.index_cast %parallel_loop3A_227 : i32 to index
          %parallel_loop3A_237 = arith.index_cast %parallel_loop3A_231 : i32 to index
          %parallel_loop3A_238 = tpu.vector_load %arg6[%parallel_loop3A_234, %parallel_loop3A_235, %parallel_loop3A_236, %parallel_loop3A_237] {strides = array<i32>} : memref<2x4x16x512xf32, #tpu.memory_space<vmem>>, vector<16xf32>,
          %parallel_loop3A_239 = arith.constant 2 : i32
          %parallel_loop3A_240 = arith.index_cast %parallel_loop3A_239 : i32 to index
          %parallel_loop3A_241 = arith.index_cast %parallel_loop3A_227 : i32 to index
          %parallel_loop3A_242 = arith.index_cast %parallel_loop3A_231 : i32 to index
          %parallel_loop3A_243 = tpu.vector_load %arg5[%parallel_loop3A_240, %parallel_loop3A_241, %parallel_loop3A_242] {strides = array<i32>} : memref<4x16x512xi32, #tpu.memory_space<vmem>>, vector<16xi32>,
          %parallel_loop3A_244 = arith.constant 6.000000e+00 : f32
          %parallel_loop3A_245 = vector.broadcast %parallel_loop3A_244 : f32 to vector<16xf32>
          %parallel_loop3A_246 = arith.addf %parallel_loop3A_238, %parallel_loop3A_245 : vector<16xf32>
          %parallel_loop3A_247 = arith.constant 170.666672 : f32
          %parallel_loop3A_248 = vector.broadcast %parallel_loop3A_247 : f32 to vector<16xf32>
          %parallel_loop3A_249 = arith.mulf %parallel_loop3A_246, %parallel_loop3A_248 : vector<16xf32>
          %parallel_loop3A_250 = arith.constant 0.000000e+00 : f32
          %parallel_loop3A_251 = arith.constant 2.047000e+03 : f32
          %parallel_loop3A_252 = vector.broadcast %parallel_loop3A_250 : f32 to vector<16xf32>
          %parallel_loop3A_253 = arith.maximumf %parallel_loop3A_252, %parallel_loop3A_249 : vector<16xf32>
          %parallel_loop3A_254 = vector.broadcast %parallel_loop3A_251 : f32 to vector<16xf32>
          %parallel_loop3A_255 = arith.minimumf %parallel_loop3A_254, %parallel_loop3A_253 : vector<16xf32>
          %parallel_loop3A_256 = arith.fptosi %parallel_loop3A_255 : vector<16xf32> to vector<16xi32>
          %parallel_loop3A_257 = vector.broadcast %scan3A_99 : i32 to vector<16xi32>
          %parallel_loop3A_258 = arith.cmpi eq, %parallel_loop3A_243, %parallel_loop3A_257 : vector<16xi32>
          %parallel_loop3A_259 = arith.constant 2048 : i32
          %parallel_loop3A_260 = vector.broadcast %parallel_loop3A_259 : i32 to vector<16xi32>
          %parallel_loop3A_261 = arith.addi %parallel_loop3A_256, %parallel_loop3A_260 : vector<16xi32>
          %parallel_loop3A_262 = arith.select %parallel_loop3A_258, %parallel_loop3A_261, %parallel_loop3A_256 : vector<16xi1>, vector<16xi32>
          tpu.vector_store_idx %arg7[%parallel_loop3A_262], %broadcast_in_dim3A_184 {add = true} : memref<4096xi32, #tpu.memory_space<vmem>>[vector<16xi32>], vector<16xi32>,
        } {sc.loop_unroll_factor = 8 : i64, sc.parallel_access}
        %parallel_loop3A_194 = arith.constant 0 : i32
        %parallel_loop3A_195 = arith.constant 512 : i32
        %parallel_loop3A_196 = arith.constant 1 : i32
        scf.for %parallel_loop3A_203 = %parallel_loop3A_194 to %parallel_loop3A_195 step %parallel_loop3A_196  : i32 {
          %parallel_loop3A_204 = arith.constant 32 : i32
          %parallel_loop3A_205 = arith.divsi %parallel_loop3A_203, %parallel_loop3A_204 : i32
          %parallel_loop3A_206 = arith.constant 0 : i32
          %parallel_loop3A_207 = arith.cmpi sgt, %parallel_loop3A_203, %parallel_loop3A_206 : i32
          %parallel_loop3A_208 = arith.extui %parallel_loop3A_207 : i1 to i32
          %parallel_loop3A_209 = arith.constant 0 : i32
          %parallel_loop3A_210 = arith.cmpi slt, %parallel_loop3A_203, %parallel_loop3A_209 : i32
          %parallel_loop3A_211 = arith.extui %parallel_loop3A_210 : i1 to i32
          %parallel_loop3A_212 = arith.subi %parallel_loop3A_208, %parallel_loop3A_211 : i32
          %parallel_loop3A_213 = arith.constant 0 : i32
          %parallel_loop3A_214 = arith.cmpi sgt, %parallel_loop3A_204, %parallel_loop3A_213 : i32
          %parallel_loop3A_215 = arith.extui %parallel_loop3A_214 : i1 to i32
          %parallel_loop3A_216 = arith.constant 0 : i32
          %parallel_loop3A_217 = arith.cmpi slt, %parallel_loop3A_204, %parallel_loop3A_216 : i32
          %parallel_loop3A_218 = arith.extui %parallel_loop3A_217 : i1 to i32
          %parallel_loop3A_219 = arith.subi %parallel_loop3A_215, %parallel_loop3A_218 : i32
          %parallel_loop3A_220 = arith.cmpi ne, %parallel_loop3A_212, %parallel_loop3A_219 : i32
          %parallel_loop3A_221 = arith.remsi %parallel_loop3A_203, %parallel_loop3A_204 : i32
          %parallel_loop3A_222 = arith.constant 0 : i32
          %parallel_loop3A_223 = arith.cmpi ne, %parallel_loop3A_221, %parallel_loop3A_222 : i32
          %parallel_loop3A_224 = arith.andi %parallel_loop3A_220, %parallel_loop3A_223 : i1
          %parallel_loop3A_225 = arith.constant 1 : i32
          %parallel_loop3A_226 = arith.subi %parallel_loop3A_205, %parallel_loop3A_225 : i32
          %parallel_loop3A_227 = arith.select %parallel_loop3A_224, %parallel_loop3A_226, %parallel_loop3A_205 : i32
          %parallel_loop3A_228 = arith.constant 32 : i32
          %parallel_loop3A_229 = arith.remsi %parallel_loop3A_203, %parallel_loop3A_228 : i32
          %parallel_loop3A_230 = arith.constant 16 : i32
          %parallel_loop3A_231 = arith.muli %parallel_loop3A_229, %parallel_loop3A_230 : i32
          %parallel_loop3A_232 = arith.constant 0 : i32
          %parallel_loop3A_233 = arith.constant 3 : i32
          %parallel_loop3A_234 = arith.index_cast %parallel_loop3A_232 : i32 to index
          %parallel_loop3A_235 = arith.index_cast %parallel_loop3A_233 : i32 to index
          %parallel_loop3A_236 = arith.index_cast %parallel_loop3A_227 : i32 to index
          %parallel_loop3A_237 = arith.index_cast %parallel_loop3A_231 : i32 to index
          %parallel_loop3A_238 = tpu.vector_load %arg6[%parallel_loop3A_234, %parallel_loop3A_235, %parallel_loop3A_236, %parallel_loop3A_237] {strides = array<i32>} : memref<2x4x16x512xf32, #tpu.memory_space<vmem>>, vector<16xf32>,
          %parallel_loop3A_239 = arith.constant 3 : i32
          %parallel_loop3A_240 = arith.index_cast %parallel_loop3A_239 : i32 to index
          %parallel_loop3A_241 = arith.index_cast %parallel_loop3A_227 : i32 to index
          %parallel_loop3A_242 = arith.index_cast %parallel_loop3A_231 : i32 to index
          %parallel_loop3A_243 = tpu.vector_load %arg5[%parallel_loop3A_240, %parallel_loop3A_241, %parallel_loop3A_242] {strides = array<i32>} : memref<4x16x512xi32, #tpu.memory_space<vmem>>, vector<16xi32>,
          %parallel_loop3A_244 = arith.constant 6.000000e+00 : f32
          %parallel_loop3A_245 = vector.broadcast %parallel_loop3A_244 : f32 to vector<16xf32>
          %parallel_loop3A_246 = arith.addf %parallel_loop3A_238, %parallel_loop3A_245 : vector<16xf32>
          %parallel_loop3A_247 = arith.constant 170.666672 : f32
          %parallel_loop3A_248 = vector.broadcast %parallel_loop3A_247 : f32 to vector<16xf32>
          %parallel_loop3A_249 = arith.mulf %parallel_loop3A_246, %parallel_loop3A_248 : vector<16xf32>
          %parallel_loop3A_250 = arith.constant 0.000000e+00 : f32
          %parallel_loop3A_251 = arith.constant 2.047000e+03 : f32
          %parallel_loop3A_252 = vector.broadcast %parallel_loop3A_250 : f32 to vector<16xf32>
          %parallel_loop3A_253 = arith.maximumf %parallel_loop3A_252, %parallel_loop3A_249 : vector<16xf32>
          %parallel_loop3A_254 = vector.broadcast %parallel_loop3A_251 : f32 to vector<16xf32>
          %parallel_loop3A_255 = arith.minimumf %parallel_loop3A_254, %parallel_loop3A_253 : vector<16xf32>
          %parallel_loop3A_256 = arith.fptosi %parallel_loop3A_255 : vector<16xf32> to vector<16xi32>
          %parallel_loop3A_257 = vector.broadcast %scan3A_99 : i32 to vector<16xi32>
          %parallel_loop3A_258 = arith.cmpi eq, %parallel_loop3A_243, %parallel_loop3A_257 : vector<16xi32>
          %parallel_loop3A_259 = arith.constant 2048 : i32
          %parallel_loop3A_260 = vector.broadcast %parallel_loop3A_259 : i32 to vector<16xi32>
          %parallel_loop3A_261 = arith.addi %parallel_loop3A_256, %parallel_loop3A_260 : vector<16xi32>
          %parallel_loop3A_262 = arith.select %parallel_loop3A_258, %parallel_loop3A_261, %parallel_loop3A_256 : vector<16xi1>, vector<16xi32>
          tpu.vector_store_idx %arg7[%parallel_loop3A_262], %broadcast_in_dim3A_184 {add = true} : memref<4096xi32, #tpu.memory_space<vmem>>[vector<16xi32>], vector<16xi32>,
        } {sc.loop_unroll_factor = 8 : i64, sc.parallel_access}
        %dma_start3A_197 = arith.constant 0 : i32
        %dma_start3A_198 = tpu.memref_slice %arg4[%scan3A_99, %add3A, %dma_start3A_197] : memref<21x32x4096xi32, #tpu.memory_space<hbm>> -> memref<1x1x4096xi32, #tpu.memory_space<hbm>>
        %dma_start3A_199 = tpu.memref_squeeze %dma_start3A_198 : memref<1x1x4096xi32, #tpu.memory_space<hbm>> -> memref<4096xi32, #tpu.memory_space<hbm>>
        %dma_start3A_200 = arith.constant 0 : i32
        %dma_start3A_201 = tpu.memref_slice %arg4[%scan3A_99, %add3A, %dma_start3A_200] : memref<21x32x4096xi32, #tpu.memory_space<hbm>> -> memref<1x1x4096xi32, #tpu.memory_space<hbm>>
        %dma_start3A_202 = tpu.memref_squeeze %dma_start3A_201 : memref<1x1x4096xi32, #tpu.memory_space<hbm>> -> memref<4096xi32, #tpu.memory_space<hbm>>
        tpu.enqueue_dma source(%arg7 : memref<4096xi32, #tpu.memory_space<vmem>>) target(%dma_start3A_202 : memref<4096xi32, #tpu.memory_space<hbm>>) target_semaphore(%arg13 : memref<!tpu.dma_semaphore, #tpu.memory_space<semaphore_mem>>)
      } else {
      }
      %eq3A_173 = arith.constant 1 : i32
      %eq3A_174 = arith.cmpi eq, %rem3A_100, %eq3A_173 : i32
      %convert_element_type3A_175 = arith.extui %eq3A_174 : i1 to i32
      %cond3A_176 = arith.constant 0 : i32
      %cond3A_177 = arith.cmpi ne, %convert_element_type3A_175, %cond3A_176 : i32
      scf.if %cond3A_177 {
        %ge3A = arith.constant 2 : i32
        %ge3A_178 = arith.cmpi sge, %scan3A_99, %ge3A : i32
        %convert_element_type3A_179 = arith.extui %ge3A_178 : i1 to i32
        %cond3A_180 = arith.constant 0 : i32
        %cond3A_181 = arith.cmpi ne, %convert_element_type3A_179, %cond3A_180 : i32
        scf.if %cond3A_181 {
          %sub3A = arith.constant 2 : i32
          %sub3A_203 = arith.subi %scan3A_99, %sub3A : i32
          %dma_wait3A_204 = arith.constant 0 : i32
          %dma_wait3A_205 = tpu.memref_slice %arg4[%sub3A_203, %add3A, %dma_wait3A_204] : memref<21x32x4096xi32, #tpu.memory_space<hbm>> -> memref<1x1x4096xi32, #tpu.memory_space<hbm>>
          %dma_wait3A_206 = tpu.memref_squeeze %dma_wait3A_205 : memref<1x1x4096xi32, #tpu.memory_space<hbm>> -> memref<4096xi32, #tpu.memory_space<hbm>>
          %dma_wait3A_207 = arith.constant 0 : i32
          %dma_wait3A_208 = tpu.memref_slice %arg4[%sub3A_203, %add3A, %dma_wait3A_207] : memref<21x32x4096xi32, #tpu.memory_space<hbm>> -> memref<1x1x4096xi32, #tpu.memory_space<hbm>>
          %dma_wait3A_209 = tpu.memref_squeeze %dma_wait3A_208 : memref<1x1x4096xi32, #tpu.memory_space<hbm>> -> memref<4096xi32, #tpu.memory_space<hbm>>
          tpu.wait_dma2 semaphore(%arg14 : memref<!tpu.dma_semaphore, #tpu.memory_space<semaphore_mem>>) src(%arg8 : memref<4096xi32, #tpu.memory_space<vmem>>) dst(%dma_wait3A_209 : memref<4096xi32, #tpu.memory_space<hbm>>)
        } else {
        }
        %parallel_loop3A = arith.constant 0 : i32
        %parallel_loop3A_182 = arith.constant 256 : i32
        %parallel_loop3A_183 = arith.constant 1 : i32
        scf.for %parallel_loop3A_203 = %parallel_loop3A to %parallel_loop3A_182 step %parallel_loop3A_183  : i32 {
          %parallel_loop3A_204 = arith.constant 0 : i32
          %parallel_loop3A_205 = vector.broadcast %parallel_loop3A_204 : i32 to vector<16xi32>
          %parallel_loop3A_206 = arith.constant 16 : i32
          %parallel_loop3A_207 = arith.muli %parallel_loop3A_203, %parallel_loop3A_206 : i32
          %parallel_loop3A_208 = arith.index_cast %parallel_loop3A_207 : i32 to index
          %parallel_loop3A_209 = tpu.vector_load %arg8[%parallel_loop3A_208] {strides = array<i32>} : memref<4096xi32, #tpu.memory_space<vmem>>, vector<16xi32>,
          tpu.vector_store %arg8[%parallel_loop3A_208], %parallel_loop3A_205 {strides = array<i32>} : memref<4096xi32, #tpu.memory_space<vmem>>, vector<16xi32>,
        } {sc.loop_unroll_factor = 8 : i64, sc.parallel_access}
        %broadcast_in_dim3A = arith.constant 1 : i32
        %broadcast_in_dim3A_184 = vector.broadcast %broadcast_in_dim3A : i32 to vector<16xi32>
        %parallel_loop3A_185 = arith.constant 0 : i32
        %parallel_loop3A_186 = arith.constant 512 : i32
        %parallel_loop3A_187 = arith.constant 1 : i32
        scf.for %parallel_loop3A_203 = %parallel_loop3A_185 to %parallel_loop3A_186 step %parallel_loop3A_187  : i32 {
          %parallel_loop3A_204 = arith.constant 32 : i32
          %parallel_loop3A_205 = arith.divsi %parallel_loop3A_203, %parallel_loop3A_204 : i32
          %parallel_loop3A_206 = arith.constant 0 : i32
          %parallel_loop3A_207 = arith.cmpi sgt, %parallel_loop3A_203, %parallel_loop3A_206 : i32
          %parallel_loop3A_208 = arith.extui %parallel_loop3A_207 : i1 to i32
          %parallel_loop3A_209 = arith.constant 0 : i32
          %parallel_loop3A_210 = arith.cmpi slt, %parallel_loop3A_203, %parallel_loop3A_209 : i32
          %parallel_loop3A_211 = arith.extui %parallel_loop3A_210 : i1 to i32
          %parallel_loop3A_212 = arith.subi %parallel_loop3A_208, %parallel_loop3A_211 : i32
          %parallel_loop3A_213 = arith.constant 0 : i32
          %parallel_loop3A_214 = arith.cmpi sgt, %parallel_loop3A_204, %parallel_loop3A_213 : i32
          %parallel_loop3A_215 = arith.extui %parallel_loop3A_214 : i1 to i32
          %parallel_loop3A_216 = arith.constant 0 : i32
          %parallel_loop3A_217 = arith.cmpi slt, %parallel_loop3A_204, %parallel_loop3A_216 : i32
          %parallel_loop3A_218 = arith.extui %parallel_loop3A_217 : i1 to i32
          %parallel_loop3A_219 = arith.subi %parallel_loop3A_215, %parallel_loop3A_218 : i32
          %parallel_loop3A_220 = arith.cmpi ne, %parallel_loop3A_212, %parallel_loop3A_219 : i32
          %parallel_loop3A_221 = arith.remsi %parallel_loop3A_203, %parallel_loop3A_204 : i32
          %parallel_loop3A_222 = arith.constant 0 : i32
          %parallel_loop3A_223 = arith.cmpi ne, %parallel_loop3A_221, %parallel_loop3A_222 : i32
          %parallel_loop3A_224 = arith.andi %parallel_loop3A_220, %parallel_loop3A_223 : i1
          %parallel_loop3A_225 = arith.constant 1 : i32
          %parallel_loop3A_226 = arith.subi %parallel_loop3A_205, %parallel_loop3A_225 : i32
          %parallel_loop3A_227 = arith.select %parallel_loop3A_224, %parallel_loop3A_226, %parallel_loop3A_205 : i32
          %parallel_loop3A_228 = arith.constant 32 : i32
          %parallel_loop3A_229 = arith.remsi %parallel_loop3A_203, %parallel_loop3A_228 : i32
          %parallel_loop3A_230 = arith.constant 16 : i32
          %parallel_loop3A_231 = arith.muli %parallel_loop3A_229, %parallel_loop3A_230 : i32
          %parallel_loop3A_232 = arith.constant 1 : i32
          %parallel_loop3A_233 = arith.constant 0 : i32
          %parallel_loop3A_234 = arith.index_cast %parallel_loop3A_232 : i32 to index
          %parallel_loop3A_235 = arith.index_cast %parallel_loop3A_233 : i32 to index
          %parallel_loop3A_236 = arith.index_cast %parallel_loop3A_227 : i32 to index
          %parallel_loop3A_237 = arith.index_cast %parallel_loop3A_231 : i32 to index
          %parallel_loop3A_238 = tpu.vector_load %arg6[%parallel_loop3A_234, %parallel_loop3A_235, %parallel_loop3A_236, %parallel_loop3A_237] {strides = array<i32>} : memref<2x4x16x512xf32, #tpu.memory_space<vmem>>, vector<16xf32>,
          %parallel_loop3A_239 = arith.constant 0 : i32
          %parallel_loop3A_240 = arith.index_cast %parallel_loop3A_239 : i32 to index
          %parallel_loop3A_241 = arith.index_cast %parallel_loop3A_227 : i32 to index
          %parallel_loop3A_242 = arith.index_cast %parallel_loop3A_231 : i32 to index
          %parallel_loop3A_243 = tpu.vector_load %arg5[%parallel_loop3A_240, %parallel_loop3A_241, %parallel_loop3A_242] {strides = array<i32>} : memref<4x16x512xi32, #tpu.memory_space<vmem>>, vector<16xi32>,
          %parallel_loop3A_244 = arith.constant 6.000000e+00 : f32
          %parallel_loop3A_245 = vector.broadcast %parallel_loop3A_244 : f32 to vector<16xf32>
          %parallel_loop3A_246 = arith.addf %parallel_loop3A_238, %parallel_loop3A_245 : vector<16xf32>
          %parallel_loop3A_247 = arith.constant 170.666672 : f32
          %parallel_loop3A_248 = vector.broadcast %parallel_loop3A_247 : f32 to vector<16xf32>
          %parallel_loop3A_249 = arith.mulf %parallel_loop3A_246, %parallel_loop3A_248 : vector<16xf32>
          %parallel_loop3A_250 = arith.constant 0.000000e+00 : f32
          %parallel_loop3A_251 = arith.constant 2.047000e+03 : f32
          %parallel_loop3A_252 = vector.broadcast %parallel_loop3A_250 : f32 to vector<16xf32>
          %parallel_loop3A_253 = arith.maximumf %parallel_loop3A_252, %parallel_loop3A_249 : vector<16xf32>
          %parallel_loop3A_254 = vector.broadcast %parallel_loop3A_251 : f32 to vector<16xf32>
          %parallel_loop3A_255 = arith.minimumf %parallel_loop3A_254, %parallel_loop3A_253 : vector<16xf32>
          %parallel_loop3A_256 = arith.fptosi %parallel_loop3A_255 : vector<16xf32> to vector<16xi32>
          %parallel_loop3A_257 = vector.broadcast %scan3A_99 : i32 to vector<16xi32>
          %parallel_loop3A_258 = arith.cmpi eq, %parallel_loop3A_243, %parallel_loop3A_257 : vector<16xi32>
          %parallel_loop3A_259 = arith.constant 2048 : i32
          %parallel_loop3A_260 = vector.broadcast %parallel_loop3A_259 : i32 to vector<16xi32>
          %parallel_loop3A_261 = arith.addi %parallel_loop3A_256, %parallel_loop3A_260 : vector<16xi32>
          %parallel_loop3A_262 = arith.select %parallel_loop3A_258, %parallel_loop3A_261, %parallel_loop3A_256 : vector<16xi1>, vector<16xi32>
          tpu.vector_store_idx %arg8[%parallel_loop3A_262], %broadcast_in_dim3A_184 {add = true} : memref<4096xi32, #tpu.memory_space<vmem>>[vector<16xi32>], vector<16xi32>,
        } {sc.loop_unroll_factor = 8 : i64, sc.parallel_access}
        %parallel_loop3A_188 = arith.constant 0 : i32
        %parallel_loop3A_189 = arith.constant 512 : i32
        %parallel_loop3A_190 = arith.constant 1 : i32
        scf.for %parallel_loop3A_203 = %parallel_loop3A_188 to %parallel_loop3A_189 step %parallel_loop3A_190  : i32 {
          %parallel_loop3A_204 = arith.constant 32 : i32
          %parallel_loop3A_205 = arith.divsi %parallel_loop3A_203, %parallel_loop3A_204 : i32
          %parallel_loop3A_206 = arith.constant 0 : i32
          %parallel_loop3A_207 = arith.cmpi sgt, %parallel_loop3A_203, %parallel_loop3A_206 : i32
          %parallel_loop3A_208 = arith.extui %parallel_loop3A_207 : i1 to i32
          %parallel_loop3A_209 = arith.constant 0 : i32
          %parallel_loop3A_210 = arith.cmpi slt, %parallel_loop3A_203, %parallel_loop3A_209 : i32
          %parallel_loop3A_211 = arith.extui %parallel_loop3A_210 : i1 to i32
          %parallel_loop3A_212 = arith.subi %parallel_loop3A_208, %parallel_loop3A_211 : i32
          %parallel_loop3A_213 = arith.constant 0 : i32
          %parallel_loop3A_214 = arith.cmpi sgt, %parallel_loop3A_204, %parallel_loop3A_213 : i32
          %parallel_loop3A_215 = arith.extui %parallel_loop3A_214 : i1 to i32
          %parallel_loop3A_216 = arith.constant 0 : i32
          %parallel_loop3A_217 = arith.cmpi slt, %parallel_loop3A_204, %parallel_loop3A_216 : i32
          %parallel_loop3A_218 = arith.extui %parallel_loop3A_217 : i1 to i32
          %parallel_loop3A_219 = arith.subi %parallel_loop3A_215, %parallel_loop3A_218 : i32
          %parallel_loop3A_220 = arith.cmpi ne, %parallel_loop3A_212, %parallel_loop3A_219 : i32
          %parallel_loop3A_221 = arith.remsi %parallel_loop3A_203, %parallel_loop3A_204 : i32
          %parallel_loop3A_222 = arith.constant 0 : i32
          %parallel_loop3A_223 = arith.cmpi ne, %parallel_loop3A_221, %parallel_loop3A_222 : i32
          %parallel_loop3A_224 = arith.andi %parallel_loop3A_220, %parallel_loop3A_223 : i1
          %parallel_loop3A_225 = arith.constant 1 : i32
          %parallel_loop3A_226 = arith.subi %parallel_loop3A_205, %parallel_loop3A_225 : i32
          %parallel_loop3A_227 = arith.select %parallel_loop3A_224, %parallel_loop3A_226, %parallel_loop3A_205 : i32
          %parallel_loop3A_228 = arith.constant 32 : i32
          %parallel_loop3A_229 = arith.remsi %parallel_loop3A_203, %parallel_loop3A_228 : i32
          %parallel_loop3A_230 = arith.constant 16 : i32
          %parallel_loop3A_231 = arith.muli %parallel_loop3A_229, %parallel_loop3A_230 : i32
          %parallel_loop3A_232 = arith.constant 1 : i32
          %parallel_loop3A_233 = arith.constant 1 : i32
          %parallel_loop3A_234 = arith.index_cast %parallel_loop3A_232 : i32 to index
          %parallel_loop3A_235 = arith.index_cast %parallel_loop3A_233 : i32 to index
          %parallel_loop3A_236 = arith.index_cast %parallel_loop3A_227 : i32 to index
          %parallel_loop3A_237 = arith.index_cast %parallel_loop3A_231 : i32 to index
          %parallel_loop3A_238 = tpu.vector_load %arg6[%parallel_loop3A_234, %parallel_loop3A_235, %parallel_loop3A_236, %parallel_loop3A_237] {strides = array<i32>} : memref<2x4x16x512xf32, #tpu.memory_space<vmem>>, vector<16xf32>,
          %parallel_loop3A_239 = arith.constant 1 : i32
          %parallel_loop3A_240 = arith.index_cast %parallel_loop3A_239 : i32 to index
          %parallel_loop3A_241 = arith.index_cast %parallel_loop3A_227 : i32 to index
          %parallel_loop3A_242 = arith.index_cast %parallel_loop3A_231 : i32 to index
          %parallel_loop3A_243 = tpu.vector_load %arg5[%parallel_loop3A_240, %parallel_loop3A_241, %parallel_loop3A_242] {strides = array<i32>} : memref<4x16x512xi32, #tpu.memory_space<vmem>>, vector<16xi32>,
          %parallel_loop3A_244 = arith.constant 6.000000e+00 : f32
          %parallel_loop3A_245 = vector.broadcast %parallel_loop3A_244 : f32 to vector<16xf32>
          %parallel_loop3A_246 = arith.addf %parallel_loop3A_238, %parallel_loop3A_245 : vector<16xf32>
          %parallel_loop3A_247 = arith.constant 170.666672 : f32
          %parallel_loop3A_248 = vector.broadcast %parallel_loop3A_247 : f32 to vector<16xf32>
          %parallel_loop3A_249 = arith.mulf %parallel_loop3A_246, %parallel_loop3A_248 : vector<16xf32>
          %parallel_loop3A_250 = arith.constant 0.000000e+00 : f32
          %parallel_loop3A_251 = arith.constant 2.047000e+03 : f32
          %parallel_loop3A_252 = vector.broadcast %parallel_loop3A_250 : f32 to vector<16xf32>
          %parallel_loop3A_253 = arith.maximumf %parallel_loop3A_252, %parallel_loop3A_249 : vector<16xf32>
          %parallel_loop3A_254 = vector.broadcast %parallel_loop3A_251 : f32 to vector<16xf32>
          %parallel_loop3A_255 = arith.minimumf %parallel_loop3A_254, %parallel_loop3A_253 : vector<16xf32>
          %parallel_loop3A_256 = arith.fptosi %parallel_loop3A_255 : vector<16xf32> to vector<16xi32>
          %parallel_loop3A_257 = vector.broadcast %scan3A_99 : i32 to vector<16xi32>
          %parallel_loop3A_258 = arith.cmpi eq, %parallel_loop3A_243, %parallel_loop3A_257 : vector<16xi32>
          %parallel_loop3A_259 = arith.constant 2048 : i32
          %parallel_loop3A_260 = vector.broadcast %parallel_loop3A_259 : i32 to vector<16xi32>
          %parallel_loop3A_261 = arith.addi %parallel_loop3A_256, %parallel_loop3A_260 : vector<16xi32>
          %parallel_loop3A_262 = arith.select %parallel_loop3A_258, %parallel_loop3A_261, %parallel_loop3A_256 : vector<16xi1>, vector<16xi32>
          tpu.vector_store_idx %arg8[%parallel_loop3A_262], %broadcast_in_dim3A_184 {add = true} : memref<4096xi32, #tpu.memory_space<vmem>>[vector<16xi32>], vector<16xi32>,
        } {sc.loop_unroll_factor = 8 : i64, sc.parallel_access}
        %parallel_loop3A_191 = arith.constant 0 : i32
        %parallel_loop3A_192 = arith.constant 512 : i32
        %parallel_loop3A_193 = arith.constant 1 : i32
        scf.for %parallel_loop3A_203 = %parallel_loop3A_191 to %parallel_loop3A_192 step %parallel_loop3A_193  : i32 {
          %parallel_loop3A_204 = arith.constant 32 : i32
          %parallel_loop3A_205 = arith.divsi %parallel_loop3A_203, %parallel_loop3A_204 : i32
          %parallel_loop3A_206 = arith.constant 0 : i32
          %parallel_loop3A_207 = arith.cmpi sgt, %parallel_loop3A_203, %parallel_loop3A_206 : i32
          %parallel_loop3A_208 = arith.extui %parallel_loop3A_207 : i1 to i32
          %parallel_loop3A_209 = arith.constant 0 : i32
          %parallel_loop3A_210 = arith.cmpi slt, %parallel_loop3A_203, %parallel_loop3A_209 : i32
          %parallel_loop3A_211 = arith.extui %parallel_loop3A_210 : i1 to i32
          %parallel_loop3A_212 = arith.subi %parallel_loop3A_208, %parallel_loop3A_211 : i32
          %parallel_loop3A_213 = arith.constant 0 : i32
          %parallel_loop3A_214 = arith.cmpi sgt, %parallel_loop3A_204, %parallel_loop3A_213 : i32
          %parallel_loop3A_215 = arith.extui %parallel_loop3A_214 : i1 to i32
          %parallel_loop3A_216 = arith.constant 0 : i32
          %parallel_loop3A_217 = arith.cmpi slt, %parallel_loop3A_204, %parallel_loop3A_216 : i32
          %parallel_loop3A_218 = arith.extui %parallel_loop3A_217 : i1 to i32
          %parallel_loop3A_219 = arith.subi %parallel_loop3A_215, %parallel_loop3A_218 : i32
          %parallel_loop3A_220 = arith.cmpi ne, %parallel_loop3A_212, %parallel_loop3A_219 : i32
          %parallel_loop3A_221 = arith.remsi %parallel_loop3A_203, %parallel_loop3A_204 : i32
          %parallel_loop3A_222 = arith.constant 0 : i32
          %parallel_loop3A_223 = arith.cmpi ne, %parallel_loop3A_221, %parallel_loop3A_222 : i32
          %parallel_loop3A_224 = arith.andi %parallel_loop3A_220, %parallel_loop3A_223 : i1
          %parallel_loop3A_225 = arith.constant 1 : i32
          %parallel_loop3A_226 = arith.subi %parallel_loop3A_205, %parallel_loop3A_225 : i32
          %parallel_loop3A_227 = arith.select %parallel_loop3A_224, %parallel_loop3A_226, %parallel_loop3A_205 : i32
          %parallel_loop3A_228 = arith.constant 32 : i32
          %parallel_loop3A_229 = arith.remsi %parallel_loop3A_203, %parallel_loop3A_228 : i32
          %parallel_loop3A_230 = arith.constant 16 : i32
          %parallel_loop3A_231 = arith.muli %parallel_loop3A_229, %parallel_loop3A_230 : i32
          %parallel_loop3A_232 = arith.constant 1 : i32
          %parallel_loop3A_233 = arith.constant 2 : i32
          %parallel_loop3A_234 = arith.index_cast %parallel_loop3A_232 : i32 to index
          %parallel_loop3A_235 = arith.index_cast %parallel_loop3A_233 : i32 to index
          %parallel_loop3A_236 = arith.index_cast %parallel_loop3A_227 : i32 to index
          %parallel_loop3A_237 = arith.index_cast %parallel_loop3A_231 : i32 to index
          %parallel_loop3A_238 = tpu.vector_load %arg6[%parallel_loop3A_234, %parallel_loop3A_235, %parallel_loop3A_236, %parallel_loop3A_237] {strides = array<i32>} : memref<2x4x16x512xf32, #tpu.memory_space<vmem>>, vector<16xf32>,
          %parallel_loop3A_239 = arith.constant 2 : i32
          %parallel_loop3A_240 = arith.index_cast %parallel_loop3A_239 : i32 to index
          %parallel_loop3A_241 = arith.index_cast %parallel_loop3A_227 : i32 to index
          %parallel_loop3A_242 = arith.index_cast %parallel_loop3A_231 : i32 to index
          %parallel_loop3A_243 = tpu.vector_load %arg5[%parallel_loop3A_240, %parallel_loop3A_241, %parallel_loop3A_242] {strides = array<i32>} : memref<4x16x512xi32, #tpu.memory_space<vmem>>, vector<16xi32>,
          %parallel_loop3A_244 = arith.constant 6.000000e+00 : f32
          %parallel_loop3A_245 = vector.broadcast %parallel_loop3A_244 : f32 to vector<16xf32>
          %parallel_loop3A_246 = arith.addf %parallel_loop3A_238, %parallel_loop3A_245 : vector<16xf32>
          %parallel_loop3A_247 = arith.constant 170.666672 : f32
          %parallel_loop3A_248 = vector.broadcast %parallel_loop3A_247 : f32 to vector<16xf32>
          %parallel_loop3A_249 = arith.mulf %parallel_loop3A_246, %parallel_loop3A_248 : vector<16xf32>
          %parallel_loop3A_250 = arith.constant 0.000000e+00 : f32
          %parallel_loop3A_251 = arith.constant 2.047000e+03 : f32
          %parallel_loop3A_252 = vector.broadcast %parallel_loop3A_250 : f32 to vector<16xf32>
          %parallel_loop3A_253 = arith.maximumf %parallel_loop3A_252, %parallel_loop3A_249 : vector<16xf32>
          %parallel_loop3A_254 = vector.broadcast %parallel_loop3A_251 : f32 to vector<16xf32>
          %parallel_loop3A_255 = arith.minimumf %parallel_loop3A_254, %parallel_loop3A_253 : vector<16xf32>
          %parallel_loop3A_256 = arith.fptosi %parallel_loop3A_255 : vector<16xf32> to vector<16xi32>
          %parallel_loop3A_257 = vector.broadcast %scan3A_99 : i32 to vector<16xi32>
          %parallel_loop3A_258 = arith.cmpi eq, %parallel_loop3A_243, %parallel_loop3A_257 : vector<16xi32>
          %parallel_loop3A_259 = arith.constant 2048 : i32
          %parallel_loop3A_260 = vector.broadcast %parallel_loop3A_259 : i32 to vector<16xi32>
          %parallel_loop3A_261 = arith.addi %parallel_loop3A_256, %parallel_loop3A_260 : vector<16xi32>
          %parallel_loop3A_262 = arith.select %parallel_loop3A_258, %parallel_loop3A_261, %parallel_loop3A_256 : vector<16xi1>, vector<16xi32>
          tpu.vector_store_idx %arg8[%parallel_loop3A_262], %broadcast_in_dim3A_184 {add = true} : memref<4096xi32, #tpu.memory_space<vmem>>[vector<16xi32>], vector<16xi32>,
        } {sc.loop_unroll_factor = 8 : i64, sc.parallel_access}
        %parallel_loop3A_194 = arith.constant 0 : i32
        %parallel_loop3A_195 = arith.constant 512 : i32
        %parallel_loop3A_196 = arith.constant 1 : i32
        scf.for %parallel_loop3A_203 = %parallel_loop3A_194 to %parallel_loop3A_195 step %parallel_loop3A_196  : i32 {
          %parallel_loop3A_204 = arith.constant 32 : i32
          %parallel_loop3A_205 = arith.divsi %parallel_loop3A_203, %parallel_loop3A_204 : i32
          %parallel_loop3A_206 = arith.constant 0 : i32
          %parallel_loop3A_207 = arith.cmpi sgt, %parallel_loop3A_203, %parallel_loop3A_206 : i32
          %parallel_loop3A_208 = arith.extui %parallel_loop3A_207 : i1 to i32
          %parallel_loop3A_209 = arith.constant 0 : i32
          %parallel_loop3A_210 = arith.cmpi slt, %parallel_loop3A_203, %parallel_loop3A_209 : i32
          %parallel_loop3A_211 = arith.extui %parallel_loop3A_210 : i1 to i32
          %parallel_loop3A_212 = arith.subi %parallel_loop3A_208, %parallel_loop3A_211 : i32
          %parallel_loop3A_213 = arith.constant 0 : i32
          %parallel_loop3A_214 = arith.cmpi sgt, %parallel_loop3A_204, %parallel_loop3A_213 : i32
          %parallel_loop3A_215 = arith.extui %parallel_loop3A_214 : i1 to i32
          %parallel_loop3A_216 = arith.constant 0 : i32
          %parallel_loop3A_217 = arith.cmpi slt, %parallel_loop3A_204, %parallel_loop3A_216 : i32
          %parallel_loop3A_218 = arith.extui %parallel_loop3A_217 : i1 to i32
          %parallel_loop3A_219 = arith.subi %parallel_loop3A_215, %parallel_loop3A_218 : i32
          %parallel_loop3A_220 = arith.cmpi ne, %parallel_loop3A_212, %parallel_loop3A_219 : i32
          %parallel_loop3A_221 = arith.remsi %parallel_loop3A_203, %parallel_loop3A_204 : i32
          %parallel_loop3A_222 = arith.constant 0 : i32
          %parallel_loop3A_223 = arith.cmpi ne, %parallel_loop3A_221, %parallel_loop3A_222 : i32
          %parallel_loop3A_224 = arith.andi %parallel_loop3A_220, %parallel_loop3A_223 : i1
          %parallel_loop3A_225 = arith.constant 1 : i32
          %parallel_loop3A_226 = arith.subi %parallel_loop3A_205, %parallel_loop3A_225 : i32
          %parallel_loop3A_227 = arith.select %parallel_loop3A_224, %parallel_loop3A_226, %parallel_loop3A_205 : i32
          %parallel_loop3A_228 = arith.constant 32 : i32
          %parallel_loop3A_229 = arith.remsi %parallel_loop3A_203, %parallel_loop3A_228 : i32
          %parallel_loop3A_230 = arith.constant 16 : i32
          %parallel_loop3A_231 = arith.muli %parallel_loop3A_229, %parallel_loop3A_230 : i32
          %parallel_loop3A_232 = arith.constant 1 : i32
          %parallel_loop3A_233 = arith.constant 3 : i32
          %parallel_loop3A_234 = arith.index_cast %parallel_loop3A_232 : i32 to index
          %parallel_loop3A_235 = arith.index_cast %parallel_loop3A_233 : i32 to index
          %parallel_loop3A_236 = arith.index_cast %parallel_loop3A_227 : i32 to index
          %parallel_loop3A_237 = arith.index_cast %parallel_loop3A_231 : i32 to index
          %parallel_loop3A_238 = tpu.vector_load %arg6[%parallel_loop3A_234, %parallel_loop3A_235, %parallel_loop3A_236, %parallel_loop3A_237] {strides = array<i32>} : memref<2x4x16x512xf32, #tpu.memory_space<vmem>>, vector<16xf32>,
          %parallel_loop3A_239 = arith.constant 3 : i32
          %parallel_loop3A_240 = arith.index_cast %parallel_loop3A_239 : i32 to index
          %parallel_loop3A_241 = arith.index_cast %parallel_loop3A_227 : i32 to index
          %parallel_loop3A_242 = arith.index_cast %parallel_loop3A_231 : i32 to index
          %parallel_loop3A_243 = tpu.vector_load %arg5[%parallel_loop3A_240, %parallel_loop3A_241, %parallel_loop3A_242] {strides = array<i32>} : memref<4x16x512xi32, #tpu.memory_space<vmem>>, vector<16xi32>,
          %parallel_loop3A_244 = arith.constant 6.000000e+00 : f32
          %parallel_loop3A_245 = vector.broadcast %parallel_loop3A_244 : f32 to vector<16xf32>
          %parallel_loop3A_246 = arith.addf %parallel_loop3A_238, %parallel_loop3A_245 : vector<16xf32>
          %parallel_loop3A_247 = arith.constant 170.666672 : f32
          %parallel_loop3A_248 = vector.broadcast %parallel_loop3A_247 : f32 to vector<16xf32>
          %parallel_loop3A_249 = arith.mulf %parallel_loop3A_246, %parallel_loop3A_248 : vector<16xf32>
          %parallel_loop3A_250 = arith.constant 0.000000e+00 : f32
          %parallel_loop3A_251 = arith.constant 2.047000e+03 : f32
          %parallel_loop3A_252 = vector.broadcast %parallel_loop3A_250 : f32 to vector<16xf32>
          %parallel_loop3A_253 = arith.maximumf %parallel_loop3A_252, %parallel_loop3A_249 : vector<16xf32>
          %parallel_loop3A_254 = vector.broadcast %parallel_loop3A_251 : f32 to vector<16xf32>
          %parallel_loop3A_255 = arith.minimumf %parallel_loop3A_254, %parallel_loop3A_253 : vector<16xf32>
          %parallel_loop3A_256 = arith.fptosi %parallel_loop3A_255 : vector<16xf32> to vector<16xi32>
          %parallel_loop3A_257 = vector.broadcast %scan3A_99 : i32 to vector<16xi32>
          %parallel_loop3A_258 = arith.cmpi eq, %parallel_loop3A_243, %parallel_loop3A_257 : vector<16xi32>
          %parallel_loop3A_259 = arith.constant 2048 : i32
          %parallel_loop3A_260 = vector.broadcast %parallel_loop3A_259 : i32 to vector<16xi32>
          %parallel_loop3A_261 = arith.addi %parallel_loop3A_256, %parallel_loop3A_260 : vector<16xi32>
          %parallel_loop3A_262 = arith.select %parallel_loop3A_258, %parallel_loop3A_261, %parallel_loop3A_256 : vector<16xi1>, vector<16xi32>
          tpu.vector_store_idx %arg8[%parallel_loop3A_262], %broadcast_in_dim3A_184 {add = true} : memref<4096xi32, #tpu.memory_space<vmem>>[vector<16xi32>], vector<16xi32>,
        } {sc.loop_unroll_factor = 8 : i64, sc.parallel_access}
        %dma_start3A_197 = arith.constant 0 : i32
        %dma_start3A_198 = tpu.memref_slice %arg4[%scan3A_99, %add3A, %dma_start3A_197] : memref<21x32x4096xi32, #tpu.memory_space<hbm>> -> memref<1x1x4096xi32, #tpu.memory_space<hbm>>
        %dma_start3A_199 = tpu.memref_squeeze %dma_start3A_198 : memref<1x1x4096xi32, #tpu.memory_space<hbm>> -> memref<4096xi32, #tpu.memory_space<hbm>>
        %dma_start3A_200 = arith.constant 0 : i32
        %dma_start3A_201 = tpu.memref_slice %arg4[%scan3A_99, %add3A, %dma_start3A_200] : memref<21x32x4096xi32, #tpu.memory_space<hbm>> -> memref<1x1x4096xi32, #tpu.memory_space<hbm>>
        %dma_start3A_202 = tpu.memref_squeeze %dma_start3A_201 : memref<1x1x4096xi32, #tpu.memory_space<hbm>> -> memref<4096xi32, #tpu.memory_space<hbm>>
        tpu.enqueue_dma source(%arg8 : memref<4096xi32, #tpu.memory_space<vmem>>) target(%dma_start3A_202 : memref<4096xi32, #tpu.memory_space<hbm>>) target_semaphore(%arg14 : memref<!tpu.dma_semaphore, #tpu.memory_space<semaphore_mem>>)
      } else {
      }
    }
    %scan3A_85 = arith.constant 21 : i32
    %dma_wait3A = arith.constant 19 : i32
    %dma_wait3A_86 = arith.constant 0 : i32
    %dma_wait3A_87 = tpu.memref_slice %arg4[%dma_wait3A, %add3A, %dma_wait3A_86] : memref<21x32x4096xi32, #tpu.memory_space<hbm>> -> memref<1x1x4096xi32, #tpu.memory_space<hbm>>
    %dma_wait3A_88 = tpu.memref_squeeze %dma_wait3A_87 : memref<1x1x4096xi32, #tpu.memory_space<hbm>> -> memref<4096xi32, #tpu.memory_space<hbm>>
    %dma_wait3A_89 = arith.constant 0 : i32
    %dma_wait3A_90 = tpu.memref_slice %arg4[%dma_wait3A, %add3A, %dma_wait3A_89] : memref<21x32x4096xi32, #tpu.memory_space<hbm>> -> memref<1x1x4096xi32, #tpu.memory_space<hbm>>
    %dma_wait3A_91 = tpu.memref_squeeze %dma_wait3A_90 : memref<1x1x4096xi32, #tpu.memory_space<hbm>> -> memref<4096xi32, #tpu.memory_space<hbm>>
    tpu.wait_dma2 semaphore(%arg14 : memref<!tpu.dma_semaphore, #tpu.memory_space<semaphore_mem>>) src(%arg8 : memref<4096xi32, #tpu.memory_space<vmem>>) dst(%dma_wait3A_91 : memref<4096xi32, #tpu.memory_space<hbm>>)
    %dma_wait3A_92 = arith.constant 20 : i32
    %dma_wait3A_93 = arith.constant 0 : i32
    %dma_wait3A_94 = tpu.memref_slice %arg4[%dma_wait3A_92, %add3A, %dma_wait3A_93] : memref<21x32x4096xi32, #tpu.memory_space<hbm>> -> memref<1x1x4096xi32, #tpu.memory_space<hbm>>
    %dma_wait3A_95 = tpu.memref_squeeze %dma_wait3A_94 : memref<1x1x4096xi32, #tpu.memory_space<hbm>> -> memref<4096xi32, #tpu.memory_space<hbm>>
    %dma_wait3A_96 = arith.constant 0 : i32
    %dma_wait3A_97 = tpu.memref_slice %arg4[%dma_wait3A_92, %add3A, %dma_wait3A_96] : memref<21x32x4096xi32, #tpu.memory_space<hbm>> -> memref<1x1x4096xi32, #tpu.memory_space<hbm>>
    %dma_wait3A_98 = tpu.memref_squeeze %dma_wait3A_97 : memref<1x1x4096xi32, #tpu.memory_space<hbm>> -> memref<4096xi32, #tpu.memory_space<hbm>>
    tpu.wait_dma2 semaphore(%arg13 : memref<!tpu.dma_semaphore, #tpu.memory_space<semaphore_mem>>) src(%arg7 : memref<4096xi32, #tpu.memory_space<vmem>>) dst(%dma_wait3A_98 : memref<4096xi32, #tpu.memory_space<hbm>>)
    return
  }
}

module attributes {stable_mosaic.version = 14 : i64} {
  func.func @_tc_integral_body(%arg0: i32, %arg1: memref<21x32x4096xi32, #tpu.memory_space<vmem>>, %arg2: memref<8x128xf32, #tpu.memory_space<vmem>>) attributes {dimension_semantics = [#tpu.dimension_semantics<arbitrary>], iteration_bounds = array<i64: 1>, scalar_prefetch = 0 : i64, scratch_operands = 0 : i64, tpu.core_type = #tpu.core_type<tc>, window_params = [{pipeline_mode = #tpu.pipeline_mode<synchronous>, transform_indices = @transform_0, window_bounds = array<i64: 21, 32, 4096>}, {pipeline_mode = #tpu.pipeline_mode<synchronous>, transform_indices = @transform_1, window_bounds = array<i64: 8, 128>}]} {
    %get3A = arith.constant 0 : index
    %get3A_0 = arith.constant 0 : index
    %get3A_1 = arith.constant 0 : index
    %get3A_2 = vector.load %arg1[%get3A, %get3A_0, %get3A_1] : memref<21x32x4096xi32, #tpu.memory_space<vmem>>, vector<21x1x4096xi32>
    %get3A_3 = vector.shape_cast %get3A_2 : vector<21x1x4096xi32> to vector<21x4096xi32>
    %convert_element_type3A = arith.sitofp %get3A_3 : vector<21x4096xi32> to vector<21x4096xf32>
    %get3A_4 = arith.constant 0 : index
    %get3A_5 = arith.constant 1 : index
    %get3A_6 = arith.constant 0 : index
    %get3A_7 = vector.load %arg1[%get3A_4, %get3A_5, %get3A_6] : memref<21x32x4096xi32, #tpu.memory_space<vmem>>, vector<21x1x4096xi32>
    %get3A_8 = vector.shape_cast %get3A_7 : vector<21x1x4096xi32> to vector<21x4096xi32>
    %convert_element_type3A_9 = arith.sitofp %get3A_8 : vector<21x4096xi32> to vector<21x4096xf32>
    %add3A = arith.addf %convert_element_type3A, %convert_element_type3A_9 : vector<21x4096xf32>
    %get3A_10 = arith.constant 0 : index
    %get3A_11 = arith.constant 2 : index
    %get3A_12 = arith.constant 0 : index
    %get3A_13 = vector.load %arg1[%get3A_10, %get3A_11, %get3A_12] : memref<21x32x4096xi32, #tpu.memory_space<vmem>>, vector<21x1x4096xi32>
    %get3A_14 = vector.shape_cast %get3A_13 : vector<21x1x4096xi32> to vector<21x4096xi32>
    %convert_element_type3A_15 = arith.sitofp %get3A_14 : vector<21x4096xi32> to vector<21x4096xf32>
    %add3A_16 = arith.addf %add3A, %convert_element_type3A_15 : vector<21x4096xf32>
    %get3A_17 = arith.constant 0 : index
    %get3A_18 = arith.constant 3 : index
    %get3A_19 = arith.constant 0 : index
    %get3A_20 = vector.load %arg1[%get3A_17, %get3A_18, %get3A_19] : memref<21x32x4096xi32, #tpu.memory_space<vmem>>, vector<21x1x4096xi32>
    %get3A_21 = vector.shape_cast %get3A_20 : vector<21x1x4096xi32> to vector<21x4096xi32>
    %convert_element_type3A_22 = arith.sitofp %get3A_21 : vector<21x4096xi32> to vector<21x4096xf32>
    %add3A_23 = arith.addf %add3A_16, %convert_element_type3A_22 : vector<21x4096xf32>
    %get3A_24 = arith.constant 0 : index
    %get3A_25 = arith.constant 4 : index
    %get3A_26 = arith.constant 0 : index
    %get3A_27 = vector.load %arg1[%get3A_24, %get3A_25, %get3A_26] : memref<21x32x4096xi32, #tpu.memory_space<vmem>>, vector<21x1x4096xi32>
    %get3A_28 = vector.shape_cast %get3A_27 : vector<21x1x4096xi32> to vector<21x4096xi32>
    %convert_element_type3A_29 = arith.sitofp %get3A_28 : vector<21x4096xi32> to vector<21x4096xf32>
    %add3A_30 = arith.addf %add3A_23, %convert_element_type3A_29 : vector<21x4096xf32>
    %get3A_31 = arith.constant 0 : index
    %get3A_32 = arith.constant 5 : index
    %get3A_33 = arith.constant 0 : index
    %get3A_34 = vector.load %arg1[%get3A_31, %get3A_32, %get3A_33] : memref<21x32x4096xi32, #tpu.memory_space<vmem>>, vector<21x1x4096xi32>
    %get3A_35 = vector.shape_cast %get3A_34 : vector<21x1x4096xi32> to vector<21x4096xi32>
    %convert_element_type3A_36 = arith.sitofp %get3A_35 : vector<21x4096xi32> to vector<21x4096xf32>
    %add3A_37 = arith.addf %add3A_30, %convert_element_type3A_36 : vector<21x4096xf32>
    %get3A_38 = arith.constant 0 : index
    %get3A_39 = arith.constant 6 : index
    %get3A_40 = arith.constant 0 : index
    %get3A_41 = vector.load %arg1[%get3A_38, %get3A_39, %get3A_40] : memref<21x32x4096xi32, #tpu.memory_space<vmem>>, vector<21x1x4096xi32>
    %get3A_42 = vector.shape_cast %get3A_41 : vector<21x1x4096xi32> to vector<21x4096xi32>
    %convert_element_type3A_43 = arith.sitofp %get3A_42 : vector<21x4096xi32> to vector<21x4096xf32>
    %add3A_44 = arith.addf %add3A_37, %convert_element_type3A_43 : vector<21x4096xf32>
    %get3A_45 = arith.constant 0 : index
    %get3A_46 = arith.constant 7 : index
    %get3A_47 = arith.constant 0 : index
    %get3A_48 = vector.load %arg1[%get3A_45, %get3A_46, %get3A_47] : memref<21x32x4096xi32, #tpu.memory_space<vmem>>, vector<21x1x4096xi32>
    %get3A_49 = vector.shape_cast %get3A_48 : vector<21x1x4096xi32> to vector<21x4096xi32>
    %convert_element_type3A_50 = arith.sitofp %get3A_49 : vector<21x4096xi32> to vector<21x4096xf32>
    %add3A_51 = arith.addf %add3A_44, %convert_element_type3A_50 : vector<21x4096xf32>
    %get3A_52 = arith.constant 0 : index
    %get3A_53 = arith.constant 8 : index
    %get3A_54 = arith.constant 0 : index
    %get3A_55 = vector.load %arg1[%get3A_52, %get3A_53, %get3A_54] : memref<21x32x4096xi32, #tpu.memory_space<vmem>>, vector<21x1x4096xi32>
    %get3A_56 = vector.shape_cast %get3A_55 : vector<21x1x4096xi32> to vector<21x4096xi32>
    %convert_element_type3A_57 = arith.sitofp %get3A_56 : vector<21x4096xi32> to vector<21x4096xf32>
    %add3A_58 = arith.addf %add3A_51, %convert_element_type3A_57 : vector<21x4096xf32>
    %get3A_59 = arith.constant 0 : index
    %get3A_60 = arith.constant 9 : index
    %get3A_61 = arith.constant 0 : index
    %get3A_62 = vector.load %arg1[%get3A_59, %get3A_60, %get3A_61] : memref<21x32x4096xi32, #tpu.memory_space<vmem>>, vector<21x1x4096xi32>
    %get3A_63 = vector.shape_cast %get3A_62 : vector<21x1x4096xi32> to vector<21x4096xi32>
    %convert_element_type3A_64 = arith.sitofp %get3A_63 : vector<21x4096xi32> to vector<21x4096xf32>
    %add3A_65 = arith.addf %add3A_58, %convert_element_type3A_64 : vector<21x4096xf32>
    %get3A_66 = arith.constant 0 : index
    %get3A_67 = arith.constant 10 : index
    %get3A_68 = arith.constant 0 : index
    %get3A_69 = vector.load %arg1[%get3A_66, %get3A_67, %get3A_68] : memref<21x32x4096xi32, #tpu.memory_space<vmem>>, vector<21x1x4096xi32>
    %get3A_70 = vector.shape_cast %get3A_69 : vector<21x1x4096xi32> to vector<21x4096xi32>
    %convert_element_type3A_71 = arith.sitofp %get3A_70 : vector<21x4096xi32> to vector<21x4096xf32>
    %add3A_72 = arith.addf %add3A_65, %convert_element_type3A_71 : vector<21x4096xf32>
    %get3A_73 = arith.constant 0 : index
    %get3A_74 = arith.constant 11 : index
    %get3A_75 = arith.constant 0 : index
    %get3A_76 = vector.load %arg1[%get3A_73, %get3A_74, %get3A_75] : memref<21x32x4096xi32, #tpu.memory_space<vmem>>, vector<21x1x4096xi32>
    %get3A_77 = vector.shape_cast %get3A_76 : vector<21x1x4096xi32> to vector<21x4096xi32>
    %convert_element_type3A_78 = arith.sitofp %get3A_77 : vector<21x4096xi32> to vector<21x4096xf32>
    %add3A_79 = arith.addf %add3A_72, %convert_element_type3A_78 : vector<21x4096xf32>
    %get3A_80 = arith.constant 0 : index
    %get3A_81 = arith.constant 12 : index
    %get3A_82 = arith.constant 0 : index
    %get3A_83 = vector.load %arg1[%get3A_80, %get3A_81, %get3A_82] : memref<21x32x4096xi32, #tpu.memory_space<vmem>>, vector<21x1x4096xi32>
    %get3A_84 = vector.shape_cast %get3A_83 : vector<21x1x4096xi32> to vector<21x4096xi32>
    %convert_element_type3A_85 = arith.sitofp %get3A_84 : vector<21x4096xi32> to vector<21x4096xf32>
    %add3A_86 = arith.addf %add3A_79, %convert_element_type3A_85 : vector<21x4096xf32>
    %get3A_87 = arith.constant 0 : index
    %get3A_88 = arith.constant 13 : index
    %get3A_89 = arith.constant 0 : index
    %get3A_90 = vector.load %arg1[%get3A_87, %get3A_88, %get3A_89] : memref<21x32x4096xi32, #tpu.memory_space<vmem>>, vector<21x1x4096xi32>
    %get3A_91 = vector.shape_cast %get3A_90 : vector<21x1x4096xi32> to vector<21x4096xi32>
    %convert_element_type3A_92 = arith.sitofp %get3A_91 : vector<21x4096xi32> to vector<21x4096xf32>
    %add3A_93 = arith.addf %add3A_86, %convert_element_type3A_92 : vector<21x4096xf32>
    %get3A_94 = arith.constant 0 : index
    %get3A_95 = arith.constant 14 : index
    %get3A_96 = arith.constant 0 : index
    %get3A_97 = vector.load %arg1[%get3A_94, %get3A_95, %get3A_96] : memref<21x32x4096xi32, #tpu.memory_space<vmem>>, vector<21x1x4096xi32>
    %get3A_98 = vector.shape_cast %get3A_97 : vector<21x1x4096xi32> to vector<21x4096xi32>
    %convert_element_type3A_99 = arith.sitofp %get3A_98 : vector<21x4096xi32> to vector<21x4096xf32>
    %add3A_100 = arith.addf %add3A_93, %convert_element_type3A_99 : vector<21x4096xf32>
    %get3A_101 = arith.constant 0 : index
    %get3A_102 = arith.constant 15 : index
    %get3A_103 = arith.constant 0 : index
    %get3A_104 = vector.load %arg1[%get3A_101, %get3A_102, %get3A_103] : memref<21x32x4096xi32, #tpu.memory_space<vmem>>, vector<21x1x4096xi32>
    %get3A_105 = vector.shape_cast %get3A_104 : vector<21x1x4096xi32> to vector<21x4096xi32>
    %convert_element_type3A_106 = arith.sitofp %get3A_105 : vector<21x4096xi32> to vector<21x4096xf32>
    %add3A_107 = arith.addf %add3A_100, %convert_element_type3A_106 : vector<21x4096xf32>
    %get3A_108 = arith.constant 0 : index
    %get3A_109 = arith.constant 16 : index
    %get3A_110 = arith.constant 0 : index
    %get3A_111 = vector.load %arg1[%get3A_108, %get3A_109, %get3A_110] : memref<21x32x4096xi32, #tpu.memory_space<vmem>>, vector<21x1x4096xi32>
    %get3A_112 = vector.shape_cast %get3A_111 : vector<21x1x4096xi32> to vector<21x4096xi32>
    %convert_element_type3A_113 = arith.sitofp %get3A_112 : vector<21x4096xi32> to vector<21x4096xf32>
    %add3A_114 = arith.addf %add3A_107, %convert_element_type3A_113 : vector<21x4096xf32>
    %get3A_115 = arith.constant 0 : index
    %get3A_116 = arith.constant 17 : index
    %get3A_117 = arith.constant 0 : index
    %get3A_118 = vector.load %arg1[%get3A_115, %get3A_116, %get3A_117] : memref<21x32x4096xi32, #tpu.memory_space<vmem>>, vector<21x1x4096xi32>
    %get3A_119 = vector.shape_cast %get3A_118 : vector<21x1x4096xi32> to vector<21x4096xi32>
    %convert_element_type3A_120 = arith.sitofp %get3A_119 : vector<21x4096xi32> to vector<21x4096xf32>
    %add3A_121 = arith.addf %add3A_114, %convert_element_type3A_120 : vector<21x4096xf32>
    %get3A_122 = arith.constant 0 : index
    %get3A_123 = arith.constant 18 : index
    %get3A_124 = arith.constant 0 : index
    %get3A_125 = vector.load %arg1[%get3A_122, %get3A_123, %get3A_124] : memref<21x32x4096xi32, #tpu.memory_space<vmem>>, vector<21x1x4096xi32>
    %get3A_126 = vector.shape_cast %get3A_125 : vector<21x1x4096xi32> to vector<21x4096xi32>
    %convert_element_type3A_127 = arith.sitofp %get3A_126 : vector<21x4096xi32> to vector<21x4096xf32>
    %add3A_128 = arith.addf %add3A_121, %convert_element_type3A_127 : vector<21x4096xf32>
    %get3A_129 = arith.constant 0 : index
    %get3A_130 = arith.constant 19 : index
    %get3A_131 = arith.constant 0 : index
    %get3A_132 = vector.load %arg1[%get3A_129, %get3A_130, %get3A_131] : memref<21x32x4096xi32, #tpu.memory_space<vmem>>, vector<21x1x4096xi32>
    %get3A_133 = vector.shape_cast %get3A_132 : vector<21x1x4096xi32> to vector<21x4096xi32>
    %convert_element_type3A_134 = arith.sitofp %get3A_133 : vector<21x4096xi32> to vector<21x4096xf32>
    %add3A_135 = arith.addf %add3A_128, %convert_element_type3A_134 : vector<21x4096xf32>
    %get3A_136 = arith.constant 0 : index
    %get3A_137 = arith.constant 20 : index
    %get3A_138 = arith.constant 0 : index
    %get3A_139 = vector.load %arg1[%get3A_136, %get3A_137, %get3A_138] : memref<21x32x4096xi32, #tpu.memory_space<vmem>>, vector<21x1x4096xi32>
    %get3A_140 = vector.shape_cast %get3A_139 : vector<21x1x4096xi32> to vector<21x4096xi32>
    %convert_element_type3A_141 = arith.sitofp %get3A_140 : vector<21x4096xi32> to vector<21x4096xf32>
    %add3A_142 = arith.addf %add3A_135, %convert_element_type3A_141 : vector<21x4096xf32>
    %get3A_143 = arith.constant 0 : index
    %get3A_144 = arith.constant 21 : index
    %get3A_145 = arith.constant 0 : index
    %get3A_146 = vector.load %arg1[%get3A_143, %get3A_144, %get3A_145] : memref<21x32x4096xi32, #tpu.memory_space<vmem>>, vector<21x1x4096xi32>
    %get3A_147 = vector.shape_cast %get3A_146 : vector<21x1x4096xi32> to vector<21x4096xi32>
    %convert_element_type3A_148 = arith.sitofp %get3A_147 : vector<21x4096xi32> to vector<21x4096xf32>
    %add3A_149 = arith.addf %add3A_142, %convert_element_type3A_148 : vector<21x4096xf32>
    %get3A_150 = arith.constant 0 : index
    %get3A_151 = arith.constant 22 : index
    %get3A_152 = arith.constant 0 : index
    %get3A_153 = vector.load %arg1[%get3A_150, %get3A_151, %get3A_152] : memref<21x32x4096xi32, #tpu.memory_space<vmem>>, vector<21x1x4096xi32>
    %get3A_154 = vector.shape_cast %get3A_153 : vector<21x1x4096xi32> to vector<21x4096xi32>
    %convert_element_type3A_155 = arith.sitofp %get3A_154 : vector<21x4096xi32> to vector<21x4096xf32>
    %add3A_156 = arith.addf %add3A_149, %convert_element_type3A_155 : vector<21x4096xf32>
    %get3A_157 = arith.constant 0 : index
    %get3A_158 = arith.constant 23 : index
    %get3A_159 = arith.constant 0 : index
    %get3A_160 = vector.load %arg1[%get3A_157, %get3A_158, %get3A_159] : memref<21x32x4096xi32, #tpu.memory_space<vmem>>, vector<21x1x4096xi32>
    %get3A_161 = vector.shape_cast %get3A_160 : vector<21x1x4096xi32> to vector<21x4096xi32>
    %convert_element_type3A_162 = arith.sitofp %get3A_161 : vector<21x4096xi32> to vector<21x4096xf32>
    %add3A_163 = arith.addf %add3A_156, %convert_element_type3A_162 : vector<21x4096xf32>
    %get3A_164 = arith.constant 0 : index
    %get3A_165 = arith.constant 24 : index
    %get3A_166 = arith.constant 0 : index
    %get3A_167 = vector.load %arg1[%get3A_164, %get3A_165, %get3A_166] : memref<21x32x4096xi32, #tpu.memory_space<vmem>>, vector<21x1x4096xi32>
    %get3A_168 = vector.shape_cast %get3A_167 : vector<21x1x4096xi32> to vector<21x4096xi32>
    %convert_element_type3A_169 = arith.sitofp %get3A_168 : vector<21x4096xi32> to vector<21x4096xf32>
    %add3A_170 = arith.addf %add3A_163, %convert_element_type3A_169 : vector<21x4096xf32>
    %get3A_171 = arith.constant 0 : index
    %get3A_172 = arith.constant 25 : index
    %get3A_173 = arith.constant 0 : index
    %get3A_174 = vector.load %arg1[%get3A_171, %get3A_172, %get3A_173] : memref<21x32x4096xi32, #tpu.memory_space<vmem>>, vector<21x1x4096xi32>
    %get3A_175 = vector.shape_cast %get3A_174 : vector<21x1x4096xi32> to vector<21x4096xi32>
    %convert_element_type3A_176 = arith.sitofp %get3A_175 : vector<21x4096xi32> to vector<21x4096xf32>
    %add3A_177 = arith.addf %add3A_170, %convert_element_type3A_176 : vector<21x4096xf32>
    %get3A_178 = arith.constant 0 : index
    %get3A_179 = arith.constant 26 : index
    %get3A_180 = arith.constant 0 : index
    %get3A_181 = vector.load %arg1[%get3A_178, %get3A_179, %get3A_180] : memref<21x32x4096xi32, #tpu.memory_space<vmem>>, vector<21x1x4096xi32>
    %get3A_182 = vector.shape_cast %get3A_181 : vector<21x1x4096xi32> to vector<21x4096xi32>
    %convert_element_type3A_183 = arith.sitofp %get3A_182 : vector<21x4096xi32> to vector<21x4096xf32>
    %add3A_184 = arith.addf %add3A_177, %convert_element_type3A_183 : vector<21x4096xf32>
    %get3A_185 = arith.constant 0 : index
    %get3A_186 = arith.constant 27 : index
    %get3A_187 = arith.constant 0 : index
    %get3A_188 = vector.load %arg1[%get3A_185, %get3A_186, %get3A_187] : memref<21x32x4096xi32, #tpu.memory_space<vmem>>, vector<21x1x4096xi32>
    %get3A_189 = vector.shape_cast %get3A_188 : vector<21x1x4096xi32> to vector<21x4096xi32>
    %convert_element_type3A_190 = arith.sitofp %get3A_189 : vector<21x4096xi32> to vector<21x4096xf32>
    %add3A_191 = arith.addf %add3A_184, %convert_element_type3A_190 : vector<21x4096xf32>
    %get3A_192 = arith.constant 0 : index
    %get3A_193 = arith.constant 28 : index
    %get3A_194 = arith.constant 0 : index
    %get3A_195 = vector.load %arg1[%get3A_192, %get3A_193, %get3A_194] : memref<21x32x4096xi32, #tpu.memory_space<vmem>>, vector<21x1x4096xi32>
    %get3A_196 = vector.shape_cast %get3A_195 : vector<21x1x4096xi32> to vector<21x4096xi32>
    %convert_element_type3A_197 = arith.sitofp %get3A_196 : vector<21x4096xi32> to vector<21x4096xf32>
    %add3A_198 = arith.addf %add3A_191, %convert_element_type3A_197 : vector<21x4096xf32>
    %get3A_199 = arith.constant 0 : index
    %get3A_200 = arith.constant 29 : index
    %get3A_201 = arith.constant 0 : index
    %get3A_202 = vector.load %arg1[%get3A_199, %get3A_200, %get3A_201] : memref<21x32x4096xi32, #tpu.memory_space<vmem>>, vector<21x1x4096xi32>
    %get3A_203 = vector.shape_cast %get3A_202 : vector<21x1x4096xi32> to vector<21x4096xi32>
    %convert_element_type3A_204 = arith.sitofp %get3A_203 : vector<21x4096xi32> to vector<21x4096xf32>
    %add3A_205 = arith.addf %add3A_198, %convert_element_type3A_204 : vector<21x4096xf32>
    %get3A_206 = arith.constant 0 : index
    %get3A_207 = arith.constant 30 : index
    %get3A_208 = arith.constant 0 : index
    %get3A_209 = vector.load %arg1[%get3A_206, %get3A_207, %get3A_208] : memref<21x32x4096xi32, #tpu.memory_space<vmem>>, vector<21x1x4096xi32>
    %get3A_210 = vector.shape_cast %get3A_209 : vector<21x1x4096xi32> to vector<21x4096xi32>
    %convert_element_type3A_211 = arith.sitofp %get3A_210 : vector<21x4096xi32> to vector<21x4096xf32>
    %add3A_212 = arith.addf %add3A_205, %convert_element_type3A_211 : vector<21x4096xf32>
    %get3A_213 = arith.constant 0 : index
    %get3A_214 = arith.constant 31 : index
    %get3A_215 = arith.constant 0 : index
    %get3A_216 = vector.load %arg1[%get3A_213, %get3A_214, %get3A_215] : memref<21x32x4096xi32, #tpu.memory_space<vmem>>, vector<21x1x4096xi32>
    %get3A_217 = vector.shape_cast %get3A_216 : vector<21x1x4096xi32> to vector<21x4096xi32>
    %convert_element_type3A_218 = arith.sitofp %get3A_217 : vector<21x4096xi32> to vector<21x4096xf32>
    %add3A_219 = arith.addf %add3A_212, %convert_element_type3A_218 : vector<21x4096xf32>
    %slice3A = vector.extract_strided_slice %add3A_219 {offsets = [0, 0], sizes = [21, 2048], strides = [1, 1]} : vector<21x4096xf32> to vector<21x2048xf32>
    %slice3A_220 = vector.extract_strided_slice %add3A_219 {offsets = [0, 2048], sizes = [21, 2048], strides = [1, 1]} : vector<21x4096xf32> to vector<21x2048xf32>
    %reshape3A = vector.shape_cast %slice3A_220 : vector<21x2048xf32> to vector<336x128xf32>
    %iota3A = tpu.iota {dimensions = array<i32: 0>} : vector<128x128xi32>
    %iota3A_221 = tpu.iota {dimensions = array<i32: 1>} : vector<128x128xi32>
    %add3A_222 = arith.addi %iota3A, %iota3A_221 : vector<128x128xi32>
    %eq3A = arith.constant 127 : i32
    %eq3A_223 = vector.broadcast %eq3A : i32 to vector<128x128xi32>
    %eq3A_224 = arith.cmpi eq, %add3A_222, %eq3A_223 : vector<128x128xi32>
    %convert_element_type3A_225 = arith.extui %eq3A_224 : vector<128x128xi1> to vector<128x128xi32>
    %convert_element_type3A_226 = arith.sitofp %convert_element_type3A_225 : vector<128x128xi32> to vector<128x128xf32>
    %iota3A_227 = tpu.iota {dimensions = array<i32: 0>} : vector<336x336xi32>
    %iota3A_228 = tpu.iota {dimensions = array<i32: 1>} : vector<336x336xi32>
    %jit3A = arith.constant 16 : i32
    %div3A = vector.broadcast %jit3A : i32 to vector<336x336xi32>
    %div3A_229 = arith.divsi %iota3A_227, %div3A : vector<336x336xi32>
    %sign3A = arith.constant 0 : i32
    %sign3A_230 = vector.broadcast %sign3A : i32 to vector<336x336xi32>
    %sign3A_231 = arith.cmpi sgt, %iota3A_227, %sign3A_230 : vector<336x336xi32>
    %sign3A_232 = arith.extui %sign3A_231 : vector<336x336xi1> to vector<336x336xi32>
    %sign3A_233 = arith.constant 0 : i32
    %sign3A_234 = vector.broadcast %sign3A_233 : i32 to vector<336x336xi32>
    %sign3A_235 = arith.cmpi slt, %iota3A_227, %sign3A_234 : vector<336x336xi32>
    %sign3A_236 = arith.extui %sign3A_235 : vector<336x336xi1> to vector<336x336xi32>
    %sign3A_237 = arith.subi %sign3A_232, %sign3A_236 : vector<336x336xi32>
    %sign3A_238 = arith.constant 0 : i32
    %sign3A_239 = arith.cmpi sgt, %jit3A, %sign3A_238 : i32
    %sign3A_240 = arith.extui %sign3A_239 : i1 to i32
    %sign3A_241 = arith.constant 0 : i32
    %sign3A_242 = arith.cmpi slt, %jit3A, %sign3A_241 : i32
    %sign3A_243 = arith.extui %sign3A_242 : i1 to i32
    %sign3A_244 = arith.subi %sign3A_240, %sign3A_243 : i32
    %ne3A = vector.broadcast %sign3A_244 : i32 to vector<336x336xi32>
    %ne3A_245 = arith.cmpi ne, %sign3A_237, %ne3A : vector<336x336xi32>
    %rem3A = vector.broadcast %jit3A : i32 to vector<336x336xi32>
    %rem3A_246 = arith.remsi %iota3A_227, %rem3A : vector<336x336xi32>
    %ne3A_247 = arith.constant 0 : i32
    %ne3A_248 = vector.broadcast %ne3A_247 : i32 to vector<336x336xi32>
    %ne3A_249 = arith.cmpi ne, %rem3A_246, %ne3A_248 : vector<336x336xi32>
    %and3A = arith.andi %ne3A_245, %ne3A_249 : vector<336x336xi1>
    %sub3A = arith.constant 1 : i32
    %sub3A_250 = vector.broadcast %sub3A : i32 to vector<336x336xi32>
    %sub3A_251 = arith.subi %div3A_229, %sub3A_250 : vector<336x336xi32>
    %select_n3A = arith.select %and3A, %sub3A_251, %div3A_229 : vector<336x336xi1>, vector<336x336xi32>
    %jit3A_252 = arith.constant 16 : i32
    %div3A_253 = vector.broadcast %jit3A_252 : i32 to vector<336x336xi32>
    %div3A_254 = arith.divsi %iota3A_228, %div3A_253 : vector<336x336xi32>
    %sign3A_255 = arith.constant 0 : i32
    %sign3A_256 = vector.broadcast %sign3A_255 : i32 to vector<336x336xi32>
    %sign3A_257 = arith.cmpi sgt, %iota3A_228, %sign3A_256 : vector<336x336xi32>
    %sign3A_258 = arith.extui %sign3A_257 : vector<336x336xi1> to vector<336x336xi32>
    %sign3A_259 = arith.constant 0 : i32
    %sign3A_260 = vector.broadcast %sign3A_259 : i32 to vector<336x336xi32>
    %sign3A_261 = arith.cmpi slt, %iota3A_228, %sign3A_260 : vector<336x336xi32>
    %sign3A_262 = arith.extui %sign3A_261 : vector<336x336xi1> to vector<336x336xi32>
    %sign3A_263 = arith.subi %sign3A_258, %sign3A_262 : vector<336x336xi32>
    %sign3A_264 = arith.constant 0 : i32
    %sign3A_265 = arith.cmpi sgt, %jit3A_252, %sign3A_264 : i32
    %sign3A_266 = arith.extui %sign3A_265 : i1 to i32
    %sign3A_267 = arith.constant 0 : i32
    %sign3A_268 = arith.cmpi slt, %jit3A_252, %sign3A_267 : i32
    %sign3A_269 = arith.extui %sign3A_268 : i1 to i32
    %sign3A_270 = arith.subi %sign3A_266, %sign3A_269 : i32
    %ne3A_271 = vector.broadcast %sign3A_270 : i32 to vector<336x336xi32>
    %ne3A_272 = arith.cmpi ne, %sign3A_263, %ne3A_271 : vector<336x336xi32>
    %rem3A_273 = vector.broadcast %jit3A_252 : i32 to vector<336x336xi32>
    %rem3A_274 = arith.remsi %iota3A_228, %rem3A_273 : vector<336x336xi32>
    %ne3A_275 = arith.constant 0 : i32
    %ne3A_276 = vector.broadcast %ne3A_275 : i32 to vector<336x336xi32>
    %ne3A_277 = arith.cmpi ne, %rem3A_274, %ne3A_276 : vector<336x336xi32>
    %and3A_278 = arith.andi %ne3A_272, %ne3A_277 : vector<336x336xi1>
    %sub3A_279 = arith.constant 1 : i32
    %sub3A_280 = vector.broadcast %sub3A_279 : i32 to vector<336x336xi32>
    %sub3A_281 = arith.subi %div3A_254, %sub3A_280 : vector<336x336xi32>
    %select_n3A_282 = arith.select %and3A_278, %sub3A_281, %div3A_254 : vector<336x336xi1>, vector<336x336xi32>
    %eq3A_283 = arith.cmpi eq, %select_n3A, %select_n3A_282 : vector<336x336xi32>
    %jit3A_284 = arith.constant 16 : i32
    %eq3A_285 = arith.constant 0 : i32
    %eq3A_286 = arith.cmpi eq, %jit3A_284, %eq3A_285 : i32
    %jit3A_287 = arith.constant 1 : i32
    %select_n3A_288 = arith.select %eq3A_286, %jit3A_287, %jit3A_284 : i32
    %rem3A_289 = vector.broadcast %select_n3A_288 : i32 to vector<336x336xi32>
    %rem3A_290 = arith.remsi %iota3A_227, %rem3A_289 : vector<336x336xi32>
    %ne3A_291 = arith.constant 0 : i32
    %ne3A_292 = vector.broadcast %ne3A_291 : i32 to vector<336x336xi32>
    %ne3A_293 = arith.cmpi ne, %rem3A_290, %ne3A_292 : vector<336x336xi32>
    %lt3A = arith.constant 0 : i32
    %lt3A_294 = vector.broadcast %lt3A : i32 to vector<336x336xi32>
    %lt3A_295 = arith.cmpi slt, %rem3A_290, %lt3A_294 : vector<336x336xi32>
    %lt3A_296 = arith.constant 0 : i32
    %lt3A_297 = arith.cmpi slt, %select_n3A_288, %lt3A_296 : i32
    %ne3A_298 = vector.broadcast %lt3A_297 : i1 to vector<336x336xi1>
    %ne3A_299 = vector.broadcast %ne3A_298 : vector<336x336xi1> to vector<336x336xi1>
    %ne3A_300 = arith.xori %lt3A_295, %ne3A_299 : vector<336x336xi1>
    %and3A_301 = arith.andi %ne3A_300, %ne3A_293 : vector<336x336xi1>
    %add3A_302 = vector.broadcast %select_n3A_288 : i32 to vector<336x336xi32>
    %add3A_303 = arith.addi %rem3A_290, %add3A_302 : vector<336x336xi32>
    %select_n3A_304 = arith.select %and3A_301, %add3A_303, %rem3A_290 : vector<336x336xi1>, vector<336x336xi32>
    %jit3A_305 = arith.constant 16 : i32
    %eq3A_306 = arith.constant 0 : i32
    %eq3A_307 = arith.cmpi eq, %jit3A_305, %eq3A_306 : i32
    %jit3A_308 = arith.constant 1 : i32
    %select_n3A_309 = arith.select %eq3A_307, %jit3A_308, %jit3A_305 : i32
    %rem3A_310 = vector.broadcast %select_n3A_309 : i32 to vector<336x336xi32>
    %rem3A_311 = arith.remsi %iota3A_228, %rem3A_310 : vector<336x336xi32>
    %ne3A_312 = arith.constant 0 : i32
    %ne3A_313 = vector.broadcast %ne3A_312 : i32 to vector<336x336xi32>
    %ne3A_314 = arith.cmpi ne, %rem3A_311, %ne3A_313 : vector<336x336xi32>
    %lt3A_315 = arith.constant 0 : i32
    %lt3A_316 = vector.broadcast %lt3A_315 : i32 to vector<336x336xi32>
    %lt3A_317 = arith.cmpi slt, %rem3A_311, %lt3A_316 : vector<336x336xi32>
    %lt3A_318 = arith.constant 0 : i32
    %lt3A_319 = arith.cmpi slt, %select_n3A_309, %lt3A_318 : i32
    %ne3A_320 = vector.broadcast %lt3A_319 : i1 to vector<336x336xi1>
    %ne3A_321 = vector.broadcast %ne3A_320 : vector<336x336xi1> to vector<336x336xi1>
    %ne3A_322 = arith.xori %lt3A_317, %ne3A_321 : vector<336x336xi1>
    %and3A_323 = arith.andi %ne3A_322, %ne3A_314 : vector<336x336xi1>
    %add3A_324 = vector.broadcast %select_n3A_309 : i32 to vector<336x336xi32>
    %add3A_325 = arith.addi %rem3A_311, %add3A_324 : vector<336x336xi32>
    %select_n3A_326 = arith.select %and3A_323, %add3A_325, %rem3A_311 : vector<336x336xi1>, vector<336x336xi32>
    %add3A_327 = arith.addi %select_n3A_304, %select_n3A_326 : vector<336x336xi32>
    %eq3A_328 = arith.constant 15 : i32
    %eq3A_329 = vector.broadcast %eq3A_328 : i32 to vector<336x336xi32>
    %eq3A_330 = arith.cmpi eq, %add3A_327, %eq3A_329 : vector<336x336xi32>
    %and3A_331 = arith.andi %eq3A_283, %eq3A_330 : vector<336x336xi1>
    %convert_element_type3A_332 = arith.extui %and3A_331 : vector<336x336xi1> to vector<336x336xi32>
    %convert_element_type3A_333 = arith.sitofp %convert_element_type3A_332 : vector<336x336xi32> to vector<336x336xf32>
    %dot_general3A = arith.constant dense<0.000000e+00> : vector<336x128xf32>
    %dot_general3A_334 = tpu.matmul %reshape3A, %convert_element_type3A_226, %dot_general3A {dimension_numbers = #tpu.dot_dimension_numbers<[1], [0], [0], [1], [0, 0, 1, 1], [], []>, transpose_lhs_hint = false} : vector<336x128xf32>, vector<128x128xf32>, vector<336x128xf32> -> vector<336x128xf32>
    %dot_general3A_335 = arith.constant dense<0.000000e+00> : vector<336x128xf32>
    %dot_general3A_336 = tpu.matmul %convert_element_type3A_333, %dot_general3A_334, %dot_general3A_335 {dimension_numbers = #tpu.dot_dimension_numbers<[1], [0], [0], [1], [0, 0, 1, 1], [], []>, transpose_lhs_hint = false} : vector<336x336xf32>, vector<336x128xf32>, vector<336x128xf32> -> vector<336x128xf32>
    %reshape3A_337 = vector.shape_cast %dot_general3A_336 : vector<336x128xf32> to vector<21x2048xf32>
    %add3A_338 = arith.addf %slice3A, %reshape3A_337 : vector<21x2048xf32>
    %broadcast_in_dim3A = arith.constant 0.000000e+00 : f32
    %broadcast_in_dim3A_339 = vector.broadcast %broadcast_in_dim3A : f32 to vector<21x1xf32>
    %slice3A_340 = vector.extract_strided_slice %add3A_338 {offsets = [0, 0], sizes = [21, 2047], strides = [1, 1]} : vector<21x2048xf32> to vector<21x2047xf32>
    %concatenate3A = tpu.concatenate %broadcast_in_dim3A_339, %slice3A_340 in 1 : vector<21x1xf32>, vector<21x2047xf32> -> vector<21x2048xf32>
    %add3A_341 = arith.addf %add3A_338, %concatenate3A : vector<21x2048xf32>
    %broadcast_in_dim3A_342 = arith.constant 0.000000e+00 : f32
    %broadcast_in_dim3A_343 = vector.broadcast %broadcast_in_dim3A_342 : f32 to vector<21x2xf32>
    %slice3A_344 = vector.extract_strided_slice %add3A_341 {offsets = [0, 0], sizes = [21, 2046], strides = [1, 1]} : vector<21x2048xf32> to vector<21x2046xf32>
    %concatenate3A_345 = tpu.concatenate %broadcast_in_dim3A_343, %slice3A_344 in 1 : vector<21x2xf32>, vector<21x2046xf32> -> vector<21x2048xf32>
    %add3A_346 = arith.addf %add3A_341, %concatenate3A_345 : vector<21x2048xf32>
    %broadcast_in_dim3A_347 = arith.constant 0.000000e+00 : f32
    %broadcast_in_dim3A_348 = vector.broadcast %broadcast_in_dim3A_347 : f32 to vector<21x4xf32>
    %slice3A_349 = vector.extract_strided_slice %add3A_346 {offsets = [0, 0], sizes = [21, 2044], strides = [1, 1]} : vector<21x2048xf32> to vector<21x2044xf32>
    %concatenate3A_350 = tpu.concatenate %broadcast_in_dim3A_348, %slice3A_349 in 1 : vector<21x4xf32>, vector<21x2044xf32> -> vector<21x2048xf32>
    %add3A_351 = arith.addf %add3A_346, %concatenate3A_350 : vector<21x2048xf32>
    %broadcast_in_dim3A_352 = arith.constant 0.000000e+00 : f32
    %broadcast_in_dim3A_353 = vector.broadcast %broadcast_in_dim3A_352 : f32 to vector<21x8xf32>
    %slice3A_354 = vector.extract_strided_slice %add3A_351 {offsets = [0, 0], sizes = [21, 2040], strides = [1, 1]} : vector<21x2048xf32> to vector<21x2040xf32>
    %concatenate3A_355 = tpu.concatenate %broadcast_in_dim3A_353, %slice3A_354 in 1 : vector<21x8xf32>, vector<21x2040xf32> -> vector<21x2048xf32>
    %add3A_356 = arith.addf %add3A_351, %concatenate3A_355 : vector<21x2048xf32>
    %broadcast_in_dim3A_357 = arith.constant 0.000000e+00 : f32
    %broadcast_in_dim3A_358 = vector.broadcast %broadcast_in_dim3A_357 : f32 to vector<21x16xf32>
    %slice3A_359 = vector.extract_strided_slice %add3A_356 {offsets = [0, 0], sizes = [21, 2032], strides = [1, 1]} : vector<21x2048xf32> to vector<21x2032xf32>
    %concatenate3A_360 = tpu.concatenate %broadcast_in_dim3A_358, %slice3A_359 in 1 : vector<21x16xf32>, vector<21x2032xf32> -> vector<21x2048xf32>
    %add3A_361 = arith.addf %add3A_356, %concatenate3A_360 : vector<21x2048xf32>
    %broadcast_in_dim3A_362 = arith.constant 0.000000e+00 : f32
    %broadcast_in_dim3A_363 = vector.broadcast %broadcast_in_dim3A_362 : f32 to vector<21x32xf32>
    %slice3A_364 = vector.extract_strided_slice %add3A_361 {offsets = [0, 0], sizes = [21, 2016], strides = [1, 1]} : vector<21x2048xf32> to vector<21x2016xf32>
    %concatenate3A_365 = tpu.concatenate %broadcast_in_dim3A_363, %slice3A_364 in 1 : vector<21x32xf32>, vector<21x2016xf32> -> vector<21x2048xf32>
    %add3A_366 = arith.addf %add3A_361, %concatenate3A_365 : vector<21x2048xf32>
    %broadcast_in_dim3A_367 = arith.constant 0.000000e+00 : f32
    %broadcast_in_dim3A_368 = vector.broadcast %broadcast_in_dim3A_367 : f32 to vector<21x64xf32>
    %slice3A_369 = vector.extract_strided_slice %add3A_366 {offsets = [0, 0], sizes = [21, 1984], strides = [1, 1]} : vector<21x2048xf32> to vector<21x1984xf32>
    %concatenate3A_370 = tpu.concatenate %broadcast_in_dim3A_368, %slice3A_369 in 1 : vector<21x64xf32>, vector<21x1984xf32> -> vector<21x2048xf32>
    %add3A_371 = arith.addf %add3A_366, %concatenate3A_370 : vector<21x2048xf32>
    %broadcast_in_dim3A_372 = arith.constant 0.000000e+00 : f32
    %broadcast_in_dim3A_373 = vector.broadcast %broadcast_in_dim3A_372 : f32 to vector<21x128xf32>
    %slice3A_374 = vector.extract_strided_slice %add3A_371 {offsets = [0, 0], sizes = [21, 1920], strides = [1, 1]} : vector<21x2048xf32> to vector<21x1920xf32>
    %concatenate3A_375 = tpu.concatenate %broadcast_in_dim3A_373, %slice3A_374 in 1 : vector<21x128xf32>, vector<21x1920xf32> -> vector<21x2048xf32>
    %add3A_376 = arith.addf %add3A_371, %concatenate3A_375 : vector<21x2048xf32>
    %broadcast_in_dim3A_377 = arith.constant 0.000000e+00 : f32
    %broadcast_in_dim3A_378 = vector.broadcast %broadcast_in_dim3A_377 : f32 to vector<21x256xf32>
    %slice3A_379 = vector.extract_strided_slice %add3A_376 {offsets = [0, 0], sizes = [21, 1792], strides = [1, 1]} : vector<21x2048xf32> to vector<21x1792xf32>
    %concatenate3A_380 = tpu.concatenate %broadcast_in_dim3A_378, %slice3A_379 in 1 : vector<21x256xf32>, vector<21x1792xf32> -> vector<21x2048xf32>
    %add3A_381 = arith.addf %add3A_376, %concatenate3A_380 : vector<21x2048xf32>
    %broadcast_in_dim3A_382 = arith.constant 0.000000e+00 : f32
    %broadcast_in_dim3A_383 = vector.broadcast %broadcast_in_dim3A_382 : f32 to vector<21x512xf32>
    %slice3A_384 = vector.extract_strided_slice %add3A_381 {offsets = [0, 0], sizes = [21, 1536], strides = [1, 1]} : vector<21x2048xf32> to vector<21x1536xf32>
    %concatenate3A_385 = tpu.concatenate %broadcast_in_dim3A_383, %slice3A_384 in 1 : vector<21x512xf32>, vector<21x1536xf32> -> vector<21x2048xf32>
    %add3A_386 = arith.addf %add3A_381, %concatenate3A_385 : vector<21x2048xf32>
    %broadcast_in_dim3A_387 = arith.constant 0.000000e+00 : f32
    %broadcast_in_dim3A_388 = vector.broadcast %broadcast_in_dim3A_387 : f32 to vector<21x1024xf32>
    %slice3A_389 = vector.extract_strided_slice %add3A_386 {offsets = [0, 0], sizes = [21, 1024], strides = [1, 1]} : vector<21x2048xf32> to vector<21x1024xf32>
    %concatenate3A_390 = tpu.concatenate %broadcast_in_dim3A_388, %slice3A_389 in 1 : vector<21x1024xf32>, vector<21x1024xf32> -> vector<21x2048xf32>
    %add3A_391 = arith.addf %add3A_386, %concatenate3A_390 : vector<21x2048xf32>
    %broadcast_in_dim3A_392 = arith.constant 0.000000e+00 : f32
    %broadcast_in_dim3A_393 = vector.broadcast %broadcast_in_dim3A_392 : f32 to vector<21x1xf32>
    %slice3A_394 = vector.extract_strided_slice %reshape3A_337 {offsets = [0, 0], sizes = [21, 2047], strides = [1, 1]} : vector<21x2048xf32> to vector<21x2047xf32>
    %concatenate3A_395 = tpu.concatenate %broadcast_in_dim3A_393, %slice3A_394 in 1 : vector<21x1xf32>, vector<21x2047xf32> -> vector<21x2048xf32>
    %add3A_396 = arith.addf %reshape3A_337, %concatenate3A_395 : vector<21x2048xf32>
    %broadcast_in_dim3A_397 = arith.constant 0.000000e+00 : f32
    %broadcast_in_dim3A_398 = vector.broadcast %broadcast_in_dim3A_397 : f32 to vector<21x2xf32>
    %slice3A_399 = vector.extract_strided_slice %add3A_396 {offsets = [0, 0], sizes = [21, 2046], strides = [1, 1]} : vector<21x2048xf32> to vector<21x2046xf32>
    %concatenate3A_400 = tpu.concatenate %broadcast_in_dim3A_398, %slice3A_399 in 1 : vector<21x2xf32>, vector<21x2046xf32> -> vector<21x2048xf32>
    %add3A_401 = arith.addf %add3A_396, %concatenate3A_400 : vector<21x2048xf32>
    %broadcast_in_dim3A_402 = arith.constant 0.000000e+00 : f32
    %broadcast_in_dim3A_403 = vector.broadcast %broadcast_in_dim3A_402 : f32 to vector<21x4xf32>
    %slice3A_404 = vector.extract_strided_slice %add3A_401 {offsets = [0, 0], sizes = [21, 2044], strides = [1, 1]} : vector<21x2048xf32> to vector<21x2044xf32>
    %concatenate3A_405 = tpu.concatenate %broadcast_in_dim3A_403, %slice3A_404 in 1 : vector<21x4xf32>, vector<21x2044xf32> -> vector<21x2048xf32>
    %add3A_406 = arith.addf %add3A_401, %concatenate3A_405 : vector<21x2048xf32>
    %broadcast_in_dim3A_407 = arith.constant 0.000000e+00 : f32
    %broadcast_in_dim3A_408 = vector.broadcast %broadcast_in_dim3A_407 : f32 to vector<21x8xf32>
    %slice3A_409 = vector.extract_strided_slice %add3A_406 {offsets = [0, 0], sizes = [21, 2040], strides = [1, 1]} : vector<21x2048xf32> to vector<21x2040xf32>
    %concatenate3A_410 = tpu.concatenate %broadcast_in_dim3A_408, %slice3A_409 in 1 : vector<21x8xf32>, vector<21x2040xf32> -> vector<21x2048xf32>
    %add3A_411 = arith.addf %add3A_406, %concatenate3A_410 : vector<21x2048xf32>
    %broadcast_in_dim3A_412 = arith.constant 0.000000e+00 : f32
    %broadcast_in_dim3A_413 = vector.broadcast %broadcast_in_dim3A_412 : f32 to vector<21x16xf32>
    %slice3A_414 = vector.extract_strided_slice %add3A_411 {offsets = [0, 0], sizes = [21, 2032], strides = [1, 1]} : vector<21x2048xf32> to vector<21x2032xf32>
    %concatenate3A_415 = tpu.concatenate %broadcast_in_dim3A_413, %slice3A_414 in 1 : vector<21x16xf32>, vector<21x2032xf32> -> vector<21x2048xf32>
    %add3A_416 = arith.addf %add3A_411, %concatenate3A_415 : vector<21x2048xf32>
    %broadcast_in_dim3A_417 = arith.constant 0.000000e+00 : f32
    %broadcast_in_dim3A_418 = vector.broadcast %broadcast_in_dim3A_417 : f32 to vector<21x32xf32>
    %slice3A_419 = vector.extract_strided_slice %add3A_416 {offsets = [0, 0], sizes = [21, 2016], strides = [1, 1]} : vector<21x2048xf32> to vector<21x2016xf32>
    %concatenate3A_420 = tpu.concatenate %broadcast_in_dim3A_418, %slice3A_419 in 1 : vector<21x32xf32>, vector<21x2016xf32> -> vector<21x2048xf32>
    %add3A_421 = arith.addf %add3A_416, %concatenate3A_420 : vector<21x2048xf32>
    %broadcast_in_dim3A_422 = arith.constant 0.000000e+00 : f32
    %broadcast_in_dim3A_423 = vector.broadcast %broadcast_in_dim3A_422 : f32 to vector<21x64xf32>
    %slice3A_424 = vector.extract_strided_slice %add3A_421 {offsets = [0, 0], sizes = [21, 1984], strides = [1, 1]} : vector<21x2048xf32> to vector<21x1984xf32>
    %concatenate3A_425 = tpu.concatenate %broadcast_in_dim3A_423, %slice3A_424 in 1 : vector<21x64xf32>, vector<21x1984xf32> -> vector<21x2048xf32>
    %add3A_426 = arith.addf %add3A_421, %concatenate3A_425 : vector<21x2048xf32>
    %broadcast_in_dim3A_427 = arith.constant 0.000000e+00 : f32
    %broadcast_in_dim3A_428 = vector.broadcast %broadcast_in_dim3A_427 : f32 to vector<21x128xf32>
    %slice3A_429 = vector.extract_strided_slice %add3A_426 {offsets = [0, 0], sizes = [21, 1920], strides = [1, 1]} : vector<21x2048xf32> to vector<21x1920xf32>
    %concatenate3A_430 = tpu.concatenate %broadcast_in_dim3A_428, %slice3A_429 in 1 : vector<21x128xf32>, vector<21x1920xf32> -> vector<21x2048xf32>
    %add3A_431 = arith.addf %add3A_426, %concatenate3A_430 : vector<21x2048xf32>
    %broadcast_in_dim3A_432 = arith.constant 0.000000e+00 : f32
    %broadcast_in_dim3A_433 = vector.broadcast %broadcast_in_dim3A_432 : f32 to vector<21x256xf32>
    %slice3A_434 = vector.extract_strided_slice %add3A_431 {offsets = [0, 0], sizes = [21, 1792], strides = [1, 1]} : vector<21x2048xf32> to vector<21x1792xf32>
    %concatenate3A_435 = tpu.concatenate %broadcast_in_dim3A_433, %slice3A_434 in 1 : vector<21x256xf32>, vector<21x1792xf32> -> vector<21x2048xf32>
    %add3A_436 = arith.addf %add3A_431, %concatenate3A_435 : vector<21x2048xf32>
    %broadcast_in_dim3A_437 = arith.constant 0.000000e+00 : f32
    %broadcast_in_dim3A_438 = vector.broadcast %broadcast_in_dim3A_437 : f32 to vector<21x512xf32>
    %slice3A_439 = vector.extract_strided_slice %add3A_436 {offsets = [0, 0], sizes = [21, 1536], strides = [1, 1]} : vector<21x2048xf32> to vector<21x1536xf32>
    %concatenate3A_440 = tpu.concatenate %broadcast_in_dim3A_438, %slice3A_439 in 1 : vector<21x512xf32>, vector<21x1536xf32> -> vector<21x2048xf32>
    %add3A_441 = arith.addf %add3A_436, %concatenate3A_440 : vector<21x2048xf32>
    %broadcast_in_dim3A_442 = arith.constant 0.000000e+00 : f32
    %broadcast_in_dim3A_443 = vector.broadcast %broadcast_in_dim3A_442 : f32 to vector<21x1024xf32>
    %slice3A_444 = vector.extract_strided_slice %add3A_441 {offsets = [0, 0], sizes = [21, 1024], strides = [1, 1]} : vector<21x2048xf32> to vector<21x1024xf32>
    %concatenate3A_445 = tpu.concatenate %broadcast_in_dim3A_443, %slice3A_444 in 1 : vector<21x1024xf32>, vector<21x1024xf32> -> vector<21x2048xf32>
    %add3A_446 = arith.addf %add3A_441, %concatenate3A_445 : vector<21x2048xf32>
    %slice3A_447 = vector.extract_strided_slice %add3A_391 {offsets = [0, 2047], sizes = [21, 1], strides = [1, 1]} : vector<21x2048xf32> to vector<21x1xf32>
    %slice3A_448 = vector.extract_strided_slice %add3A_446 {offsets = [0, 2047], sizes = [21, 1], strides = [1, 1]} : vector<21x2048xf32> to vector<21x1xf32>
    %sub3A_449 = vector.broadcast %slice3A_447 : vector<21x1xf32> to vector<21x2048xf32>
    %sub3A_450 = arith.subf %sub3A_449, %add3A_391 : vector<21x2048xf32>
    %sub3A_451 = vector.broadcast %slice3A_448 : vector<21x1xf32> to vector<21x2048xf32>
    %sub3A_452 = arith.subf %sub3A_451, %add3A_446 : vector<21x2048xf32>
    %add3A_453 = arith.addf %sub3A_450, %add3A_338 : vector<21x2048xf32>
    %add3A_454 = arith.addf %sub3A_452, %reshape3A_337 : vector<21x2048xf32>
    %iota3A_455 = tpu.iota {dimensions = array<i32: 1>} : vector<1x2048xi32>
    %convert_element_type3A_456 = arith.sitofp %iota3A_455 : vector<1x2048xi32> to vector<1x2048xf32>
    %add3A_457 = arith.constant 1.000000e+00 : f32
    %add3A_458 = vector.broadcast %add3A_457 : f32 to vector<1x2048xf32>
    %add3A_459 = arith.addf %convert_element_type3A_456, %add3A_458 : vector<1x2048xf32>
    %mul3A = arith.constant 0.005859375 : f32
    %mul3A_460 = vector.broadcast %mul3A : f32 to vector<1x2048xf32>
    %mul3A_461 = arith.mulf %add3A_459, %mul3A_460 : vector<1x2048xf32>
    %add3A_462 = arith.constant -5.000000e+00 : f32
    %add3A_463 = vector.broadcast %add3A_462 : f32 to vector<1x2048xf32>
    %add3A_464 = arith.addf %add3A_463, %mul3A_461 : vector<1x2048xf32>
    %jit3A_465 = arith.constant 0.000000e+00 : f32
    %jit3A_466 = arith.constant 0.005859375 : f32
    %max3A = vector.broadcast %jit3A_465 : f32 to vector<1x2048xf32>
    %max3A_467 = arith.maximumf %max3A, %add3A_464 : vector<1x2048xf32>
    %min3A = vector.broadcast %jit3A_466 : f32 to vector<1x2048xf32>
    %min3A_468 = arith.minimumf %min3A, %max3A_467 : vector<1x2048xf32>
    %mul3A_469 = arith.constant 5.000000e-01 : f32
    %mul3A_470 = vector.broadcast %mul3A_469 : f32 to vector<1x2048xf32>
    %mul3A_471 = arith.mulf %min3A_468, %mul3A_470 : vector<1x2048xf32>
    %sub3A_472 = vector.broadcast %slice3A_448 : vector<21x1xf32> to vector<21x2048xf32>
    %sub3A_473 = arith.subf %sub3A_472, %sub3A_452 : vector<21x2048xf32>
    %add3A_474 = vector.broadcast %slice3A_448 : vector<21x1xf32> to vector<21x2048xf32>
    %add3A_475 = arith.addf %add3A_474, %sub3A_450 : vector<21x2048xf32>
    %sub3A_476 = arith.subf %add3A_475, %sub3A_452 : vector<21x2048xf32>
    %max3A_477 = arith.constant 1.000000e+00 : f32
    %max3A_478 = vector.broadcast %max3A_477 : f32 to vector<21x2048xf32>
    %max3A_479 = arith.maximumf %sub3A_476, %max3A_478 : vector<21x2048xf32>
    %div3A_480 = arith.divf %sub3A_473, %max3A_479 : vector<21x2048xf32>
    %sub3A_481 = arith.constant 1.000000e+00 : f32
    %sub3A_482 = vector.broadcast %sub3A_481 : f32 to vector<21x2048xf32>
    %sub3A_483 = arith.subf %sub3A_482, %div3A_480 : vector<21x2048xf32>
    %sub3A_484 = vector.broadcast %slice3A_448 : vector<21x1xf32> to vector<21x2048xf32>
    %sub3A_485 = arith.subf %sub3A_484, %add3A_454 : vector<21x2048xf32>
    %add3A_486 = vector.broadcast %slice3A_448 : vector<21x1xf32> to vector<21x2048xf32>
    %add3A_487 = arith.addf %add3A_486, %add3A_453 : vector<21x2048xf32>
    %sub3A_488 = arith.subf %add3A_487, %add3A_454 : vector<21x2048xf32>
    %max3A_489 = arith.constant 1.000000e+00 : f32
    %max3A_490 = vector.broadcast %max3A_489 : f32 to vector<21x2048xf32>
    %max3A_491 = arith.maximumf %sub3A_488, %max3A_490 : vector<21x2048xf32>
    %div3A_492 = arith.divf %sub3A_485, %max3A_491 : vector<21x2048xf32>
    %sub3A_493 = arith.constant 1.000000e+00 : f32
    %sub3A_494 = vector.broadcast %sub3A_493 : f32 to vector<21x2048xf32>
    %sub3A_495 = arith.subf %sub3A_494, %div3A_492 : vector<21x2048xf32>
    %add3A_496 = arith.addf %sub3A_483, %sub3A_495 : vector<21x2048xf32>
    %mul3A_497 = vector.broadcast %mul3A_471 : vector<1x2048xf32> to vector<21x2048xf32>
    %mul3A_498 = arith.mulf %mul3A_497, %add3A_496 : vector<21x2048xf32>
    %reduce_sum3A = arith.constant dense<0.000000e+00> : vector<21xf32>
    %reduce_sum3A_499 = vector.multi_reduction <add>, %mul3A_498, %reduce_sum3A [1] : vector<21x2048xf32> to vector<21xf32>
    %broadcast_in_dim3A_500 = vector.shape_cast %reduce_sum3A_499 : vector<21xf32> to vector<21x1xf32>
    %gt3A = arith.constant 0.000000e+00 : f32
    %gt3A_501 = vector.broadcast %gt3A : f32 to vector<21x1xf32>
    %gt3A_502 = arith.cmpf ogt, %slice3A_448, %gt3A_501 : vector<21x1xf32>
    %convert_element_type3A_503 = arith.extui %gt3A_502 : vector<21x1xi1> to vector<21x1xi32>
    %convert_element_type3A_504 = arith.sitofp %convert_element_type3A_503 : vector<21x1xi32> to vector<21x1xf32>
    %gt3A_505 = arith.constant 0.000000e+00 : f32
    %gt3A_506 = vector.broadcast %gt3A_505 : f32 to vector<21x1xf32>
    %gt3A_507 = arith.cmpf ogt, %slice3A_448, %gt3A_506 : vector<21x1xf32>
    %jit3A_508 = arith.constant 0.000000e+00 : f32
    %broadcast_in_dim3A_509 = vector.broadcast %jit3A_508 : f32 to vector<21x1xf32>
    %select_n3A_510 = arith.select %gt3A_507, %broadcast_in_dim3A_500, %broadcast_in_dim3A_509 : vector<21x1xi1>, vector<21x1xf32>
    %reduce_sum3A_511 = vector.shape_cast %select_n3A_510 : vector<21x1xf32> to vector<1x21x1xf32>
    %reduce_sum3A_512 = arith.constant dense<0.000000e+00> : vector<1xf32>
    %reduce_sum3A_513 = vector.multi_reduction <add>, %reduce_sum3A_511, %reduce_sum3A_512 [1, 2] : vector<1x21x1xf32> to vector<1xf32>
    %reduce_sum3A_514 = vector.shape_cast %reduce_sum3A_513 : vector<1xf32> to vector<1x1x1xf32>
    %reduce_sum3A_515 = vector.extract %reduce_sum3A_514[0, 0, 0] : f32 from vector<1x1x1xf32>
    %reduce_sum3A_516 = vector.shape_cast %convert_element_type3A_504 : vector<21x1xf32> to vector<1x21x1xf32>
    %reduce_sum3A_517 = arith.constant dense<0.000000e+00> : vector<1xf32>
    %reduce_sum3A_518 = vector.multi_reduction <add>, %reduce_sum3A_516, %reduce_sum3A_517 [1, 2] : vector<1x21x1xf32> to vector<1xf32>
    %reduce_sum3A_519 = vector.shape_cast %reduce_sum3A_518 : vector<1xf32> to vector<1x1x1xf32>
    %reduce_sum3A_520 = vector.extract %reduce_sum3A_519[0, 0, 0] : f32 from vector<1x1x1xf32>
    %max3A_521 = arith.constant 1.000000e+00 : f32
    %max3A_522 = arith.maximumf %reduce_sum3A_520, %max3A_521 : f32
    %div3A_523 = arith.divf %reduce_sum3A_515, %max3A_522 : f32
    %iota3A_524 = tpu.iota {dimensions = array<i32: 0>} : vector<8x128xi32>
    %iota3A_525 = tpu.iota {dimensions = array<i32: 1>} : vector<8x128xi32>
    %eq3A_526 = arith.constant 0 : i32
    %eq3A_527 = vector.broadcast %eq3A_526 : i32 to vector<8x128xi32>
    %eq3A_528 = arith.cmpi eq, %iota3A_524, %eq3A_527 : vector<8x128xi32>
    %eq3A_529 = arith.constant 0 : i32
    %eq3A_530 = vector.broadcast %eq3A_529 : i32 to vector<8x128xi32>
    %eq3A_531 = arith.cmpi eq, %iota3A_525, %eq3A_530 : vector<8x128xi32>
    %and3A_532 = arith.andi %eq3A_528, %eq3A_531 : vector<8x128xi1>
    %jit3A_533 = arith.constant 0.000000e+00 : f32
    %broadcast_in_dim3A_534 = vector.broadcast %div3A_523 : f32 to vector<8x128xf32>
    %broadcast_in_dim3A_535 = vector.broadcast %jit3A_533 : f32 to vector<8x128xf32>
    %select_n3A_536 = arith.select %and3A_532, %broadcast_in_dim3A_534, %broadcast_in_dim3A_535 : vector<8x128xi1>, vector<8x128xf32>
    %swap3A = arith.constant 0 : index
    %swap3A_537 = arith.constant 0 : index
    %swap3A_538 = vector.load %arg2[%swap3A, %swap3A_537] : memref<8x128xf32, #tpu.memory_space<vmem>>, vector<8x128xf32>
    tpu.vector_store %arg2[%swap3A, %swap3A_537], %select_n3A_536 {strides = array<i32>} : memref<8x128xf32, #tpu.memory_space<vmem>>, vector<8x128xf32>,
    return
  }
  func.func @transform_0(%arg0: i32) -> (i32, i32, i32) {
    %c0_i32 = arith.constant 0 : i32
    %c0_i32_0 = arith.constant 0 : i32
    %c0_i32_1 = arith.constant 0 : i32
    %c0_i32_2 = arith.constant 0 : i32
    return %c0_i32, %c0_i32_0, %c0_i32_1 : i32, i32, i32
  }
  func.func @transform_1(%arg0: i32) -> (i32, i32) {
    %c0_i32 = arith.constant 0 : i32
    %c0_i32_0 = arith.constant 0 : i32
    %c0_i32_1 = arith.constant 0 : i32
    return %c0_i32, %c0_i32_0 : i32, i32
  }
}

</mosaic_0001>

<sc_bundles>
// kernel: kernel.4.cloned.1.call-start
scs
__scs_entry_jumppad:
0x0: {  	(pc) =	sbr.rel $0x88, $3  }
0x1: {  	(tag) =	ssettag $0x0;
	lr =	simm.s32 $0x1  }
0x2: {  	[smem:$0x3F9F] =	sst lr;
	_ =	strace $0xD0000000  }
0x3: {  	_ = 	snop  }
0x4: {  	_ = 	snop  }
0x5: {  	_ = 	snop  }
0x6: {  	_ = 	snop  }
0x7: {  	_ = 	snop  }
__scs_overlays_trampoline_lowered:
0x8: {  	[smem:$0x3FAE] =	sst s0  }
0x9: {  	[smem:$0x3FAF] =	sst s1  }
0xa: {  	[smem:$0x3FB0] =	sst s2  }
0xb: {  	[smem:$0x3FB1] =	sst s3  }
0xc: {  	[smem:$0x3FB2] =	sst s4  }
0xd: {  	[smem:$0x3FB3] =	sst s5  }
0xe: {  	[smem:$0x3FB4] =	sst s6  }
0xf: {  	[smem:$0x3FB5] =	sst s7  }
0x10: {  	[smem:$0x3FB6] =	sst s8  }
0x11: {  	[smem:$0x3FB7] =	sst s9;
	s0 =	simm.s32 @!p0 $0x0  }
0x12: {  	s1 =	sld [smem:$0x3F9D];
	s0 =	simm.s32 @p0 $0x1  }
0x13: {  	[smem:$0x3FB8] =	sst s0;
	s0 =	simm.s32 @!p1 $0x0  }
0x14: {  	s2 =	sld [smem:$0x3F9C];
	s0 =	simm.s32 @p1 $0x1  }
0x15: {  	[smem:$0x3FB9] =	sst s0;
	s0 =	simm.s32 @!p2 $0x0  }
0x16: {  	s3 =	sld [smem:$0x3FDB];
	s0 =	simm.s32 @p2 $0x1  }
0x17: {  	s4 =	simm.s32 $0x1BF5;
	[smem:$0x3FBB] =	sst s0  }
0x18: {  	s0 =	sld [smem:$0x3F9E];
	_ =	swait.ge [sflag:s4], $0x0  }
0x19: {  	s7 =	sld [smem:$0x3F9F]  }
0x1a: {  	s8 =	sadd.s32 $0xFFFFE003, lr  }
0x1b: {  	s9 =	sadd.s32 $0xFFFFFEF7, lr;
	s5 =	simm.s32 $0xFFFFFFFF;
	p2 =	slt.u32 s8, $0xFFFFF086  }
0x1c: {  	p1 =	slt.u32 s9, $0xF7A;
	s5 =	simm.s32 @!p2 $0x0  }
0x1d: {  	s5 =	simm.s32 @p1 $0x1;
	p0 =	seq.s32 s7, s2  }
0x1e: {  	s7 =	smul.u32 @!p0 $0xF7A, s2;
	p2 =	seq.s32 @!p0 s5, $0x0  }
0x1f: {  	s9 =	smul.u32 $0xF7A, s1;
	s8 =	simm.s32 @!p0 $0x1BF5;
	p2 =	por !p2, p0  }
0x20: {  	[sflag:s8] =	ssyncset.s32 @!p0 $0xFFFFF086;
	s6 =	sadd.s32 @!p0 s3, s7;
	s7 =	simm.s32 @!p0 $0x108  }
0x21: {  	s3 =	sadd.s32 s3, s9;
	s6 =	sadd.s32 @!p0 $0x88, s6;
	s7 =	simm.s32 @p2 $0x1082  }
0x22: {  	[simem:s7], [sflag:s8] =	dma.local @!p0 [hbm:s6], $0xF7A  }
0x23: {  	s9 =	sor.u32 $0xD0000000, s2;
	s6 =	simm.s32 $0x108;
	_ =	swait.ge @!p0 [sflag:s8], $0x0  }
0x24: {  	s3 =	sadd.s32 $0x88, s3;
	s6 =	simm.s32 @!p1 $0x1082;
	[sflag:s4] =	ssyncset.s32 $0xFFFFF086  }
0x25: {  	[simem:s6], [sflag:s4] =	dma.local [hbm:s3], $0xF7A  }
0x26: {  	[smem:$0x3F9F] =	sst s1;
	(tag) =	ssettag s2;
	_ =	strace s9  }
0x27: {  	s1 =	sld [smem:$0x3FAF]  }
0x28: {  	s2 =	sld [smem:$0x3FB0]  }
0x29: {  	s4 =	sld [smem:$0x3FB2]  }
0x2a: {  	p0 =	seq.s32 s5, $0x0;
	s5 =	sld [smem:$0x3FB3]  }
0x2b: {  	s6 =	sld [smem:$0x3FB4]  }
0x2c: {  	s7 =	sld [smem:$0x3FB5]  }
0x2d: {  	s3 =	simm.s32 $0x108;
	s8 =	sld [smem:$0x3FB6]  }
0x2e: {  	s3 =	simm.s32 @!p0 $0x1082;
	s9 =	sld [smem:$0x3FB7]  }
0x2f: {  	lr =	sadd.s32 s0, s3;
	s0 =	sld [smem:$0x3FAE]  }
0x30: {  	s3 =	sld [smem:$0x3FB1]  }
0x31: {  	[smem:$0x3FBA] =	sst s10  }
0x32: {  	s10 =	sld [smem:$0x3FB8];
	_ =	sdelay $0x3  }
0x33: {  	p0 =	seq.s32 s10, $0x1;
	s10 =	sld [smem:$0x3FBA];
	_ =	sdelay $0x3  }
0x34: {  	[smem:$0x3FBA] =	sst s10  }
0x35: {  	s10 =	sld [smem:$0x3FB9];
	_ =	sdelay $0x3  }
0x36: {  	p1 =	seq.s32 s10, $0x1;
	s10 =	sld [smem:$0x3FBA];
	_ =	sdelay $0x3  }
0x37: {  	[smem:$0x3FBA] =	sst s10  }
0x38: {  	s10 =	sld [smem:$0x3FBB]  }
0x39: {  	_ = 	snop;
	(pc) =	sbr.ind lr, $3  }
0x3a: {  	_ = 	snop  }
0x3b: {  	_ = 	snop  }
0x3c: {  	p2 =	seq.s32 s10, $0x1;
	s10 =	sld [smem:$0x3FBA]  }
0x3d: {  	_ =	shalt  }
0x3e: {  	_ =	shalt  }
0x3f: {  	_ =	shalt  }
0x40: {  	_ =	shalt  }
0x41: {  	_ =	shalt  }
0x42: {  	_ =	shalt  }
0x43: {  	_ =	shalt  }
0x44: {  	_ =	shalt  }
0x45: {  	_ =	shalt  }
0x46: {  	_ =	shalt  }
0x47: {  	_ =	shalt  }
0x48: {  	_ =	shalt  }
0x49: {  	_ =	shalt  }
0x4a: {  	_ =	shalt  }
0x4b: {  	_ =	shalt  }
0x4c: {  	_ =	shalt  }
0x4d: {  	_ =	shalt  }
0x4e: {  	_ =	shalt  }
0x4f: {  	_ =	shalt  }
0x50: {  	_ =	shalt  }
0x51: {  	_ =	shalt  }
0x52: {  	_ =	shalt  }
0x53: {  	_ =	shalt  }
0x54: {  	_ =	shalt  }
0x55: {  	_ =	shalt  }
0x56: {  	_ =	shalt  }
0x57: {  	_ =	shalt  }
0x58: {  	_ =	shalt  }
0x59: {  	_ =	shalt  }
0x5a: {  	_ =	shalt  }
0x5b: {  	_ =	shalt  }
0x5c: {  	_ =	shalt  }
0x5d: {  	_ =	shalt  }
0x5e: {  	_ =	shalt  }
0x5f: {  	_ =	shalt  }
0x60: {  	_ =	shalt  }
0x61: {  	_ =	shalt  }
0x62: {  	_ =	shalt  }
0x63: {  	_ =	shalt  }
0x64: {  	_ =	shalt  }
0x65: {  	_ =	shalt  }
0x66: {  	_ =	shalt  }
0x67: {  	_ =	shalt  }
0x68: {  	_ =	shalt  }
0x69: {  	_ =	shalt  }
0x6a: {  	_ =	shalt  }
0x6b: {  	_ =	shalt  }
0x6c: {  	_ =	shalt  }
0x6d: {  	_ =	shalt  }
0x6e: {  	_ =	shalt  }
0x6f: {  	_ =	shalt  }
0x70: {  	_ =	shalt  }
0x71: {  	_ =	shalt  }
0x72: {  	_ =	shalt  }
0x73: {  	_ =	shalt  }
0x74: {  	_ =	shalt  }
0x75: {  	_ =	shalt  }
0x76: {  	_ =	shalt  }
0x77: {  	_ =	shalt  }
0x78: {  	_ =	shalt  }
0x79: {  	_ =	shalt  }
0x7a: {  	_ =	shalt  }
0x7b: {  	_ =	shalt  }
0x7c: {  	_ =	shalt  }
0x7d: {  	_ =	shalt  }
0x7e: {  	_ =	shalt  }
0x7f: {  	_ =	shalt  }
0x80: {  	_ =	shalt  }
0x81: {  	_ =	shalt  }
0x82: {  	_ =	shalt  }
0x83: {  	_ =	shalt  }
0x84: {  	_ =	shalt  }
0x85: {  	_ =	shalt  }
0x86: {  	_ =	shalt  }
0x87: {  	_ =	shalt  }
.Lfunc_end0:
.L_simem_size_0:
called_computation_lowered:
.L_overlay_start_0:
0x88: {  	s2 =	sld [smem:$0x3FD9]  }
0x89: {  	s3 =	sld [smem:$0x3FFE];
	_ =	sdelay $0x1  }
0x8a: {  	s1 =	srdreg.scid  }
0x8b: {  	s0 =	sand.u32 $0x1, s1  }
0x8c: {  	s17 =	sshll.u32 s0, $0xA;
	s2 =	sadd.s32 s3, s2  }
0x8d: {  	s2 =	sadd.s32 s2, s17  }
0x8e: {  	[smem:$0x3FC6] =	sst s2  }
0x8f: {  	_ = 	snop  }
0x90: {  	s2 =	sld [smem:$0x3FC9]  }
0x91: {  	s18 =	sld [smem:$0x3FC8];
	(tm) =	ssettm $0x1  }
0x92: {  	s4 =	sld [smem:$0x3FFB];
	_ =	sdelay $0x3  }
0x93: {  	_ =	strace s4  }
0x94: {  	s4 =	sld [smem:$0x3FFC];
	_ =	sdelay $0x3  }
0x95: {  	_ =	strace s4  }
0x96: {  	s4 =	sld [smem:$0x3FFD];
	_ =	sdelay $0x3  }
0x97: {  	_ =	strace s4  }
0x98: {  	_ =	strace $0x8FFFFFFF  }
0x99: {  	s19 =	sld [smem:$0x3FDB];
	_ =	sdelay $0x1  }
0x9a: {  	s5 =	simm.s32 $_scs_section_size  }
0x9b: {  	s6 =	simm.s32 $_size__tile_overlayer_lowered;
	s7 =	simm.s32 $_tile_overlayer_lowered  }
0x9c: {  	s22 =	simm.s32 $0x1BFF;
	s21 =	sshll.u32 s7, $0x1;
	s4 =	sadd.s32 s5, s19  }
0x9d: {  	s8 =	simm.s32 $0x0;
	s20 =	sshll.u32 s6, $0x1;
	s6 =	sadd.s32 s21, s4  }
0x9e: {  	[timem:s8], [sflag:s22] =	dma.local [hbm:s6], s20  }
0x9f: {  	_ =	swait.ge [sflag:s22], s20  }
0xa0: {  	s5 =	ssub.s32 $0x0, s20;
	[sflag:s22] =	ssyncset.done $0x0  }
0xa1: {  	[sflag:s22] =	ssyncadd.s32 s5;
	_ =	sdelay $0x1  }
0xa2: {  	s23 =	simm.s32 $0x1B8B  }
0xa3: {  	_ =	swait.ge [sflag:s23], $0x1  }
0xa4: {  	[sflag:s23] =	ssyncset.done $0x0  }
0xa5: {  	s25 =	simm.s32 $0x1B8E;
	s24 =	sld [smem:$0x3FFE];
	[sflag:s23] =	ssyncadd.s32 $0xFFFFFFFF  }
0xa6: {  	s26 =	simm.s32 $execute0_lowered;
	[smem:$0x3FD2] =	sst s25  }
0xa7: {  	s6 =	sshll.u32 s26, $0x1;
	_ =	strace $0x80000046;
	[dreg:$0x1] =	wrdreg $0xFFFFFFFF  }
0xa8: {  	s28 =	simm.s32 $_size_execute0_lowered;
	s4 =	sadd.s32 s4, s6;
	[dreg:$0x0] =	wrdreg $0x0  }
0xa9: {  	s6 =	sshll.u32 s28, $0x1;
	[dreg:$0x2] =	wrdreg s4  }
0xaa: {  	[dreg:$0x3] =	wrdreg s6  }
0xab: {  	[dreg:$0x4] =	wrdreg $0xC0  }
0xac: {  	_ =	task [dreg:s8], $0x5FFFF  }
0xad: {  	[dreg:$0x1] =	wrdreg $0xFFFFFFFF  }
0xae: {  	[dreg:$0x0] =	wrdreg $0x60  }
0xaf: {  	[dreg:$0x2] =	wrdreg s2  }
0xb0: {  	[dreg:$0x3] =	wrdreg s18  }
0xb1: {  	[dreg:$0x4] =	wrdreg s24  }
0xb2: {  	[dreg:$0x5] =	wrdreg $0x9  }
0xb3: {  	_ =	task.clear_ibuf [dreg:s8], $0x6FFFF;
	_ =	strace $0x90000046  }
0xb4: {  	s29 =	simm.s32 $0x9;
	_ =	strace $0x80000048  }
0xb5: {  	_ =	swait.ge [sflag:s29], $0x1  }
0xb6: {  	[sflag:s29] =	ssyncadd.s32 $0xFFFFFFFF  }
0xb7: {  	_ =	strace $0x90000048  }
0xb8: {  	_ =	sfence  }
0xb9: {  	s30 =	sld [smem:$0x0];
	_ =	sdelay $0x2  }
0xba: {  	s31 =	sshll.u32 s1, $0xD;
	s1 =	sshrl.u32 s1, $0x2  }
0xbb: {  	s3 =	sand.u32 $0x4000, s31;
	s1 =	sadd.s32 s1, s30  }
0xbc: {  	s0 =	sor.u32 s3, s0;
	s1 =	sshll.u32 s1, $0x11  }
0xbd: {  	s0 =	sor.u32 s1, s0  }
0xbe: {  	s0 =	sadd.s32 $0x8F2B, s0  }
0xbf: {  	[sflag:s0] =	ssyncadd.remote.s32 $0x1  }
0xc0: {  	_ =	sfence.sel $0xFFFF  }
0xc1: {  	[dreg:$0x0] =	wrdreg $0xFFFFFFFF;
	(pc) =	sbr.abs _section_cstart, $3  }
0xc2: {  	[dreg:$0x1] =	wrdreg $0xFFFFFFFF  }
0xc3: {  	_ =	task.clear_ibuf [dreg:s8], $0x2FFFF;
	_ =	strace $0x9FFFFFFF  }
0xc4: {  	(tm) =	ssettm $0x7FFFFFFF  }
0xc5: {  	_ =	shalt  }
tec
execute0_lowered:
.L_overlay_start_1:
0x0: {  	(tag) =	ssettag $0x1  }
0x1: {  	s1 =	rddreg [dreg:$0x0]  }
0x2: {  	s0 =	rddreg [dreg:$0x1]  }
0x3: {  	s2 =	rddreg [dreg:$0x2];
	s3 =	simm.s32 $0x0;
	s6 =	stileid.u32  }
0x4: {  	s4 =	srdreg.scid;
	s15 =	simm.s32 $0x7;
	s28 =	simm.s32 $0x5  }
0x5: {  	s29 =	simm.s32 $0x18000;
	s30 =	simm.s32 $0x80;
	s31 =	simm.s32 $0x400  }
0x6: {  	s16 =	simm.s32 $0x0;
	[smem:$0x7FF] =	sst s3;
	s4 =	sand.u32 $0x1, s4  }
0x7: {  	s5 =	sshll.u32 s6, $0x1;
	s6 =	sshll.u32 s6, $0xA;
	_ =	strace $0x80000047  }
0x8: {  	s9 =	sor.u32 s4, s5;
	s21 =	sand.u32 $0x3000, s6;
	s22 =	ssub.s32 $0x2, s4  }
0x9: {  	s8 =	sshll.u32 s9, $0xA;
	s2 =	sadd.s32 s21, s2;
	s23 =	sshrl.u32 s22, $0x1  }
0xa: {  	s5 =	sshll.u32 s9, $0xD;
	s11 =	sshll.u32 s9, $0x4;
	s4 =	sadd.s32 s0, s8  }
0xb: {  	s24 =	ssub.s32 s22, s23;
	s8 =	sadd.s32 s1, s8;
	s13 =	sand.u32 $0x70, s11  }
0xc: {  	s23 =	simm.s32 $0x1;
	s0 =	simm.s32 $0x6;
	s25 =	sadd.s32 $0x8000, s4  }
.Ltmp0:
0xd: {  	s26 =	sadd.s32 $0x10000, s4;
	s9 =	sadd.s32 $0x18000, s4;
	(pc) =	sbr.rel .LBB2_1-.Ltmp0, $4  }
0xe: {  	s10 =	sadd.s32 $0xA8000, s8;
	s11 =	sadd.s32 $0x150000, s8;
	s12 =	sadd.s32 $0x1F8000, s8  }
0xf: {  	s2 =	sadd.s32 s13, s2;
	s14 =	smax.u32 s24, $0x1;
	[dreg:$0x4] =	wrdreg s25  }
0x10: {  	s24 =	simm.s32 $0x2;
	[dreg:$0x5] =	wrdreg s26;
	s13 =	sadd.s32 $0x600, s2  }
0x11: {  	v0 =	vimm.s32 $0x0;
	v1 =	vimm.s32 $0x1;
	s25 =	simm.s32 $0x3;
	s26 =	simm.s32 $0x4;
	s2 =	simm.s32 $0x19000  }
.LBB2_37:
0x12: {  	s16 =	sadd.s32 $0x1, s16  }
0x13: {  	_ =	swait.ge [sflag:s0], $0x1000;
	p0 =	sne.s32 s16, s14  }
.Ltmp1:
0x14: {  	[sflag:s0] =	ssyncset.done $0x0;
	(pc) =	sbr.rel @!p0 .LBB2_38-.Ltmp1, $4  }
0x15: {  	[sflag:s0] =	ssyncadd.s32 $0xFFFFF000  }
0x16: {  	_ =	swait.ge [sflag:s28], $0x1000  }
0x17: {  	[sflag:s28] =	ssyncset.done $0x0  }
0x18: {  	[sflag:s28] =	ssyncadd.s32 $0xFFFFF000  }
.LBB2_1:
0x19: {  	[tilespmem:s3], [sflag:$0x7] =	stream.linear.gather [hbm4b:s4+s3], $0x2000, $0x38;
	[tilespmem:$0x1A000] =	vst v63  }
0x1a: {  	_ =	swait.ge [sflag:s15], $0x2000  }
0x1b: {  	[sflag:s15] =	ssyncset.done $0x0  }
0x1c: {  	s7 =	simm.s32 $0x2000;
	s6 =	rddreg [dreg:$0x4];
	[sflag:s15] =	ssyncadd.s32 $0xFFFFE000  }
0x1d: {  	[tilespmem:s7], [sflag:$0x7] =	stream.linear.gather [hbm4b:s6+s3], $0x2000, $0x38;
	[tilespmem:$0x1A000] =	vst v63  }
0x1e: {  	_ =	swait.ge [sflag:s15], $0x2000  }
0x1f: {  	[sflag:s15] =	ssyncset.done $0x0  }
0x20: {  	s17 =	simm.s32 $0x4000;
	s7 =	rddreg [dreg:$0x5];
	[sflag:s15] =	ssyncadd.s32 $0xFFFFE000  }
0x21: {  	[tilespmem:s17], [sflag:$0x7] =	stream.linear.gather [hbm4b:s7+s3], $0x2000, $0x38;
	[tilespmem:$0x1A000] =	vst v63  }
0x22: {  	_ =	swait.ge [sflag:s15], $0x2000  }
0x23: {  	[sflag:s15] =	ssyncset.done $0x0  }
0x24: {  	s18 =	simm.s32 $0x6000;
	[sflag:s15] =	ssyncadd.s32 $0xFFFFE000  }
0x25: {  	[tilespmem:s18], [sflag:$0x7] =	stream.linear.gather [hbm4b:s9+s3], $0x2000, $0x38;
	[tilespmem:$0x1A000] =	vst v63  }
0x26: {  	_ =	swait.ge [sflag:s15], $0x2000  }
0x27: {  	[sflag:s15] =	ssyncset.done $0x0  }
0x28: {  	s19 =	simm.s32 $0x8000;
	[sflag:s15] =	ssyncadd.s32 $0xFFFFE000  }
0x29: {  	[tilespmem:s19], [sflag:$0x1] =	stream.linear.gather [hbm4b:s8+s3], $0x2000, $0x38;
	[tilespmem:$0x1A000] =	vst v63  }
0x2a: {  	s20 =	simm.s32 $0xA000  }
0x2b: {  	[tilespmem:s20], [sflag:$0x2] =	stream.linear.gather [hbm4b:s10+s3], $0x2000, $0x38;
	[tilespmem:$0x1A000] =	vst v63  }
.Ltmp2:
0x2c: {  	_ = 	snop;
	(pc) =	sbr.rel .LBB2_2-.Ltmp2, $4  }
0x2d: {  	s21 =	simm.s32 $0xC000  }
0x2e: {  	[tilespmem:s21], [sflag:$0x3] =	stream.linear.gather [hbm4b:s11+s3], $0x2000, $0x38;
	[tilespmem:$0x1A000] =	vst v63  }
0x2f: {  	s22 =	simm.s32 $0xE000;
	s17 =	simm.s32 $0x0  }
0x30: {  	[tilespmem:s22], [sflag:$0x4] =	stream.linear.gather [hbm4b:s12+s3], $0x2000, $0x38;
	[tilespmem:$0x1A000] =	vst v63  }
.LBB2_17:
0x31: {  	_ = 	snop  }
.LBB2_20:
0x32: {  	v20 =	vtrunc.f32 v20;
	v21 =	vtrunc.f32 v21  }
0x33: {  	v17 =	vmin.f32 v17, $2.047000000e+03;
	v18 =	vtrunc.f32 v18;
	v19 =	vtrunc.f32 v19  }
0x34: {  	vm0 =	veq.s32 v11, v2;
	v47 =	vtrunc.f32 v15;
	v48 =	vtrunc.f32 v16  }
0x35: {  	vm1 =	veq.s32 v12, v2;
	vm2 =	veq.s32 v10, v2;
	v49 =	vcvt.f32.s32 v20  }
0x36: {  	vm3 =	veq.s32 v9, v2;
	vm13 =	veq.s32 v4, v2;
	v51 =	vcvt.f32.s32 v21  }
0x37: {  	v50 =	vtrunc.f32 v17;
	v52 =	vcvt.f32.s32 v18;
	v53 =	vadd.s32 $0x800, v49  }
0x38: {  	[tilespmem:v13+s29+$0x0] =	vst.idx.add.s32.msk @p0 $0xffff, v1;
	v54 =	vcvt.f32.s32 v19;
	v55 =	vadd.s32 $0x800, v51;
	v9 =	vsel vm0, v53, v49  }
0x39: {  	[tilespmem:v14+s29+$0x0] =	vst.idx.add.s32.msk $0xffff, v1;
	v11 =	vcvt.f32.s32 v47;
	v57 =	vadd.s32 $0x800, v52;
	v10 =	vsel vm1, v55, v51  }
0x3a: {  	[tilespmem:v8+s29+$0x0] =	vst.idx.add.s32.msk @p0 $0xffff, v1;
	v56 =	vcvt.f32.s32 v48;
	v59 =	vadd.s32 $0x800, v54;
	v14 =	vsel vm2, v57, v52  }
0x3b: {  	[tilespmem:v6+s29+$0x0] =	vst.idx.add.s32.msk @p0 $0xffff, v1;
	v58 =	vcvt.f32.s32 v50;
	v60 =	vadd.s32 $0x800, v11;
	v61 =	vsel vm3, v59, v54  }
0x3c: {  	[tilespmem:v7+s29+$0x0] =	vst.idx.add.s32.msk @p0 $0xffff, v1;
	vm14 =	veq.s32 v3, v2;
	v62 =	vadd.s32 $0x800, v56;
	v3 =	vsel vm13, v60, v11  }
0x3d: {  	vm15 =	veq.s32 v5, v2;
	v63 =	vadd.s32 $0x800, v58;
	v2 =	vsel vm14, v62, v56;
	[tilespmem:v9+s29+$0x0] =	vst.idx.add.s32.msk $0xffff, v1  }
0x3e: {  	v5 =	vsel vm15, v63, v58;
	[tilespmem:v10+s29+$0x0] =	vst.idx.add.s32.msk $0xffff, v1  }
0x3f: {  	[tilespmem:v14+s29+$0x0] =	vst.idx.add.s32.msk $0xffff, v1  }
0x40: {  	[tilespmem:v61+s29+$0x0] =	vst.idx.add.s32.msk $0xffff, v1  }
0x41: {  	[tilespmem:v3+s29+$0x0] =	vst.idx.add.s32.msk $0xffff, v1  }
0x42: {  	s6 =	sshll.u32 s17, $0xE;
	[tilespmem:v2+s29+$0x0] =	vst.idx.add.s32.msk $0xffff, v1  }
0x43: {  	s6 =	sadd.s32 s6, s13;
	[tilespmem:v5+s29+$0x0] =	vst.idx.add.s32.msk $0xffff, v1  }
0x44: {  	[hbm4b:s6+s30] =	stream.strided.scatter [tilespmem:s29], [sflag:$0x5], $0x1000, s31, s30, $0x38;
	[tilespmem:$0x1A000] =	vst v63  }
.LBB2_36:
0x45: {  	p0 =	sne.s32 s18, $0x15  }
.Ltmp3:
0x46: {  	_ = 	snop;
	(pc) =	sbr.rel @!p0 .LBB2_37-.Ltmp3, $2  }
0x47: {  	_ =	sdelay $0x2  }
0x48: {  	s17 =	smov.u32 s18  }
.LBB2_2:
0x49: {  	_ =	swait.ge [sflag:s23], $0x2000  }
0x4a: {  	[sflag:s23] =	ssyncset.done $0x0  }
0x4b: {  	[sflag:s23] =	ssyncadd.s32 $0xFFFFE000  }
0x4c: {  	_ =	swait.ge [sflag:s24], $0x2000  }
0x4d: {  	[sflag:s24] =	ssyncset.done $0x0  }
0x4e: {  	[sflag:s24] =	ssyncadd.s32 $0xFFFFE000  }
0x4f: {  	p0 =	seq.s32 s17, $0x14;
	_ =	swait.ge [sflag:s25], $0x2000  }
.Ltmp4:
0x50: {  	[sflag:s25] =	ssyncset.done $0x0;
	(pc) =	sbr.rel @!p0 .LBB2_3-.Ltmp4, $4  }
0x51: {  	[sflag:s25] =	ssyncadd.s32 $0xFFFFE000  }
0x52: {  	_ =	swait.ge [sflag:s26], $0x2000  }
0x53: {  	[sflag:s26] =	ssyncset.done $0x0  }
0x54: {  	s18 =	sadd.s32 $0x1, s17;
	[sflag:s26] =	ssyncadd.s32 $0xFFFFE000  }
.LBB2_13:
0x55: {  	_ =	swait.ge [sflag:s28], $0x1000  }
0x56: {  	[sflag:s28] =	ssyncset.done $0x0  }
0x57: {  	[sflag:s28] =	ssyncadd.s32 $0xFFFFF000  }
.LBB2_5:
0x58: {  	s19 =	simm.s32 $0x18040  }
0x59: {  	[tilespmem:s19+$0xFFFFFFC0] =	vst v0  }
0x5a: {  	[tilespmem:s19+$0x30] =	vst v0  }
0x5b: {  	[tilespmem:s19+$0x20] =	vst v0  }
0x5c: {  	[tilespmem:s19+$0x10] =	vst v0  }
0x5d: {  	[tilespmem:s19+$0x0] =	vst v0  }
0x5e: {  	[tilespmem:s19+$0xFFFFFFF0] =	vst v0  }
0x5f: {  	s20 =	simm.s32 $0x0;
	[tilespmem:s19+$0xFFFFFFE0] =	vst v0  }
.LBB2_6:
0x60: {  	s20 =	sadd.s32 $0x8, s20;
	[tilespmem:s19+$0xFFFFFFD0] =	vst v0;
	s19 =	sadd.s32 $0x80, s19  }
0x61: {  	[tilespmem:s19+$0xFFFFFFC0] =	vst v0;
	p0 =	slt.u32 s20, $0xF8  }
0x62: {  	[tilespmem:s19+$0x30] =	vst v0  }
.Ltmp5:
0x63: {  	[tilespmem:s19+$0x20] =	vst v0;
	(pc) =	sbr.rel @p0 .LBB2_6-.Ltmp5, $4  }
0x64: {  	[tilespmem:s19+$0x10] =	vst v0  }
0x65: {  	[tilespmem:s19+$0x0] =	vst v0  }
0x66: {  	[tilespmem:s19+$0xFFFFFFF0] =	vst v0  }
0x67: {  	[tilespmem:s19+$0xFFFFFFE0] =	vst v0  }
0x68: {  	s7 =	simm.s32 $0x0;
	s20 =	simm.s32 $0x0  }
0x69: {  	[tilespmem:s19+$0xFFFFFFD0] =	vst v0;
	s21 =	simm.s32 $0x0;
	s20 =	sand.u32 $0x1000, s20;
	s19 =	sand.u32 $0xC00, s7  }
0x6a: {  	s21 =	sand.u32 $0x380, s21;
	s19 =	sor.u32 s19, s20  }
0x6b: {  	s19 =	sor.u32 s21, s19  }
0x6c: {  	v3 =	vld [tilespmem:s19+$0x8070]  }
0x6d: {  	v4 =	vld [tilespmem:s19+$0x8000]  }
0x6e: {  	v5 =	vld [tilespmem:s19+$0x8010]  }
0x6f: {  	v6 =	vld [tilespmem:s19+$0x8020]  }
0x70: {  	v7 =	vld [tilespmem:s19+$0x8030]  }
0x71: {  	v8 =	vld [tilespmem:s19+$0x8040]  }
0x72: {  	v9 =	vld [tilespmem:s19+$0x8050]  }
0x73: {  	v10 =	vld [tilespmem:s19+$0x8060]  }
0x74: {  	v11 =	vld [tilespmem:s19+$0x70]  }
0x75: {  	v3 =	vadd.f32 $6.000000000e+00, v3;
	v4 =	vadd.f32 $6.000000000e+00, v4  }
0x76: {  	v5 =	vadd.f32 $6.000000000e+00, v5;
	v6 =	vadd.f32 $6.000000000e+00, v6  }
0x77: {  	v2 =	vmov s17;
	v12 =	vld [tilespmem:s19+$0x0];
	v7 =	vadd.f32 $6.000000000e+00, v7;
	v8 =	vadd.f32 $6.000000000e+00, v8  }
0x78: {  	v9 =	vadd.f32 $6.000000000e+00, v9;
	v10 =	vadd.f32 $6.000000000e+00, v10;
	v3 =	vmul.f32 $1.706666720e+02, v3  }
0x79: {  	vm0 =	veq.s32 v11, v2;
	v4 =	vmul.f32 $1.706666720e+02, v4;
	v5 =	vmul.f32 $1.706666720e+02, v5  }
0x7a: {  	v6 =	vmul.f32 $1.706666720e+02, v6;
	v7 =	vmul.f32 $1.706666720e+02, v7;
	v3 =	vmax.f32 v3, $0.0e+00  }
0x7b: {  	v8 =	vmul.f32 $1.706666720e+02, v8;
	v9 =	vmul.f32 $1.706666720e+02, v9;
	v3 =	vmin.f32 v3, $2.047000000e+03  }
0x7c: {  	vm13 =	veq.s32 v12, v2;
	v10 =	vmul.f32 $1.706666720e+02, v10;
	v3 =	vtrunc.f32 v3  }
0x7d: {  	v4 =	vmax.f32 v4, $0.0e+00;
	v5 =	vmax.f32 v5, $0.0e+00;
	v3 =	vcvt.f32.s32 v3  }
0x7e: {  	v6 =	vmax.f32 v6, $0.0e+00;
	v7 =	vmax.f32 v7, $0.0e+00;
	v8 =	vmax.f32 v8, $0.0e+00  }
0x7f: {  	v13 =	vld [tilespmem:s19+$0x20];
	v9 =	vmax.f32 v9, $0.0e+00;
	v10 =	vmax.f32 v10, $0.0e+00;
	v11 =	vadd.s32 $0x800, v3  }
0x80: {  	s22 =	simm.s32 $0x80;
	s20 =	simm.s32 $0x400;
	v4 =	vmin.f32 v4, $2.047000000e+03;
	v5 =	vmin.f32 v5, $2.047000000e+03;
	v3 =	vsel vm0, v11, v3;
	v11 =	vld [tilespmem:s19+$0x10]  }
0x81: {  	s6 =	simm.s32 $0x20;
	s21 =	sand.u32 $0x1000, s22;
	s22 =	sand.u32 $0xC00, s20;
	v14 =	vld [tilespmem:s19+$0x30];
	v6 =	vmin.f32 v6, $2.047000000e+03;
	v7 =	vmin.f32 v7, $2.047000000e+03;
	v4 =	vtrunc.f32 v4  }
0x82: {  	s6 =	sand.u32 $0x380, s6;
	v15 =	vld [tilespmem:s19+$0x40];
	s21 =	sor.u32 s22, s21;
	v10 =	vmin.f32 v10, $2.047000000e+03;
	v5 =	vtrunc.f32 v5;
	v6 =	vtrunc.f32 v6  }
0x83: {  	s21 =	sor.u32 s6, s21;
	v12 =	vld [tilespmem:s19+$0x50];
	v8 =	vmin.f32 v8, $2.047000000e+03;
	v7 =	vtrunc.f32 v7;
	v10 =	vtrunc.f32 v10  }
0x84: {  	v9 =	vmin.f32 v9, $2.047000000e+03;
	v8 =	vtrunc.f32 v8;
	v17 =	vcvt.f32.s32 v10;
	v10 =	vld [tilespmem:s21+$0x8010]  }
0x85: {  	v9 =	vtrunc.f32 v9;
	v4 =	vcvt.f32.s32 v4;
	vm1 =	veq.s32 v11, v2;
	v11 =	vld [tilespmem:s19+$0x60]  }
0x86: {  	vm2 =	veq.s32 v13, v2;
	v7 =	vcvt.f32.s32 v7;
	v8 =	vcvt.f32.s32 v8;
	[tilespmem:v3+s29+$0x0] =	vst.idx.add.s32.msk $0xffff, v1  }
0x87: {  	vm3 =	veq.s32 v14, v2;
	v3 =	vcvt.f32.s32 v5;
	v5 =	vcvt.f32.s32 v6;
	v6 =	vld [tilespmem:s21+$0x8070]  }
0x88: {  	v14 =	vld [tilespmem:s21+$0x8000];
	vm4 =	veq.s32 v15, v2;
	vm14 =	veq.s32 v12, v2;
	v9 =	vcvt.f32.s32 v9  }
0x89: {  	v13 =	vadd.s32 $0x800, v4;
	v19 =	vadd.s32 $0x800, v7;
	v20 =	vadd.s32 $0x800, v8  }
0x8a: {  	v21 =	vld [tilespmem:s21+$0x8020];
	v15 =	vadd.s32 $0x800, v9;
	v24 =	vsel vm13, v13, v4;
	v18 =	vadd.s32 $0x800, v5  }
0x8b: {  	v23 =	vld [tilespmem:s21+$0x8030];
	v16 =	vadd.s32 $0x800, v3;
	v25 =	vsel vm2, v18, v5;
	v5 =	vsel vm4, v20, v8  }
0x8c: {  	v8 =	vadd.f32 $6.000000000e+00, v10;
	vm5 =	veq.s32 v11, v2;
	v11 =	vld [tilespmem:s21+$0x8040];
	v4 =	vadd.f32 $6.000000000e+00, v6  }
0x8d: {  	v22 =	vadd.s32 $0x800, v17;
	v16 =	vsel vm1, v16, v3;
	v3 =	vadd.f32 $6.000000000e+00, v14;
	v14 =	vld [tilespmem:s21+$0x8060]  }
0x8e: {  	v7 =	vsel vm3, v19, v7;
	v18 =	vld [tilespmem:s21+$0x70];
	v8 =	vmul.f32 $1.706666720e+02, v8;
	v12 =	vmul.f32 $1.706666720e+02, v4  }
0x8f: {  	v6 =	vld [tilespmem:s21+$0x8050];
	v4 =	vsel vm14, v15, v9;
	v9 =	vmul.f32 $1.706666720e+02, v3;
	v15 =	vadd.f32 $6.000000000e+00, v21  }
0x90: {  	v13 =	vld [tilespmem:s21+$0x10];
	v3 =	vsel vm5, v22, v17;
	v17 =	vadd.f32 $6.000000000e+00, v23;
	v12 =	vmax.f32 v12, $0.0e+00  }
0x91: {  	[tilespmem:v24+s29+$0x0] =	vst.idx.add.s32.msk $0xffff, v1;
	v22 =	vmax.f32 v8, $0.0e+00;
	v19 =	vadd.f32 $6.000000000e+00, v11;
	v11 =	vmin.f32 v12, $2.047000000e+03  }
0x92: {  	v10 =	vld [tilespmem:s21+$0x0];
	v14 =	vadd.f32 $6.000000000e+00, v14;
	v15 =	vmul.f32 $1.706666720e+02, v15;
	v20 =	vtrunc.f32 v11  }
0x93: {  	v8 =	vld [tilespmem:s21+$0x40];
	vm15 =	veq.s32 v18, v2;
	v17 =	vmul.f32 $1.706666720e+02, v17;
	v20 =	vcvt.f32.s32 v20  }
0x94: {  	[tilespmem:v16+s29+$0x0] =	vst.idx.add.s32.msk $0xffff, v1;
	v21 =	vmax.f32 v9, $0.0e+00;
	v6 =	vadd.f32 $6.000000000e+00, v6;
	v26 =	vmul.f32 $1.706666720e+02, v14  }
0x95: {  	[tilespmem:v25+s29+$0x0] =	vst.idx.add.s32.msk $0xffff, v1;
	v15 =	vmax.f32 v15, $0.0e+00;
	v19 =	vmul.f32 $1.706666720e+02, v19;
	v14 =	vadd.s32 $0x800, v20  }
0x96: {  	v9 =	vld [tilespmem:s21+$0x60];
	v27 =	vmax.f32 v17, $0.0e+00;
	v23 =	vmul.f32 $1.706666720e+02, v6;
	v14 =	vsel vm15, v14, v20  }
0x97: {  	v12 =	vld [tilespmem:s21+$0x20];
	v17 =	vmax.f32 v26, $0.0e+00;
	v18 =	vmin.f32 v15, $2.047000000e+03;
	v28 =	vmax.f32 v19, $0.0e+00  }
0x98: {  	v11 =	vld [tilespmem:s21+$0x30];
	v23 =	vmax.f32 v23, $0.0e+00;
	v19 =	vmin.f32 v27, $2.047000000e+03;
	v20 =	vmin.f32 v21, $2.047000000e+03  }
0x99: {  	v6 =	vld [tilespmem:s21+$0x50];
	s21 =	simm.s32 $0x8;
	v21 =	vmin.f32 v22, $2.047000000e+03;
	v15 =	vmin.f32 v28, $2.047000000e+03;
	v16 =	vmin.f32 v23, $2.047000000e+03  }
.LBB2_8:
0x9a: {  	s21 =	sadd.s32 $0x8, s21;
	v20 =	vtrunc.f32 v20;
	v21 =	vtrunc.f32 v21;
	v17 =	vmin.f32 v17, $2.047000000e+03;
	[tilespmem:v7+s29+$0x0] =	vst.idx.add.s32.msk $0xffff, v1  }
0x9b: {  	vm0 =	veq.s32 v10, v2;
	v7 =	vtrunc.f32 v18;
	v10 =	vtrunc.f32 v19;
	s20 =	sadd.s32 $0x400, s20;
	s6 =	sshll.u32 s21, $0x4;
	p0 =	slt.u32 s21, $0x1F8;
	[tilespmem:v14+s29+$0x0] =	vst.idx.add.s32.msk $0xffff, v1  }
0x9c: {  	vm1 =	veq.s32 v13, v2;
	v13 =	vtrunc.f32 v15;
	s22 =	sand.u32 $0xC00, s20;
	s7 =	sshll.u32 s21, $0x2;
	v14 =	vtrunc.f32 v16;
	s6 =	sand.u32 $0x1000, s6;
	[tilespmem:v5+s29+$0x0] =	vst.idx.add.s32.msk $0xffff, v1  }
0x9d: {  	vm2 =	veq.s32 v12, v2;
	v12 =	vtrunc.f32 v17;
	s7 =	sand.u32 $0x380, s7;
	v5 =	vcvt.f32.s32 v20;
	s6 =	sor.u32 s22, s6;
	[tilespmem:v4+s29+$0x0] =	vst.idx.add.s32.msk $0xffff, v1  }
0x9e: {  	vm3 =	veq.s32 v11, v2;
	v7 =	vcvt.f32.s32 v7;
	v4 =	vcvt.f32.s32 v21;
	s22 =	sor.u32 s7, s6;
	[tilespmem:v3+s29+$0x0] =	vst.idx.add.s32.msk $0xffff, v1  }
0x9f: {  	v10 =	vcvt.f32.s32 v10;
	v13 =	vcvt.f32.s32 v13;
	v11 =	vadd.s32 $0x800, v5;
	v3 =	vld [tilespmem:s22+$0x8070]  }
0xa0: {  	v14 =	vcvt.f32.s32 v14;
	v12 =	vcvt.f32.s32 v12;
	v16 =	vadd.s32 $0x800, v4;
	v15 =	vld [tilespmem:s22+$0x8000]  }
0xa1: {  	v18 =	vadd.s32 $0x800, v7;
	v19 =	vadd.s32 $0x800, v10;
	v20 =	vadd.s32 $0x800, v13;
	v17 =	vld [tilespmem:s22+$0x8010]  }
0xa2: {  	vm4 =	veq.s32 v8, v2;
	v8 =	vadd.s32 $0x800, v14;
	v22 =	vadd.s32 $0x800, v12;
	v21 =	vld [tilespmem:s22+$0x8020]  }
0xa3: {  	vm5 =	veq.s32 v9, v2;
	v24 =	vsel vm0, v11, v5;
	vm0 =	veq.s32 v6, v2;
	v23 =	vld [tilespmem:s22+$0x8030]  }
0xa4: {  	v25 =	vsel vm2, v18, v7;
	v16 =	vsel vm1, v16, v4;
	v6 =	vld [tilespmem:s22+$0x8040];
	v3 =	vadd.f32 $6.000000000e+00, v3  }
0xa5: {  	v7 =	vsel vm3, v19, v10;
	v5 =	vsel vm4, v20, v13;
	v9 =	vadd.f32 $6.000000000e+00, v15;
	v11 =	vld [tilespmem:s22+$0x8050]  }
0xa6: {  	v4 =	vsel vm0, v8, v14;
	v13 =	vadd.f32 $6.000000000e+00, v17;
	v15 =	vld [tilespmem:s22+$0x8060];
	v17 =	vmul.f32 $1.706666720e+02, v3  }
0xa7: {  	v3 =	vsel vm5, v22, v12;
	v10 =	vld [tilespmem:s22+$0x0];
	v8 =	vmul.f32 $1.706666720e+02, v9;
	v9 =	vadd.f32 $6.000000000e+00, v21  }
0xa8: {  	v14 =	vmul.f32 $1.706666720e+02, v13;
	v18 =	vadd.f32 $6.000000000e+00, v23;
	v19 =	vld [tilespmem:s22+$0x70];
	v12 =	vmax.f32 v17, $0.0e+00  }
0xa9: {  	v13 =	vld [tilespmem:s22+$0x10];
	v9 =	vmul.f32 $1.706666720e+02, v9;
	v6 =	vadd.f32 $6.000000000e+00, v6;
	v17 =	vmin.f32 v12, $2.047000000e+03  }
0xaa: {  	v12 =	vld [tilespmem:s22+$0x20];
	v18 =	vmul.f32 $1.706666720e+02, v18;
	v20 =	vadd.f32 $6.000000000e+00, v11;
	v17 =	vtrunc.f32 v17  }
0xab: {  	v11 =	vld [tilespmem:s22+$0x30];
	v21 =	vmul.f32 $1.706666720e+02, v6;
	v15 =	vadd.f32 $6.000000000e+00, v15;
	v17 =	vcvt.f32.s32 v17  }
0xac: {  	v22 =	vmax.f32 v8, $0.0e+00;
	v23 =	vmax.f32 v14, $0.0e+00;
	v8 =	vld [tilespmem:s22+$0x40];
	v20 =	vmul.f32 $1.706666720e+02, v20  }
.Ltmp6:
0xad: {  	v6 =	vld [tilespmem:s22+$0x50];
	v15 =	vmul.f32 $1.706666720e+02, v15;
	vm0 =	veq.s32 v19, v2;
	v14 =	vadd.s32 $0x800, v17;
	(pc) =	sbr.rel @p0 .LBB2_8-.Ltmp6, $4  }
0xae: {  	v26 =	vmax.f32 v18, $0.0e+00;
	v19 =	vmax.f32 v9, $0.0e+00;
	v9 =	vld [tilespmem:s22+$0x60];
	v14 =	vsel vm0, v14, v17  }
0xaf: {  	v27 =	vmax.f32 v21, $0.0e+00;
	v28 =	vmax.f32 v20, $0.0e+00;
	v17 =	vmax.f32 v15, $0.0e+00;
	[tilespmem:v24+s29+$0x0] =	vst.idx.add.s32.msk $0xffff, v1  }
0xb0: {  	v21 =	vmin.f32 v23, $2.047000000e+03;
	v20 =	vmin.f32 v22, $2.047000000e+03;
	v18 =	vmin.f32 v19, $2.047000000e+03;
	[tilespmem:v16+s29+$0x0] =	vst.idx.add.s32.msk $0xffff, v1  }
0xb1: {  	v19 =	vmin.f32 v26, $2.047000000e+03;
	v15 =	vmin.f32 v27, $2.047000000e+03;
	v16 =	vmin.f32 v28, $2.047000000e+03;
	[tilespmem:v25+s29+$0x0] =	vst.idx.add.s32.msk $0xffff, v1  }
0xb2: {  	v20 =	vtrunc.f32 v20;
	v21 =	vtrunc.f32 v21;
	v17 =	vmin.f32 v17, $2.047000000e+03  }
0xb3: {  	v18 =	vtrunc.f32 v18;
	v19 =	vtrunc.f32 v19;
	vm0 =	veq.s32 v10, v2  }
0xb4: {  	v10 =	vtrunc.f32 v15;
	v15 =	vtrunc.f32 v16;
	vm1 =	veq.s32 v13, v2  }
0xb5: {  	vm2 =	veq.s32 v12, v2;
	vm3 =	veq.s32 v11, v2;
	v13 =	vcvt.f32.s32 v20  }
0xb6: {  	vm6 =	veq.s32 v8, v2;
	vm7 =	veq.s32 v6, v2;
	v12 =	vcvt.f32.s32 v21  }
0xb7: {  	[tilespmem:v7+s29+$0x0] =	vst.idx.add.s32.msk $0xffff, v1;
	v16 =	vtrunc.f32 v17;
	v17 =	vcvt.f32.s32 v18;
	v11 =	vadd.s32 $0x800, v13  }
0xb8: {  	[tilespmem:v14+s29+$0x0] =	vst.idx.add.s32.msk $0xffff, v1;
	v7 =	vcvt.f32.s32 v10;
	v10 =	vadd.s32 $0x800, v12;
	v11 =	vsel vm0, v11, v13  }
0xb9: {  	[tilespmem:v5+s29+$0x0] =	vst.idx.add.s32.msk $0xffff, v1;
	v18 =	vcvt.f32.s32 v19;
	v14 =	vadd.s32 $0x800, v17;
	v10 =	vsel vm1, v10, v12  }
0xba: {  	[tilespmem:v4+s29+$0x0] =	vst.idx.add.s32.msk $0xffff, v1;
	v5 =	vcvt.f32.s32 v16;
	v4 =	vadd.s32 $0x800, v7;
	v14 =	vsel vm2, v14, v17  }
0xbb: {  	v13 =	vcvt.f32.s32 v15;
	v12 =	vadd.s32 $0x800, v18;
	v4 =	vsel vm6, v4, v7  }
0xbc: {  	[tilespmem:v3+s29+$0x0] =	vst.idx.add.s32.msk $0xffff, v1;
	vm8 =	veq.s32 v9, v2;
	v6 =	vadd.s32 $0x800, v5;
	v8 =	vsel vm3, v12, v18  }
0xbd: {  	v5 =	vsel vm8, v6, v5;
	v3 =	vadd.s32 $0x800, v13;
	[tilespmem:v11+s29+$0x0] =	vst.idx.add.s32.msk $0xffff, v1  }
0xbe: {  	v3 =	vsel vm7, v3, v13;
	[tilespmem:v10+s29+$0x0] =	vst.idx.add.s32.msk $0xffff, v1  }
0xbf: {  	[tilespmem:v14+s29+$0x0] =	vst.idx.add.s32.msk $0xffff, v1  }
0xc0: {  	[tilespmem:v4+s29+$0x0] =	vst.idx.add.s32.msk $0xffff, v1  }
0xc1: {  	[tilespmem:v8+s29+$0x0] =	vst.idx.add.s32.msk $0xffff, v1  }
0xc2: {  	[tilespmem:v5+s29+$0x0] =	vst.idx.add.s32.msk $0xffff, v1  }
0xc3: {  	[tilespmem:v3+s29+$0x0] =	vst.idx.add.s32.msk $0xffff, v1  }
0xc4: {  	v3 =	vld [tilespmem:s19+$0xA070]  }
0xc5: {  	v4 =	vld [tilespmem:s19+$0xA000]  }
0xc6: {  	v5 =	vld [tilespmem:s19+$0xA010]  }
0xc7: {  	v6 =	vld [tilespmem:s19+$0xA020]  }
0xc8: {  	v7 =	vld [tilespmem:s19+$0xA030]  }
0xc9: {  	v8 =	vld [tilespmem:s19+$0xA040]  }
0xca: {  	v9 =	vld [tilespmem:s19+$0xA050]  }
0xcb: {  	v10 =	vld [tilespmem:s19+$0xA060]  }
0xcc: {  	v11 =	vld [tilespmem:s19+$0x2070]  }
0xcd: {  	v3 =	vadd.f32 $6.000000000e+00, v3;
	v4 =	vadd.f32 $6.000000000e+00, v4  }
0xce: {  	v5 =	vadd.f32 $6.000000000e+00, v5;
	v6 =	vadd.f32 $6.000000000e+00, v6  }
0xcf: {  	v12 =	vld [tilespmem:s19+$0x2000];
	v7 =	vadd.f32 $6.000000000e+00, v7;
	v8 =	vadd.f32 $6.000000000e+00, v8  }
0xd0: {  	v9 =	vadd.f32 $6.000000000e+00, v9;
	v10 =	vadd.f32 $6.000000000e+00, v10;
	v3 =	vmul.f32 $1.706666720e+02, v3  }
0xd1: {  	vm9 =	veq.s32 v11, v2;
	v4 =	vmul.f32 $1.706666720e+02, v4;
	v5 =	vmul.f32 $1.706666720e+02, v5  }
0xd2: {  	v6 =	vmul.f32 $1.706666720e+02, v6;
	v7 =	vmul.f32 $1.706666720e+02, v7;
	v3 =	vmax.f32 v3, $0.0e+00  }
0xd3: {  	v8 =	vmul.f32 $1.706666720e+02, v8;
	v9 =	vmul.f32 $1.706666720e+02, v9;
	v3 =	vmin.f32 v3, $2.047000000e+03  }
0xd4: {  	vm10 =	veq.s32 v12, v2;
	v10 =	vmul.f32 $1.706666720e+02, v10;
	v3 =	vtrunc.f32 v3  }
0xd5: {  	v4 =	vmax.f32 v4, $0.0e+00;
	v5 =	vmax.f32 v5, $0.0e+00;
	v3 =	vcvt.f32.s32 v3  }
0xd6: {  	v6 =	vmax.f32 v6, $0.0e+00;
	v7 =	vmax.f32 v7, $0.0e+00;
	v8 =	vmax.f32 v8, $0.0e+00  }
0xd7: {  	v13 =	vld [tilespmem:s19+$0x2020];
	v9 =	vmax.f32 v9, $0.0e+00;
	v10 =	vmax.f32 v10, $0.0e+00;
	v11 =	vadd.s32 $0x800, v3  }
0xd8: {  	s6 =	simm.s32 $0x80;
	s20 =	simm.s32 $0x400;
	v4 =	vmin.f32 v4, $2.047000000e+03;
	v5 =	vmin.f32 v5, $2.047000000e+03;
	v3 =	vsel vm9, v11, v3;
	v11 =	vld [tilespmem:s19+$0x2010]  }
0xd9: {  	s21 =	simm.s32 $0x20;
	s6 =	sand.u32 $0x1000, s6;
	s7 =	sand.u32 $0xC00, s20;
	v14 =	vld [tilespmem:s19+$0x2030];
	v6 =	vmin.f32 v6, $2.047000000e+03;
	v7 =	vmin.f32 v7, $2.047000000e+03;
	v4 =	vtrunc.f32 v4  }
0xda: {  	s21 =	sand.u32 $0x380, s21;
	s6 =	sor.u32 s7, s6;
	v15 =	vld [tilespmem:s19+$0x2040];
	v10 =	vmin.f32 v10, $2.047000000e+03;
	v5 =	vtrunc.f32 v5;
	v6 =	vtrunc.f32 v6  }
0xdb: {  	s22 =	sor.u32 s21, s6;
	v12 =	vld [tilespmem:s19+$0x2050];
	v8 =	vmin.f32 v8, $2.047000000e+03;
	v7 =	vtrunc.f32 v7;
	v10 =	vtrunc.f32 v10  }
0xdc: {  	v9 =	vmin.f32 v9, $2.047000000e+03;
	v8 =	vtrunc.f32 v8;
	v17 =	vcvt.f32.s32 v10;
	v10 =	vld [tilespmem:s22+$0xA010]  }
0xdd: {  	v9 =	vtrunc.f32 v9;
	v4 =	vcvt.f32.s32 v4;
	vm11 =	veq.s32 v11, v2;
	v11 =	vld [tilespmem:s19+$0x2060]  }
0xde: {  	vm12 =	veq.s32 v13, v2;
	v7 =	vcvt.f32.s32 v7;
	v8 =	vcvt.f32.s32 v8;
	[tilespmem:v3+s29+$0x0] =	vst.idx.add.s32.msk $0xffff, v1  }
0xdf: {  	vm13 =	veq.s32 v14, v2;
	v3 =	vcvt.f32.s32 v5;
	v5 =	vcvt.f32.s32 v6;
	v6 =	vld [tilespmem:s22+$0xA070]  }
0xe0: {  	v14 =	vld [tilespmem:s22+$0xA000];
	vm4 =	veq.s32 v15, v2;
	vm14 =	veq.s32 v12, v2;
	v9 =	vcvt.f32.s32 v9  }
0xe1: {  	v13 =	vadd.s32 $0x800, v4;
	v19 =	vadd.s32 $0x800, v7;
	v20 =	vadd.s32 $0x800, v8  }
0xe2: {  	v21 =	vld [tilespmem:s22+$0xA020];
	v15 =	vadd.s32 $0x800, v9;
	v24 =	vsel vm10, v13, v4;
	v18 =	vadd.s32 $0x800, v5  }
0xe3: {  	v23 =	vld [tilespmem:s22+$0xA030];
	v16 =	vadd.s32 $0x800, v3;
	v25 =	vsel vm12, v18, v5;
	v5 =	vsel vm4, v20, v8  }
0xe4: {  	v8 =	vadd.f32 $6.000000000e+00, v10;
	vm5 =	veq.s32 v11, v2;
	v11 =	vld [tilespmem:s22+$0xA040];
	v4 =	vadd.f32 $6.000000000e+00, v6  }
0xe5: {  	v22 =	vadd.s32 $0x800, v17;
	v16 =	vsel vm11, v16, v3;
	v3 =	vadd.f32 $6.000000000e+00, v14;
	v14 =	vld [tilespmem:s22+$0xA060]  }
0xe6: {  	v7 =	vsel vm13, v19, v7;
	v18 =	vld [tilespmem:s22+$0x2070];
	v8 =	vmul.f32 $1.706666720e+02, v8;
	v12 =	vmul.f32 $1.706666720e+02, v4  }
0xe7: {  	v6 =	vld [tilespmem:s22+$0xA050];
	v4 =	vsel vm14, v15, v9;
	v9 =	vmul.f32 $1.706666720e+02, v3;
	v15 =	vadd.f32 $6.000000000e+00, v21  }
0xe8: {  	v13 =	vld [tilespmem:s22+$0x2010];
	v3 =	vsel vm5, v22, v17;
	v17 =	vadd.f32 $6.000000000e+00, v23;
	v12 =	vmax.f32 v12, $0.0e+00  }
0xe9: {  	[tilespmem:v24+s29+$0x0] =	vst.idx.add.s32.msk $0xffff, v1;
	v22 =	vmax.f32 v8, $0.0e+00;
	v19 =	vadd.f32 $6.000000000e+00, v11;
	v11 =	vmin.f32 v12, $2.047000000e+03  }
0xea: {  	v10 =	vld [tilespmem:s22+$0x2000];
	v14 =	vadd.f32 $6.000000000e+00, v14;
	v15 =	vmul.f32 $1.706666720e+02, v15;
	v20 =	vtrunc.f32 v11  }
0xeb: {  	v8 =	vld [tilespmem:s22+$0x2040];
	vm15 =	veq.s32 v18, v2;
	v17 =	vmul.f32 $1.706666720e+02, v17;
	v20 =	vcvt.f32.s32 v20  }
0xec: {  	[tilespmem:v16+s29+$0x0] =	vst.idx.add.s32.msk $0xffff, v1;
	v21 =	vmax.f32 v9, $0.0e+00;
	v6 =	vadd.f32 $6.000000000e+00, v6;
	v26 =	vmul.f32 $1.706666720e+02, v14  }
0xed: {  	[tilespmem:v25+s29+$0x0] =	vst.idx.add.s32.msk $0xffff, v1;
	v15 =	vmax.f32 v15, $0.0e+00;
	v19 =	vmul.f32 $1.706666720e+02, v19;
	v14 =	vadd.s32 $0x800, v20  }
0xee: {  	v9 =	vld [tilespmem:s22+$0x2060];
	v27 =	vmax.f32 v17, $0.0e+00;
	v23 =	vmul.f32 $1.706666720e+02, v6;
	v14 =	vsel vm15, v14, v20  }
0xef: {  	v12 =	vld [tilespmem:s22+$0x2020];
	v17 =	vmax.f32 v26, $0.0e+00;
	v18 =	vmin.f32 v15, $2.047000000e+03;
	v28 =	vmax.f32 v19, $0.0e+00  }
0xf0: {  	v11 =	vld [tilespmem:s22+$0x2030];
	v23 =	vmax.f32 v23, $0.0e+00;
	v19 =	vmin.f32 v27, $2.047000000e+03;
	v20 =	vmin.f32 v21, $2.047000000e+03  }
0xf1: {  	s19 =	simm.s32 $0x8;
	v6 =	vld [tilespmem:s22+$0x2050];
	v21 =	vmin.f32 v22, $2.047000000e+03;
	v15 =	vmin.f32 v28, $2.047000000e+03;
	v16 =	vmin.f32 v23, $2.047000000e+03  }
.LBB2_10:
0xf2: {  	s19 =	sadd.s32 $0x8, s19;
	v20 =	vtrunc.f32 v20;
	v21 =	vtrunc.f32 v21;
	v17 =	vmin.f32 v17, $2.047000000e+03;
	[tilespmem:v7+s29+$0x0] =	vst.idx.add.s32.msk $0xffff, v1  }
0xf3: {  	vm0 =	veq.s32 v10, v2;
	v7 =	vtrunc.f32 v18;
	v10 =	vtrunc.f32 v19;
	s20 =	sadd.s32 $0x400, s20;
	s6 =	sshll.u32 s19, $0x4;
	p0 =	slt.u32 s19, $0x1F8;
	[tilespmem:v14+s29+$0x0] =	vst.idx.add.s32.msk $0xffff, v1  }
0xf4: {  	vm1 =	veq.s32 v13, v2;
	v13 =	vtrunc.f32 v15;
	s7 =	sand.u32 $0xC00, s20;
	s21 =	sshll.u32 s19, $0x2;
	v14 =	vtrunc.f32 v16;
	s6 =	sand.u32 $0x1000, s6;
	[tilespmem:v5+s29+$0x0] =	vst.idx.add.s32.msk $0xffff, v1  }
0xf5: {  	vm2 =	veq.s32 v12, v2;
	v12 =	vtrunc.f32 v17;
	v5 =	vcvt.f32.s32 v20;
	s6 =	sor.u32 s7, s6;
	s7 =	sand.u32 $0x380, s21;
	[tilespmem:v4+s29+$0x0] =	vst.idx.add.s32.msk $0xffff, v1  }
0xf6: {  	vm3 =	veq.s32 v11, v2;
	v7 =	vcvt.f32.s32 v7;
	v4 =	vcvt.f32.s32 v21;
	s21 =	sor.u32 s7, s6;
	[tilespmem:v3+s29+$0x0] =	vst.idx.add.s32.msk $0xffff, v1  }
0xf7: {  	v10 =	vcvt.f32.s32 v10;
	v13 =	vcvt.f32.s32 v13;
	v11 =	vadd.s32 $0x800, v5;
	v3 =	vld [tilespmem:s21+$0xA070]  }
0xf8: {  	v14 =	vcvt.f32.s32 v14;
	v12 =	vcvt.f32.s32 v12;
	v16 =	vadd.s32 $0x800, v4;
	v15 =	vld [tilespmem:s21+$0xA000]  }
0xf9: {  	v18 =	vadd.s32 $0x800, v7;
	v19 =	vadd.s32 $0x800, v10;
	v20 =	vadd.s32 $0x800, v13;
	v17 =	vld [tilespmem:s21+$0xA010]  }
0xfa: {  	vm4 =	veq.s32 v8, v2;
	v8 =	vadd.s32 $0x800, v14;
	v22 =	vadd.s32 $0x800, v12;
	v21 =	vld [tilespmem:s21+$0xA020]  }
0xfb: {  	vm5 =	veq.s32 v9, v2;
	v24 =	vsel vm0, v11, v5;
	vm0 =	veq.s32 v6, v2;
	v23 =	vld [tilespmem:s21+$0xA030]  }
0xfc: {  	v25 =	vsel vm2, v18, v7;
	v16 =	vsel vm1, v16, v4;
	v6 =	vld [tilespmem:s21+$0xA040];
	v3 =	vadd.f32 $6.000000000e+00, v3  }
0xfd: {  	v7 =	vsel vm3, v19, v10;
	v5 =	vsel vm4, v20, v13;
	v9 =	vadd.f32 $6.000000000e+00, v15;
	v11 =	vld [tilespmem:s21+$0xA050]  }
0xfe: {  	v4 =	vsel vm0, v8, v14;
	v13 =	vadd.f32 $6.000000000e+00, v17;
	v15 =	vld [tilespmem:s21+$0xA060];
	v17 =	vmul.f32 $1.706666720e+02, v3  }
0xff: {  	v3 =	vsel vm5, v22, v12;
	v10 =	vld [tilespmem:s21+$0x2000];
	v8 =	vmul.f32 $1.706666720e+02, v9;
	v9 =	vadd.f32 $6.000000000e+00, v21  }
0x100: {  	v14 =	vmul.f32 $1.706666720e+02, v13;
	v18 =	vadd.f32 $6.000000000e+00, v23;
	v19 =	vld [tilespmem:s21+$0x2070];
	v12 =	vmax.f32 v17, $0.0e+00  }
0x101: {  	v13 =	vld [tilespmem:s21+$0x2010];
	v9 =	vmul.f32 $1.706666720e+02, v9;
	v6 =	vadd.f32 $6.000000000e+00, v6;
	v17 =	vmin.f32 v12, $2.047000000e+03  }
0x102: {  	v12 =	vld [tilespmem:s21+$0x2020];
	v18 =	vmul.f32 $1.706666720e+02, v18;
	v20 =	vadd.f32 $6.000000000e+00, v11;
	v17 =	vtrunc.f32 v17  }
0x103: {  	v11 =	vld [tilespmem:s21+$0x2030];
	v21 =	vmul.f32 $1.706666720e+02, v6;
	v15 =	vadd.f32 $6.000000000e+00, v15;
	v17 =	vcvt.f32.s32 v17  }
0x104: {  	v22 =	vmax.f32 v8, $0.0e+00;
	v23 =	vmax.f32 v14, $0.0e+00;
	v8 =	vld [tilespmem:s21+$0x2040];
	v20 =	vmul.f32 $1.706666720e+02, v20  }
.Ltmp7:
0x105: {  	v6 =	vld [tilespmem:s21+$0x2050];
	v15 =	vmul.f32 $1.706666720e+02, v15;
	vm0 =	veq.s32 v19, v2;
	v14 =	vadd.s32 $0x800, v17;
	(pc) =	sbr.rel @p0 .LBB2_10-.Ltmp7, $4  }
0x106: {  	v26 =	vmax.f32 v18, $0.0e+00;
	v19 =	vmax.f32 v9, $0.0e+00;
	v9 =	vld [tilespmem:s21+$0x2060];
	v14 =	vsel vm0, v14, v17  }
0x107: {  	v27 =	vmax.f32 v21, $0.0e+00;
	v28 =	vmax.f32 v20, $0.0e+00;
	v17 =	vmax.f32 v15, $0.0e+00;
	[tilespmem:v24+s29+$0x0] =	vst.idx.add.s32.msk $0xffff, v1  }
0x108: {  	v21 =	vmin.f32 v23, $2.047000000e+03;
	v20 =	vmin.f32 v22, $2.047000000e+03;
	v18 =	vmin.f32 v19, $2.047000000e+03;
	[tilespmem:v16+s29+$0x0] =	vst.idx.add.s32.msk $0xffff, v1  }
0x109: {  	v19 =	vmin.f32 v26, $2.047000000e+03;
	v15 =	vmin.f32 v27, $2.047000000e+03;
	v16 =	vmin.f32 v28, $2.047000000e+03;
	[tilespmem:v25+s29+$0x0] =	vst.idx.add.s32.msk $0xffff, v1  }
0x10a: {  	v20 =	vtrunc.f32 v20;
	v21 =	vtrunc.f32 v21;
	v17 =	vmin.f32 v17, $2.047000000e+03  }
0x10b: {  	v18 =	vtrunc.f32 v18;
	v19 =	vtrunc.f32 v19;
	vm0 =	veq.s32 v10, v2  }
0x10c: {  	v10 =	vtrunc.f32 v15;
	v15 =	vtrunc.f32 v16;
	vm1 =	veq.s32 v13, v2  }
0x10d: {  	vm2 =	veq.s32 v12, v2;
	vm3 =	veq.s32 v11, v2;
	v13 =	vcvt.f32.s32 v20  }
0x10e: {  	vm12 =	veq.s32 v8, v2;
	vm13 =	veq.s32 v6, v2;
	v12 =	vcvt.f32.s32 v21  }
0x10f: {  	[tilespmem:v7+s29+$0x0] =	vst.idx.add.s32.msk $0xffff, v1;
	v16 =	vtrunc.f32 v17;
	v17 =	vcvt.f32.s32 v18;
	v11 =	vadd.s32 $0x800, v13  }
0x110: {  	[tilespmem:v14+s29+$0x0] =	vst.idx.add.s32.msk $0xffff, v1;
	v7 =	vcvt.f32.s32 v10;
	v10 =	vadd.s32 $0x800, v12;
	v11 =	vsel vm0, v11, v13  }
0x111: {  	[tilespmem:v5+s29+$0x0] =	vst.idx.add.s32.msk $0xffff, v1;
	v18 =	vcvt.f32.s32 v19;
	v14 =	vadd.s32 $0x800, v17;
	v10 =	vsel vm1, v10, v12  }
0x112: {  	[tilespmem:v4+s29+$0x0] =	vst.idx.add.s32.msk $0xffff, v1;
	v5 =	vcvt.f32.s32 v16;
	v4 =	vadd.s32 $0x800, v7;
	v14 =	vsel vm2, v14, v17  }
0x113: {  	v13 =	vcvt.f32.s32 v15;
	v12 =	vadd.s32 $0x800, v18;
	v4 =	vsel vm12, v4, v7  }
0x114: {  	[tilespmem:v3+s29+$0x0] =	vst.idx.add.s32.msk $0xffff, v1;
	vm14 =	veq.s32 v9, v2;
	v6 =	vadd.s32 $0x800, v5;
	v8 =	vsel vm3, v12, v18  }
0x115: {  	v5 =	vsel vm14, v6, v5;
	v3 =	vadd.s32 $0x800, v13;
	[tilespmem:v11+s29+$0x0] =	vst.idx.add.s32.msk $0xffff, v1  }
0x116: {  	v3 =	vsel vm13, v3, v13;
	[tilespmem:v10+s29+$0x0] =	vst.idx.add.s32.msk $0xffff, v1  }
0x117: {  	[tilespmem:v14+s29+$0x0] =	vst.idx.add.s32.msk $0xffff, v1  }
0x118: {  	s6 =	simm.s32 $0x0;
	s7 =	simm.s32 $0x0;
	[tilespmem:v4+s29+$0x0] =	vst.idx.add.s32.msk $0xffff, v1  }
0x119: {  	s19 =	simm.s32 $0x0;
	s7 =	sand.u32 $0x1000, s7;
	s6 =	sand.u32 $0xC00, s6;
	[tilespmem:v8+s29+$0x0] =	vst.idx.add.s32.msk $0xffff, v1  }
0x11a: {  	s22 =	sand.u32 $0x380, s19;
	s6 =	sor.u32 s6, s7;
	[tilespmem:v5+s29+$0x0] =	vst.idx.add.s32.msk $0xffff, v1  }
0x11b: {  	s19 =	sor.u32 s22, s6;
	[tilespmem:v3+s29+$0x0] =	vst.idx.add.s32.msk $0xffff, v1  }
0x11c: {  	v3 =	vld [tilespmem:s19+$0xC070]  }
0x11d: {  	v4 =	vld [tilespmem:s19+$0xC000]  }
0x11e: {  	v5 =	vld [tilespmem:s19+$0xC010]  }
0x11f: {  	v6 =	vld [tilespmem:s19+$0xC020]  }
0x120: {  	v7 =	vld [tilespmem:s19+$0xC030]  }
0x121: {  	v8 =	vld [tilespmem:s19+$0xC040]  }
0x122: {  	v9 =	vld [tilespmem:s19+$0xC050]  }
0x123: {  	v10 =	vld [tilespmem:s19+$0xC060]  }
0x124: {  	v13 =	vld [tilespmem:s19+$0x4070]  }
0x125: {  	v3 =	vadd.f32 $6.000000000e+00, v3;
	v4 =	vadd.f32 $6.000000000e+00, v4  }
0x126: {  	v5 =	vadd.f32 $6.000000000e+00, v5;
	v6 =	vadd.f32 $6.000000000e+00, v6  }
0x127: {  	v7 =	vadd.f32 $6.000000000e+00, v7;
	v8 =	vadd.f32 $6.000000000e+00, v8  }
0x128: {  	v9 =	vadd.f32 $6.000000000e+00, v9;
	v14 =	vadd.f32 $6.000000000e+00, v10;
	v3 =	vmul.f32 $1.706666720e+02, v3  }
0x129: {  	vm15 =	veq.s32 v13, v2;
	v4 =	vmul.f32 $1.706666720e+02, v4;
	v5 =	vmul.f32 $1.706666720e+02, v5  }
0x12a: {  	v6 =	vmul.f32 $1.706666720e+02, v6;
	v7 =	vmul.f32 $1.706666720e+02, v7;
	v3 =	vmax.f32 v3, $0.0e+00  }
0x12b: {  	v11 =	vld [tilespmem:s19+$0x4000];
	v8 =	vmul.f32 $1.706666720e+02, v8;
	v16 =	vmul.f32 $1.706666720e+02, v9;
	v3 =	vmin.f32 v3, $2.047000000e+03  }
0x12c: {  	p1 =	por $0x1, $0x1;
	v12 =	vld [tilespmem:s19+$0x4010];
	v17 =	vmul.f32 $1.706666720e+02, v14;
	v15 =	vmax.f32 v4, $0.0e+00;
	v3 =	vtrunc.f32 v3  }
.Ltmp8:
0x12d: {  	v10 =	vld [tilespmem:s19+$0x4020];
	v5 =	vmax.f32 v5, $0.0e+00;
	v6 =	vmax.f32 v6, $0.0e+00;
	v3 =	vcvt.f32.s32 v3;
	(pc) =	sbr.rel @!p1 .LBB2_12-.Ltmp8, $4  }
0x12e: {  	v9 =	vld [tilespmem:s19+$0x4030];
	v7 =	vmax.f32 v7, $0.0e+00;
	v8 =	vmax.f32 v8, $0.0e+00;
	v13 =	vmax.f32 v16, $0.0e+00  }
0x12f: {  	v17 =	vmax.f32 v17, $0.0e+00;
	v21 =	vmin.f32 v5, $2.047000000e+03;
	v5 =	vld [tilespmem:s19+$0x4060];
	v4 =	vadd.s32 $0x800, v3  }
0x130: {  	v20 =	vmin.f32 v15, $2.047000000e+03;
	v18 =	vmin.f32 v6, $2.047000000e+03;
	v14 =	vsel vm15, v4, v3;
	v4 =	vld [tilespmem:s19+$0x4040]  }
0x131: {  	p0 =	por $0x0, $0x0;
	v19 =	vmin.f32 v7, $2.047000000e+03;
	v15 =	vmin.f32 v8, $2.047000000e+03;
	v16 =	vmin.f32 v13, $2.047000000e+03;
	v3 =	vld [tilespmem:s19+$0x4050]  }
0x132: {  	_ = 	snop  }
0x133: {  	v6 =	vtrunc.f32 v20;
	s6 =	simm.s32 $0x80;
	s20 =	simm.s32 $0x400  }
0x134: {  	v7 =	vtrunc.f32 v21;
	vm0 =	veq.s32 v11, v2;
	v11 =	vtrunc.f32 v18;
	s21 =	simm.s32 $0x20;
	s6 =	sand.u32 $0x1000, s6;
	s7 =	sand.u32 $0xC00, s20  }
0x135: {  	v13 =	vtrunc.f32 v19;
	vm1 =	veq.s32 v12, v2;
	v12 =	vtrunc.f32 v15;
	s22 =	sand.u32 $0x380, s21;
	s6 =	sor.u32 s7, s6  }
0x136: {  	v8 =	vmin.f32 v17, $2.047000000e+03;
	v15 =	vtrunc.f32 v16;
	[tilespmem:v14+s29+$0x0] =	vst.idx.add.s32.msk $0xffff, v1;
	v6 =	vcvt.f32.s32 v6;
	s21 =	sor.u32 s22, s6  }
0x137: {  	v8 =	vtrunc.f32 v8;
	v7 =	vcvt.f32.s32 v7;
	vm3 =	veq.s32 v9, v2;
	v9 =	vld [tilespmem:s21+$0xC070]  }
0x138: {  	vm2 =	veq.s32 v10, v2;
	v10 =	vcvt.f32.s32 v11;
	v13 =	vcvt.f32.s32 v13;
	v14 =	vld [tilespmem:s21+$0xC000]  }
0x139: {  	v12 =	vcvt.f32.s32 v12;
	v15 =	vcvt.f32.s32 v15;
	v18 =	vld [tilespmem:s21+$0xC010]  }
0x13a: {  	v17 =	vcvt.f32.s32 v8;
	vm5 =	veq.s32 v5, v2;
	v11 =	vadd.s32 $0x800, v6;
	v21 =	vld [tilespmem:s21+$0xC020]  }
0x13b: {  	v16 =	vadd.s32 $0x800, v7;
	v8 =	vadd.s32 $0x800, v10;
	v19 =	vadd.s32 $0x800, v13;
	v23 =	vld [tilespmem:s21+$0xC030]  }
0x13c: {  	v20 =	vadd.s32 $0x800, v12;
	vm4 =	veq.s32 v4, v2;
	vm14 =	veq.s32 v3, v2;
	v3 =	vld [tilespmem:s21+$0xC040]  }
0x13d: {  	v4 =	vadd.s32 $0x800, v15;
	v22 =	vadd.s32 $0x800, v17;
	v24 =	vsel vm0, v11, v6  }
0x13e: {  	v16 =	vsel vm1, v16, v7;
	v13 =	vsel vm3, v19, v13;
	v19 =	vld [tilespmem:s21+$0x4070];
	v5 =	vadd.f32 $6.000000000e+00, v9  }
0x13f: {  	v25 =	vsel vm2, v8, v10;
	v6 =	vsel vm14, v4, v15;
	v7 =	vadd.f32 $6.000000000e+00, v14;
	v9 =	vld [tilespmem:s21+$0xC050]  }
0x140: {  	v10 =	vadd.f32 $6.000000000e+00, v18;
	v14 =	vld [tilespmem:s21+$0xC060];
	v15 =	vadd.f32 $6.000000000e+00, v21;
	v5 =	vmul.f32 $1.706666720e+02, v5  }
0x141: {  	v8 =	vsel vm4, v20, v12;
	v18 =	vadd.f32 $6.000000000e+00, v23;
	v3 =	vadd.f32 $6.000000000e+00, v3  }
0x142: {  	v11 =	vld [tilespmem:s21+$0x4000];
	v4 =	vmul.f32 $1.706666720e+02, v7;
	v7 =	vsel vm5, v22, v17;
	v5 =	vmax.f32 v5, $0.0e+00  }
0x143: {  	v12 =	vld [tilespmem:s21+$0x4010];
	v17 =	vmul.f32 $1.706666720e+02, v10;
	v15 =	vmul.f32 $1.706666720e+02, v15;
	v5 =	vmin.f32 v5, $2.047000000e+03  }
0x144: {  	vm15 =	veq.s32 v19, v2;
	[tilespmem:v24+s29+$0x0] =	vst.idx.add.s32.msk $0xffff, v1;
	v18 =	vmul.f32 $1.706666720e+02, v18;
	v5 =	vtrunc.f32 v5  }
0x145: {  	[tilespmem:v16+s29+$0x0] =	vst.idx.add.s32.msk $0xffff, v1;
	v20 =	vadd.f32 $6.000000000e+00, v9;
	v14 =	vadd.f32 $6.000000000e+00, v14;
	v22 =	vcvt.f32.s32 v5  }
0x146: {  	p3 =	por $0x1, $0x1;
	[tilespmem:v25+s29+$0x0] =	vst.idx.add.s32.msk $0xffff, v1;
	v21 =	vmul.f32 $1.706666720e+02, v3;
	v23 =	vmax.f32 v4, $0.0e+00;
	v26 =	vmax.f32 v17, $0.0e+00  }
.Ltmp9:
0x147: {  	v10 =	vld [tilespmem:s21+$0x4020];
	v17 =	vmul.f32 $1.706666720e+02, v20;
	v20 =	vmul.f32 $1.706666720e+02, v14;
	v14 =	vadd.s32 $0x800, v22;
	(pc) =	sbr.rel @!p3 .LBB2_16-.Ltmp9, $4  }
0x148: {  	v3 =	vld [tilespmem:s21+$0x4050];
	v15 =	vmax.f32 v15, $0.0e+00;
	v19 =	vmax.f32 v18, $0.0e+00;
	v14 =	vsel vm15, v14, v22  }
0x149: {  	v4 =	vld [tilespmem:s21+$0x4040];
	v18 =	vmin.f32 v15, $2.047000000e+03;
	v19 =	vmin.f32 v19, $2.047000000e+03;
	v27 =	vmax.f32 v17, $0.0e+00  }
0x14a: {  	v9 =	vld [tilespmem:s21+$0x4030];
	v17 =	vmax.f32 v20, $0.0e+00;
	v20 =	vmin.f32 v23, $2.047000000e+03;
	v22 =	vmax.f32 v21, $0.0e+00  }
0x14b: {  	p2 =	por $0x1, $0x1;
	v5 =	vld [tilespmem:s21+$0x4060];
	s21 =	simm.s32 $0x8;
	v21 =	vmin.f32 v26, $2.047000000e+03;
	v16 =	vmin.f32 v27, $2.047000000e+03;
	v15 =	vmin.f32 v22, $2.047000000e+03  }
.LBB2_15:
0x14c: {  	s21 =	sadd.s32 $0x8, s21;
	v20 =	vtrunc.f32 v20;
	v21 =	vtrunc.f32 v21;
	v17 =	vmin.f32 v17, $2.047000000e+03;
	[tilespmem:v13+s29+$0x0] =	vst.idx.add.s32.msk $0xffff, v1  }
0x14d: {  	vm0 =	veq.s32 v11, v2;
	v11 =	vtrunc.f32 v18;
	v13 =	vtrunc.f32 v19;
	s20 =	sadd.s32 $0x400, s20;
	s6 =	sshll.u32 s21, $0x4;
	p3 =	slt.u32 s21, $0x1F8;
	[tilespmem:v14+s29+$0x0] =	vst.idx.add.s32.msk $0xffff, v1  }
0x14e: {  	vm1 =	veq.s32 v12, v2;
	v12 =	vtrunc.f32 v15;
	s7 =	sand.u32 $0xC00, s20;
	s22 =	sshll.u32 s21, $0x2;
	v14 =	vtrunc.f32 v16;
	s6 =	sand.u32 $0x1000, s6;
	[tilespmem:v8+s29+$0x0] =	vst.idx.add.s32.msk $0xffff, v1  }
0x14f: {  	vm2 =	veq.s32 v10, v2;
	v10 =	vtrunc.f32 v17;
	v8 =	vcvt.f32.s32 v20;
	s6 =	sor.u32 s7, s6;
	s7 =	sand.u32 $0x380, s22;
	[tilespmem:v6+s29+$0x0] =	vst.idx.add.s32.msk $0xffff, v1  }
0x150: {  	vm3 =	veq.s32 v9, v2;
	v11 =	vcvt.f32.s32 v11;
	v6 =	vcvt.f32.s32 v21;
	s22 =	sor.u32 s7, s6;
	[tilespmem:v7+s29+$0x0] =	vst.idx.add.s32.msk $0xffff, v1  }
0x151: {  	v13 =	vcvt.f32.s32 v13;
	v12 =	vcvt.f32.s32 v12;
	v9 =	vadd.s32 $0x800, v8;
	v7 =	vld [tilespmem:s22+$0xC070]  }
0x152: {  	v14 =	vcvt.f32.s32 v14;
	v10 =	vcvt.f32.s32 v10;
	v16 =	vadd.s32 $0x800, v6;
	v15 =	vld [tilespmem:s22+$0xC000]  }
0x153: {  	v18 =	vadd.s32 $0x800, v11;
	v19 =	vadd.s32 $0x800, v13;
	v20 =	vadd.s32 $0x800, v12;
	v17 =	vld [tilespmem:s22+$0xC010]  }
0x154: {  	vm4 =	veq.s32 v4, v2;
	v4 =	vadd.s32 $0x800, v14;
	v22 =	vadd.s32 $0x800, v10;
	v21 =	vld [tilespmem:s22+$0xC020]  }
0x155: {  	vm5 =	veq.s32 v5, v2;
	v24 =	vsel vm0, v9, v8;
	vm0 =	veq.s32 v3, v2;
	v23 =	vld [tilespmem:s22+$0xC030]  }
0x156: {  	v25 =	vsel vm2, v18, v11;
	v16 =	vsel vm1, v16, v6;
	v3 =	vld [tilespmem:s22+$0xC040];
	v5 =	vadd.f32 $6.000000000e+00, v7  }
0x157: {  	v13 =	vsel vm3, v19, v13;
	v8 =	vsel vm4, v20, v12;
	v7 =	vadd.f32 $6.000000000e+00, v15;
	v9 =	vld [tilespmem:s22+$0xC050]  }
0x158: {  	v6 =	vsel vm0, v4, v14;
	v12 =	vadd.f32 $6.000000000e+00, v17;
	v15 =	vld [tilespmem:s22+$0xC060];
	v5 =	vmul.f32 $1.706666720e+02, v5  }
0x159: {  	v11 =	vld [tilespmem:s22+$0x4000];
	v4 =	vmul.f32 $1.706666720e+02, v7;
	v14 =	vadd.f32 $6.000000000e+00, v21;
	v7 =	vsel vm5, v22, v10  }
0x15a: {  	v17 =	vmul.f32 $1.706666720e+02, v12;
	v18 =	vadd.f32 $6.000000000e+00, v23;
	v19 =	vld [tilespmem:s22+$0x4070];
	v5 =	vmax.f32 v5, $0.0e+00  }
0x15b: {  	v12 =	vld [tilespmem:s22+$0x4010];
	v14 =	vmul.f32 $1.706666720e+02, v14;
	v3 =	vadd.f32 $6.000000000e+00, v3;
	v5 =	vmin.f32 v5, $2.047000000e+03  }
0x15c: {  	v10 =	vld [tilespmem:s22+$0x4020];
	v18 =	vmul.f32 $1.706666720e+02, v18;
	v20 =	vadd.f32 $6.000000000e+00, v9;
	v5 =	vtrunc.f32 v5  }
0x15d: {  	v9 =	vld [tilespmem:s22+$0x4030];
	v21 =	vmul.f32 $1.706666720e+02, v3;
	v15 =	vadd.f32 $6.000000000e+00, v15;
	v22 =	vcvt.f32.s32 v5  }
0x15e: {  	v23 =	vmax.f32 v4, $0.0e+00;
	v26 =	vmax.f32 v17, $0.0e+00;
	v4 =	vld [tilespmem:s22+$0x4040];
	v17 =	vmul.f32 $1.706666720e+02, v20  }
.Ltmp10:
0x15f: {  	v3 =	vld [tilespmem:s22+$0x4050];
	v15 =	vmul.f32 $1.706666720e+02, v15;
	vm0 =	veq.s32 v19, v2;
	v19 =	vadd.s32 $0x800, v22;
	(pc) =	sbr.rel @p3 .LBB2_15-.Ltmp10, $4  }
0x160: {  	v27 =	vmax.f32 v14, $0.0e+00;
	v28 =	vmax.f32 v18, $0.0e+00;
	v5 =	vld [tilespmem:s22+$0x4060];
	v14 =	vsel vm0, v19, v22  }
0x161: {  	v22 =	vmax.f32 v21, $0.0e+00;
	v29 =	vmax.f32 v17, $0.0e+00;
	v17 =	vmax.f32 v15, $0.0e+00;
	[tilespmem:v24+s29+$0x0] =	vst.idx.add.s32.msk $0xffff, v1  }
0x162: {  	v20 =	vmin.f32 v23, $2.047000000e+03;
	v18 =	vmin.f32 v27, $2.047000000e+03;
	v21 =	vmin.f32 v26, $2.047000000e+03;
	[tilespmem:v16+s29+$0x0] =	vst.idx.add.s32.msk $0xffff, v1  }
0x163: {  	v19 =	vmin.f32 v28, $2.047000000e+03;
	v15 =	vmin.f32 v22, $2.047000000e+03;
	v16 =	vmin.f32 v29, $2.047000000e+03;
	[tilespmem:v25+s29+$0x0] =	vst.idx.add.s32.msk $0xffff, v1  }
.LBB2_16:
0x164: {  	v20 =	vtrunc.f32 v20  }
0x165: {  	v21 =	vtrunc.f32 v21;
	v17 =	vmin.f32 v17, $2.047000000e+03;
	v18 =	vtrunc.f32 v18  }
0x166: {  	v19 =	vtrunc.f32 v19;
	vm0 =	veq.s32 v11, v2;
	v11 =	vtrunc.f32 v15  }
0x167: {  	v15 =	vtrunc.f32 v16;
	vm1 =	veq.s32 v12, v2;
	v12 =	vcvt.f32.s32 v20  }
0x168: {  	vm2 =	veq.s32 v10, v2;
	v16 =	vtrunc.f32 v17;
	v10 =	vcvt.f32.s32 v21  }
0x169: {  	v17 =	vcvt.f32.s32 v18;
	v18 =	vcvt.f32.s32 v19  }
0x16a: {  	[tilespmem:v13+s29+$0x0] =	vst.idx.add.s32.msk @p2 $0xffff, v1;
	v11 =	vcvt.f32.s32 v11;
	vm3 =	veq.s32 v9, v2;
	v9 =	vadd.s32 $0x800, v12  }
0x16b: {  	[tilespmem:v14+s29+$0x0] =	vst.idx.add.s32.msk $0xffff, v1;
	vm13 =	veq.s32 v3, v2;
	v13 =	vadd.s32 $0x800, v10;
	v9 =	vsel vm0, v9, v12  }
0x16c: {  	[tilespmem:v8+s29+$0x0] =	vst.idx.add.s32.msk @p2 $0xffff, v1;
	v8 =	vcvt.f32.s32 v16;
	v14 =	vadd.s32 $0x800, v17;
	v10 =	vsel vm1, v13, v10  }
0x16d: {  	[tilespmem:v6+s29+$0x0] =	vst.idx.add.s32.msk @p2 $0xffff, v1;
	vm12 =	veq.s32 v4, v2;
	v6 =	vadd.s32 $0x800, v11;
	v14 =	vsel vm2, v14, v17  }
0x16e: {  	v12 =	vcvt.f32.s32 v15;
	v13 =	vadd.s32 $0x800, v18;
	v3 =	vsel vm12, v6, v11  }
0x16f: {  	[tilespmem:v7+s29+$0x0] =	vst.idx.add.s32.msk @p2 $0xffff, v1;
	v6 =	vadd.s32 $0x800, v8;
	vm14 =	veq.s32 v5, v2;
	v4 =	vsel vm3, v13, v18  }
0x170: {  	v6 =	vsel vm14, v6, v8;
	v7 =	vadd.s32 $0x800, v12;
	[tilespmem:v9+s29+$0x0] =	vst.idx.add.s32.msk $0xffff, v1  }
0x171: {  	v5 =	vsel vm13, v7, v12;
	[tilespmem:v10+s29+$0x0] =	vst.idx.add.s32.msk $0xffff, v1  }
0x172: {  	[tilespmem:v14+s29+$0x0] =	vst.idx.add.s32.msk $0xffff, v1  }
0x173: {  	[tilespmem:v3+s29+$0x0] =	vst.idx.add.s32.msk $0xffff, v1  }
0x174: {  	[tilespmem:v4+s29+$0x0] =	vst.idx.add.s32.msk $0xffff, v1  }
0x175: {  	[tilespmem:v6+s29+$0x0] =	vst.idx.add.s32.msk $0xffff, v1  }
0x176: {  	[tilespmem:v5+s29+$0x0] =	vst.idx.add.s32.msk $0xffff, v1  }
0x177: {  	v3 =	vld [tilespmem:s19+$0xE070]  }
0x178: {  	v4 =	vld [tilespmem:s19+$0xE000]  }
0x179: {  	v5 =	vld [tilespmem:s19+$0xE010]  }
0x17a: {  	v6 =	vld [tilespmem:s19+$0xE020]  }
0x17b: {  	v7 =	vld [tilespmem:s19+$0xE030]  }
0x17c: {  	v8 =	vld [tilespmem:s19+$0xE040]  }
0x17d: {  	v9 =	vld [tilespmem:s19+$0xE050]  }
0x17e: {  	v10 =	vld [tilespmem:s19+$0xE060]  }
0x17f: {  	v13 =	vld [tilespmem:s19+$0x6070]  }
0x180: {  	v3 =	vadd.f32 $6.000000000e+00, v3;
	v4 =	vadd.f32 $6.000000000e+00, v4  }
0x181: {  	v5 =	vadd.f32 $6.000000000e+00, v5;
	v6 =	vadd.f32 $6.000000000e+00, v6  }
0x182: {  	v7 =	vadd.f32 $6.000000000e+00, v7;
	v8 =	vadd.f32 $6.000000000e+00, v8  }
0x183: {  	v9 =	vadd.f32 $6.000000000e+00, v9;
	v14 =	vadd.f32 $6.000000000e+00, v10;
	v3 =	vmul.f32 $1.706666720e+02, v3  }
0x184: {  	vm15 =	veq.s32 v13, v2;
	v4 =	vmul.f32 $1.706666720e+02, v4;
	v5 =	vmul.f32 $1.706666720e+02, v5  }
0x185: {  	v6 =	vmul.f32 $1.706666720e+02, v6;
	v7 =	vmul.f32 $1.706666720e+02, v7;
	v3 =	vmax.f32 v3, $0.0e+00  }
0x186: {  	v11 =	vld [tilespmem:s19+$0x6000];
	v8 =	vmul.f32 $1.706666720e+02, v8;
	v16 =	vmul.f32 $1.706666720e+02, v9;
	v3 =	vmin.f32 v3, $2.047000000e+03  }
0x187: {  	v12 =	vld [tilespmem:s19+$0x6010];
	v17 =	vmul.f32 $1.706666720e+02, v14;
	v15 =	vmax.f32 v4, $0.0e+00;
	v3 =	vtrunc.f32 v3  }
.Ltmp11:
0x188: {  	v10 =	vld [tilespmem:s19+$0x6020];
	v5 =	vmax.f32 v5, $0.0e+00;
	v6 =	vmax.f32 v6, $0.0e+00;
	v3 =	vcvt.f32.s32 v3;
	(pc) =	sbr.rel @!p1 .LBB2_17-.Ltmp11, $4  }
0x189: {  	v9 =	vld [tilespmem:s19+$0x6030];
	v7 =	vmax.f32 v7, $0.0e+00;
	v8 =	vmax.f32 v8, $0.0e+00;
	v13 =	vmax.f32 v16, $0.0e+00  }
0x18a: {  	v17 =	vmax.f32 v17, $0.0e+00;
	v21 =	vmin.f32 v5, $2.047000000e+03;
	v5 =	vld [tilespmem:s19+$0x6060];
	v4 =	vadd.s32 $0x800, v3  }
0x18b: {  	v20 =	vmin.f32 v15, $2.047000000e+03;
	v18 =	vmin.f32 v6, $2.047000000e+03;
	v14 =	vsel vm15, v4, v3;
	v4 =	vld [tilespmem:s19+$0x6040]  }
0x18c: {  	v19 =	vmin.f32 v7, $2.047000000e+03;
	v15 =	vmin.f32 v8, $2.047000000e+03;
	v16 =	vmin.f32 v13, $2.047000000e+03;
	v3 =	vld [tilespmem:s19+$0x6050]  }
0x18d: {  	_ = 	snop  }
0x18e: {  	v6 =	vtrunc.f32 v20;
	s6 =	simm.s32 $0x80;
	s19 =	simm.s32 $0x400  }
0x18f: {  	v7 =	vtrunc.f32 v21;
	vm0 =	veq.s32 v11, v2;
	v11 =	vtrunc.f32 v18;
	s20 =	simm.s32 $0x20;
	s6 =	sand.u32 $0x1000, s6;
	s7 =	sand.u32 $0xC00, s19  }
0x190: {  	v13 =	vtrunc.f32 v19;
	vm1 =	veq.s32 v12, v2;
	v12 =	vtrunc.f32 v15;
	s22 =	sand.u32 $0x380, s20;
	s6 =	sor.u32 s7, s6  }
0x191: {  	v8 =	vmin.f32 v17, $2.047000000e+03;
	v15 =	vtrunc.f32 v16;
	[tilespmem:v14+s29+$0x0] =	vst.idx.add.s32.msk $0xffff, v1;
	v6 =	vcvt.f32.s32 v6;
	s20 =	sor.u32 s22, s6  }
0x192: {  	v8 =	vtrunc.f32 v8;
	v7 =	vcvt.f32.s32 v7;
	vm3 =	veq.s32 v9, v2;
	v9 =	vld [tilespmem:s20+$0xE070]  }
0x193: {  	vm2 =	veq.s32 v10, v2;
	v10 =	vcvt.f32.s32 v11;
	v13 =	vcvt.f32.s32 v13;
	v14 =	vld [tilespmem:s20+$0xE000]  }
0x194: {  	v12 =	vcvt.f32.s32 v12;
	v15 =	vcvt.f32.s32 v15;
	v18 =	vld [tilespmem:s20+$0xE010]  }
0x195: {  	v17 =	vcvt.f32.s32 v8;
	vm5 =	veq.s32 v5, v2;
	v11 =	vadd.s32 $0x800, v6;
	v21 =	vld [tilespmem:s20+$0xE020]  }
0x196: {  	v16 =	vadd.s32 $0x800, v7;
	v8 =	vadd.s32 $0x800, v10;
	v19 =	vadd.s32 $0x800, v13;
	v23 =	vld [tilespmem:s20+$0xE030]  }
0x197: {  	v20 =	vadd.s32 $0x800, v12;
	vm4 =	veq.s32 v4, v2;
	vm14 =	veq.s32 v3, v2;
	v3 =	vld [tilespmem:s20+$0xE040]  }
0x198: {  	v4 =	vadd.s32 $0x800, v15;
	v22 =	vadd.s32 $0x800, v17;
	v24 =	vsel vm0, v11, v6  }
0x199: {  	v16 =	vsel vm1, v16, v7;
	v13 =	vsel vm3, v19, v13;
	v19 =	vld [tilespmem:s20+$0x6070];
	v5 =	vadd.f32 $6.000000000e+00, v9  }
0x19a: {  	v25 =	vsel vm2, v8, v10;
	v6 =	vsel vm14, v4, v15;
	v7 =	vadd.f32 $6.000000000e+00, v14;
	v9 =	vld [tilespmem:s20+$0xE050]  }
0x19b: {  	v10 =	vadd.f32 $6.000000000e+00, v18;
	v14 =	vld [tilespmem:s20+$0xE060];
	v15 =	vadd.f32 $6.000000000e+00, v21;
	v5 =	vmul.f32 $1.706666720e+02, v5  }
0x19c: {  	v8 =	vsel vm4, v20, v12;
	v18 =	vadd.f32 $6.000000000e+00, v23;
	v3 =	vadd.f32 $6.000000000e+00, v3  }
0x19d: {  	v11 =	vld [tilespmem:s20+$0x6000];
	v4 =	vmul.f32 $1.706666720e+02, v7;
	v7 =	vsel vm5, v22, v17;
	v5 =	vmax.f32 v5, $0.0e+00  }
0x19e: {  	v12 =	vld [tilespmem:s20+$0x6010];
	v17 =	vmul.f32 $1.706666720e+02, v10;
	v15 =	vmul.f32 $1.706666720e+02, v15;
	v5 =	vmin.f32 v5, $2.047000000e+03  }
0x19f: {  	vm15 =	veq.s32 v19, v2;
	[tilespmem:v24+s29+$0x0] =	vst.idx.add.s32.msk $0xffff, v1;
	v18 =	vmul.f32 $1.706666720e+02, v18;
	v5 =	vtrunc.f32 v5  }
0x1a0: {  	[tilespmem:v16+s29+$0x0] =	vst.idx.add.s32.msk $0xffff, v1;
	v20 =	vadd.f32 $6.000000000e+00, v9;
	v14 =	vadd.f32 $6.000000000e+00, v14;
	v22 =	vcvt.f32.s32 v5  }
0x1a1: {  	p1 =	por $0x1, $0x1;
	[tilespmem:v25+s29+$0x0] =	vst.idx.add.s32.msk $0xffff, v1;
	v21 =	vmul.f32 $1.706666720e+02, v3;
	v23 =	vmax.f32 v4, $0.0e+00;
	v26 =	vmax.f32 v17, $0.0e+00  }
.Ltmp12:
0x1a2: {  	v10 =	vld [tilespmem:s20+$0x6020];
	v17 =	vmul.f32 $1.706666720e+02, v20;
	v20 =	vmul.f32 $1.706666720e+02, v14;
	v14 =	vadd.s32 $0x800, v22;
	(pc) =	sbr.rel @!p1 .LBB2_20-.Ltmp12, $4  }
0x1a3: {  	v3 =	vld [tilespmem:s20+$0x6050];
	v15 =	vmax.f32 v15, $0.0e+00;
	v19 =	vmax.f32 v18, $0.0e+00;
	v14 =	vsel vm15, v14, v22  }
0x1a4: {  	v4 =	vld [tilespmem:s20+$0x6040];
	v18 =	vmin.f32 v15, $2.047000000e+03;
	v19 =	vmin.f32 v19, $2.047000000e+03;
	v27 =	vmax.f32 v17, $0.0e+00  }
0x1a5: {  	v9 =	vld [tilespmem:s20+$0x6030];
	v17 =	vmax.f32 v20, $0.0e+00;
	v20 =	vmin.f32 v23, $2.047000000e+03;
	v22 =	vmax.f32 v21, $0.0e+00  }
0x1a6: {  	p0 =	por $0x1, $0x1;
	v5 =	vld [tilespmem:s20+$0x6060];
	s20 =	simm.s32 $0x8;
	v21 =	vmin.f32 v26, $2.047000000e+03;
	v16 =	vmin.f32 v27, $2.047000000e+03;
	v15 =	vmin.f32 v22, $2.047000000e+03  }
.LBB2_19:
0x1a7: {  	s20 =	sadd.s32 $0x8, s20;
	v20 =	vtrunc.f32 v20;
	v21 =	vtrunc.f32 v21;
	v17 =	vmin.f32 v17, $2.047000000e+03;
	[tilespmem:v13+s29+$0x0] =	vst.idx.add.s32.msk $0xffff, v1  }
0x1a8: {  	vm0 =	veq.s32 v11, v2;
	v11 =	vtrunc.f32 v18;
	v13 =	vtrunc.f32 v19;
	s19 =	sadd.s32 $0x400, s19;
	s6 =	sshll.u32 s20, $0x4;
	p1 =	slt.u32 s20, $0x1F8;
	[tilespmem:v14+s29+$0x0] =	vst.idx.add.s32.msk $0xffff, v1  }
0x1a9: {  	vm1 =	veq.s32 v12, v2;
	v12 =	vtrunc.f32 v15;
	s7 =	sand.u32 $0xC00, s19;
	s21 =	sshll.u32 s20, $0x2;
	v14 =	vtrunc.f32 v16;
	s6 =	sand.u32 $0x1000, s6;
	[tilespmem:v8+s29+$0x0] =	vst.idx.add.s32.msk $0xffff, v1  }
0x1aa: {  	vm2 =	veq.s32 v10, v2;
	v10 =	vtrunc.f32 v17;
	v8 =	vcvt.f32.s32 v20;
	s6 =	sor.u32 s7, s6;
	s7 =	sand.u32 $0x380, s21;
	[tilespmem:v6+s29+$0x0] =	vst.idx.add.s32.msk $0xffff, v1  }
0x1ab: {  	vm3 =	veq.s32 v9, v2;
	v11 =	vcvt.f32.s32 v11;
	v6 =	vcvt.f32.s32 v21;
	s21 =	sor.u32 s7, s6;
	[tilespmem:v7+s29+$0x0] =	vst.idx.add.s32.msk $0xffff, v1  }
0x1ac: {  	v13 =	vcvt.f32.s32 v13;
	v12 =	vcvt.f32.s32 v12;
	v9 =	vadd.s32 $0x800, v8;
	v7 =	vld [tilespmem:s21+$0xE070]  }
0x1ad: {  	v14 =	vcvt.f32.s32 v14;
	v10 =	vcvt.f32.s32 v10;
	v16 =	vadd.s32 $0x800, v6;
	v15 =	vld [tilespmem:s21+$0xE000]  }
0x1ae: {  	v18 =	vadd.s32 $0x800, v11;
	v19 =	vadd.s32 $0x800, v13;
	v20 =	vadd.s32 $0x800, v12;
	v17 =	vld [tilespmem:s21+$0xE010]  }
0x1af: {  	vm4 =	veq.s32 v4, v2;
	v4 =	vadd.s32 $0x800, v14;
	v22 =	vadd.s32 $0x800, v10;
	v21 =	vld [tilespmem:s21+$0xE020]  }
0x1b0: {  	vm5 =	veq.s32 v5, v2;
	v24 =	vsel vm0, v9, v8;
	vm0 =	veq.s32 v3, v2;
	v23 =	vld [tilespmem:s21+$0xE030]  }
0x1b1: {  	v25 =	vsel vm2, v18, v11;
	v16 =	vsel vm1, v16, v6;
	v3 =	vld [tilespmem:s21+$0xE040];
	v5 =	vadd.f32 $6.000000000e+00, v7  }
0x1b2: {  	v13 =	vsel vm3, v19, v13;
	v8 =	vsel vm4, v20, v12;
	v7 =	vadd.f32 $6.000000000e+00, v15;
	v9 =	vld [tilespmem:s21+$0xE050]  }
0x1b3: {  	v6 =	vsel vm0, v4, v14;
	v12 =	vadd.f32 $6.000000000e+00, v17;
	v15 =	vld [tilespmem:s21+$0xE060];
	v5 =	vmul.f32 $1.706666720e+02, v5  }
0x1b4: {  	v11 =	vld [tilespmem:s21+$0x6000];
	v4 =	vmul.f32 $1.706666720e+02, v7;
	v14 =	vadd.f32 $6.000000000e+00, v21;
	v7 =	vsel vm5, v22, v10  }
0x1b5: {  	v17 =	vmul.f32 $1.706666720e+02, v12;
	v18 =	vadd.f32 $6.000000000e+00, v23;
	v19 =	vld [tilespmem:s21+$0x6070];
	v5 =	vmax.f32 v5, $0.0e+00  }
0x1b6: {  	v12 =	vld [tilespmem:s21+$0x6010];
	v14 =	vmul.f32 $1.706666720e+02, v14;
	v3 =	vadd.f32 $6.000000000e+00, v3;
	v5 =	vmin.f32 v5, $2.047000000e+03  }
0x1b7: {  	v10 =	vld [tilespmem:s21+$0x6020];
	v18 =	vmul.f32 $1.706666720e+02, v18;
	v20 =	vadd.f32 $6.000000000e+00, v9;
	v5 =	vtrunc.f32 v5  }
0x1b8: {  	v9 =	vld [tilespmem:s21+$0x6030];
	v21 =	vmul.f32 $1.706666720e+02, v3;
	v15 =	vadd.f32 $6.000000000e+00, v15;
	v22 =	vcvt.f32.s32 v5  }
0x1b9: {  	v23 =	vmax.f32 v4, $0.0e+00;
	v26 =	vmax.f32 v17, $0.0e+00;
	v4 =	vld [tilespmem:s21+$0x6040];
	v17 =	vmul.f32 $1.706666720e+02, v20  }
.Ltmp13:
0x1ba: {  	v3 =	vld [tilespmem:s21+$0x6050];
	v15 =	vmul.f32 $1.706666720e+02, v15;
	vm0 =	veq.s32 v19, v2;
	v19 =	vadd.s32 $0x800, v22;
	(pc) =	sbr.rel @p1 .LBB2_19-.Ltmp13, $4  }
0x1bb: {  	v27 =	vmax.f32 v14, $0.0e+00;
	v28 =	vmax.f32 v18, $0.0e+00;
	v5 =	vld [tilespmem:s21+$0x6060];
	v14 =	vsel vm0, v19, v22  }
0x1bc: {  	v22 =	vmax.f32 v21, $0.0e+00;
	v29 =	vmax.f32 v17, $0.0e+00;
	v17 =	vmax.f32 v15, $0.0e+00;
	[tilespmem:v24+s29+$0x0] =	vst.idx.add.s32.msk $0xffff, v1  }
0x1bd: {  	v20 =	vmin.f32 v23, $2.047000000e+03;
	v18 =	vmin.f32 v27, $2.047000000e+03;
	v21 =	vmin.f32 v26, $2.047000000e+03;
	[tilespmem:v16+s29+$0x0] =	vst.idx.add.s32.msk $0xffff, v1  }
0x1be: {  	v19 =	vmin.f32 v28, $2.047000000e+03;
	v15 =	vmin.f32 v22, $2.047000000e+03;
	v16 =	vmin.f32 v29, $2.047000000e+03;
	[tilespmem:v25+s29+$0x0] =	vst.idx.add.s32.msk $0xffff, v1  }
.Ltmp14:
0x1bf: {  	_ = 	snop;
	(pc) =	sbr.rel .LBB2_20-.Ltmp14, $1  }
0x1c0: {  	_ =	sdelay $0x3  }
.LBB2_3:
0x1c1: {  	s19 =	sshll.u32 s18, $0x12  }
0x1c2: {  	s20 =	sshll.u32 s17, $0xF;
	s19 =	sor.u32 s5, s19  }
0x1c3: {  	s20 =	sand.u32 $0x8000, s20;
	s19 =	sshrl.u32 s19, $0x3  }
0x1c4: {  	s21 =	ssub.s32 $0x10000, s20;
	s19 =	sadd.s32 s1, s19  }
0x1c5: {  	[tilespmem:s21], [sflag:$0x1] =	stream.linear.gather [hbm4b:s19+s3], $0x2000, $0x38;
	[tilespmem:$0x1A000] =	vst v63  }
0x1c6: {  	s7 =	ssub.s32 $0x12000, s20;
	s22 =	sadd.s32 $0xA8000, s19  }
0x1c7: {  	[tilespmem:s7], [sflag:$0x2] =	stream.linear.gather [hbm4b:s22+s3], $0x2000, $0x38;
	[tilespmem:$0x1A000] =	vst v63  }
0x1c8: {  	s22 =	sand.u32 $0x1, s17  }
0x1c9: {  	p1 =	seq.s32 s22, $0x1  }
.Ltmp15:
0x1ca: {  	_ = 	snop;
	(pc) =	sbr.rel @!p1 .LBB2_4-.Ltmp15, $4  }
0x1cb: {  	s6 =	ssub.s32 $0x14000, s20;
	s7 =	sadd.s32 $0x150000, s19  }
0x1cc: {  	[tilespmem:s6], [sflag:$0x3] =	stream.linear.gather [hbm4b:s7+s3], $0x2000, $0x38;
	[tilespmem:$0x1A000] =	vst v63  }
0x1cd: {  	p0 =	sgt.u32 s17, $0x1;
	s20 =	ssub.s32 $0x16000, s20;
	s19 =	sadd.s32 $0x1F8000, s19  }
0x1ce: {  	[tilespmem:s20], [sflag:$0x4] =	stream.linear.gather [hbm4b:s19+s3], $0x2000, $0x38;
	[tilespmem:$0x1A000] =	vst v63  }
0x1cf: {  	s6 =	simm.s32 @p0 $0x6  }
0x1d0: {  	_ =	swait.ge @p0 [sflag:s6], $0x1000  }
0x1d1: {  	[sflag:s6] =	ssyncset.done @p0 $0x0  }
0x1d2: {  	s19 =	simm.s32 $0x19040;
	[sflag:s6] =	ssyncadd.s32 @p0 $0xFFFFF000  }
0x1d3: {  	[tilespmem:s19+$0xFFFFFFC0] =	vst v0  }
0x1d4: {  	[tilespmem:s19+$0x30] =	vst v0  }
0x1d5: {  	[tilespmem:s19+$0x20] =	vst v0  }
0x1d6: {  	[tilespmem:s19+$0x10] =	vst v0  }
0x1d7: {  	[tilespmem:s19+$0x0] =	vst v0  }
0x1d8: {  	[tilespmem:s19+$0xFFFFFFF0] =	vst v0  }
0x1d9: {  	s20 =	simm.s32 $0x0;
	[tilespmem:s19+$0xFFFFFFE0] =	vst v0  }
.LBB2_22:
0x1da: {  	s20 =	sadd.s32 $0x8, s20;
	[tilespmem:s19+$0xFFFFFFD0] =	vst v0;
	s19 =	sadd.s32 $0x80, s19  }
0x1db: {  	[tilespmem:s19+$0xFFFFFFC0] =	vst v0;
	p0 =	slt.u32 s20, $0xF8  }
0x1dc: {  	[tilespmem:s19+$0x30] =	vst v0  }
.Ltmp16:
0x1dd: {  	[tilespmem:s19+$0x20] =	vst v0;
	(pc) =	sbr.rel @p0 .LBB2_22-.Ltmp16, $4  }
0x1de: {  	[tilespmem:s19+$0x10] =	vst v0  }
0x1df: {  	[tilespmem:s19+$0x0] =	vst v0  }
0x1e0: {  	[tilespmem:s19+$0xFFFFFFF0] =	vst v0  }
0x1e1: {  	[tilespmem:s19+$0xFFFFFFE0] =	vst v0  }
0x1e2: {  	s7 =	simm.s32 $0x0;
	s6 =	simm.s32 $0x0  }
0x1e3: {  	s20 =	simm.s32 $0x0;
	s6 =	sand.u32 $0x1000, s6;
	s7 =	sand.u32 $0xC00, s7  }
0x1e4: {  	[tilespmem:s19+$0xFFFFFFD0] =	vst v0;
	s19 =	sand.u32 $0x380, s20;
	s6 =	sor.u32 s7, s6  }
0x1e5: {  	s19 =	sor.u32 s19, s6  }
0x1e6: {  	v3 =	vld [tilespmem:s19+$0x10070]  }
0x1e7: {  	v4 =	vld [tilespmem:s19+$0x10000]  }
0x1e8: {  	v5 =	vld [tilespmem:s19+$0x10010]  }
0x1e9: {  	v6 =	vld [tilespmem:s19+$0x10020]  }
0x1ea: {  	v7 =	vld [tilespmem:s19+$0x10030]  }
0x1eb: {  	v8 =	vld [tilespmem:s19+$0x10040]  }
0x1ec: {  	v9 =	vld [tilespmem:s19+$0x10050]  }
0x1ed: {  	v10 =	vld [tilespmem:s19+$0x10060]  }
0x1ee: {  	v11 =	vld [tilespmem:s19+$0x70]  }
0x1ef: {  	v3 =	vadd.f32 $6.000000000e+00, v3;
	v4 =	vadd.f32 $6.000000000e+00, v4  }
0x1f0: {  	v5 =	vadd.f32 $6.000000000e+00, v5;
	v6 =	vadd.f32 $6.000000000e+00, v6  }
0x1f1: {  	v2 =	vmov s17;
	v12 =	vld [tilespmem:s19+$0x0];
	v7 =	vadd.f32 $6.000000000e+00, v7;
	v8 =	vadd.f32 $6.000000000e+00, v8  }
0x1f2: {  	v9 =	vadd.f32 $6.000000000e+00, v9;
	v10 =	vadd.f32 $6.000000000e+00, v10;
	v3 =	vmul.f32 $1.706666720e+02, v3  }
0x1f3: {  	vm0 =	veq.s32 v11, v2;
	v4 =	vmul.f32 $1.706666720e+02, v4;
	v5 =	vmul.f32 $1.706666720e+02, v5  }
0x1f4: {  	v6 =	vmul.f32 $1.706666720e+02, v6;
	v7 =	vmul.f32 $1.706666720e+02, v7;
	v3 =	vmax.f32 v3, $0.0e+00  }
0x1f5: {  	v8 =	vmul.f32 $1.706666720e+02, v8;
	v9 =	vmul.f32 $1.706666720e+02, v9;
	v3 =	vmin.f32 v3, $2.047000000e+03  }
0x1f6: {  	vm13 =	veq.s32 v12, v2;
	v10 =	vmul.f32 $1.706666720e+02, v10;
	v3 =	vtrunc.f32 v3  }
0x1f7: {  	v4 =	vmax.f32 v4, $0.0e+00;
	v5 =	vmax.f32 v5, $0.0e+00;
	v3 =	vcvt.f32.s32 v3  }
0x1f8: {  	v6 =	vmax.f32 v6, $0.0e+00;
	v7 =	vmax.f32 v7, $0.0e+00;
	v8 =	vmax.f32 v8, $0.0e+00  }
0x1f9: {  	v13 =	vld [tilespmem:s19+$0x20];
	v9 =	vmax.f32 v9, $0.0e+00;
	v10 =	vmax.f32 v10, $0.0e+00;
	v11 =	vadd.s32 $0x800, v3  }
0x1fa: {  	s21 =	simm.s32 $0x80;
	s20 =	simm.s32 $0x400;
	v4 =	vmin.f32 v4, $2.047000000e+03;
	v5 =	vmin.f32 v5, $2.047000000e+03;
	v3 =	vsel vm0, v11, v3;
	v11 =	vld [tilespmem:s19+$0x10]  }
0x1fb: {  	s22 =	sand.u32 $0xC00, s20;
	s6 =	sand.u32 $0x1000, s21;
	s21 =	simm.s32 $0x20;
	v14 =	vld [tilespmem:s19+$0x30];
	v6 =	vmin.f32 v6, $2.047000000e+03;
	v7 =	vmin.f32 v7, $2.047000000e+03;
	v4 =	vtrunc.f32 v4  }
0x1fc: {  	v15 =	vld [tilespmem:s19+$0x40];
	s21 =	sand.u32 $0x380, s21;
	s6 =	sor.u32 s22, s6;
	v10 =	vmin.f32 v10, $2.047000000e+03;
	v5 =	vtrunc.f32 v5;
	v6 =	vtrunc.f32 v6  }
0x1fd: {  	s21 =	sor.u32 s21, s6;
	v12 =	vld [tilespmem:s19+$0x50];
	v8 =	vmin.f32 v8, $2.047000000e+03;
	v7 =	vtrunc.f32 v7;
	v10 =	vtrunc.f32 v10  }
0x1fe: {  	v9 =	vmin.f32 v9, $2.047000000e+03;
	v8 =	vtrunc.f32 v8;
	v17 =	vcvt.f32.s32 v10;
	v10 =	vld [tilespmem:s21+$0x10010]  }
0x1ff: {  	v9 =	vtrunc.f32 v9;
	v4 =	vcvt.f32.s32 v4;
	vm1 =	veq.s32 v11, v2;
	v11 =	vld [tilespmem:s19+$0x60]  }
0x200: {  	vm2 =	veq.s32 v13, v2;
	v7 =	vcvt.f32.s32 v7;
	v8 =	vcvt.f32.s32 v8;
	[tilespmem:v3+s2+$0x0] =	vst.idx.add.s32.msk $0xffff, v1  }
0x201: {  	vm3 =	veq.s32 v14, v2;
	v3 =	vcvt.f32.s32 v5;
	v5 =	vcvt.f32.s32 v6;
	v6 =	vld [tilespmem:s21+$0x10070]  }
0x202: {  	v14 =	vld [tilespmem:s21+$0x10000];
	vm4 =	veq.s32 v15, v2;
	vm14 =	veq.s32 v12, v2;
	v9 =	vcvt.f32.s32 v9  }
0x203: {  	v13 =	vadd.s32 $0x800, v4;
	v19 =	vadd.s32 $0x800, v7;
	v20 =	vadd.s32 $0x800, v8  }
0x204: {  	v21 =	vld [tilespmem:s21+$0x10020];
	v15 =	vadd.s32 $0x800, v9;
	v24 =	vsel vm13, v13, v4;
	v18 =	vadd.s32 $0x800, v5  }
0x205: {  	v23 =	vld [tilespmem:s21+$0x10030];
	v16 =	vadd.s32 $0x800, v3;
	v25 =	vsel vm2, v18, v5;
	v5 =	vsel vm4, v20, v8  }
0x206: {  	v8 =	vadd.f32 $6.000000000e+00, v10;
	vm5 =	veq.s32 v11, v2;
	v11 =	vld [tilespmem:s21+$0x10040];
	v4 =	vadd.f32 $6.000000000e+00, v6  }
0x207: {  	v22 =	vadd.s32 $0x800, v17;
	v16 =	vsel vm1, v16, v3;
	v3 =	vadd.f32 $6.000000000e+00, v14;
	v14 =	vld [tilespmem:s21+$0x10060]  }
0x208: {  	v7 =	vsel vm3, v19, v7;
	v18 =	vld [tilespmem:s21+$0x70];
	v8 =	vmul.f32 $1.706666720e+02, v8;
	v12 =	vmul.f32 $1.706666720e+02, v4  }
0x209: {  	v6 =	vld [tilespmem:s21+$0x10050];
	v4 =	vsel vm14, v15, v9;
	v9 =	vmul.f32 $1.706666720e+02, v3;
	v15 =	vadd.f32 $6.000000000e+00, v21  }
0x20a: {  	v13 =	vld [tilespmem:s21+$0x10];
	v3 =	vsel vm5, v22, v17;
	v17 =	vadd.f32 $6.000000000e+00, v23;
	v12 =	vmax.f32 v12, $0.0e+00  }
0x20b: {  	[tilespmem:v24+s2+$0x0] =	vst.idx.add.s32.msk $0xffff, v1;
	v22 =	vmax.f32 v8, $0.0e+00;
	v19 =	vadd.f32 $6.000000000e+00, v11;
	v11 =	vmin.f32 v12, $2.047000000e+03  }
0x20c: {  	v10 =	vld [tilespmem:s21+$0x0];
	v14 =	vadd.f32 $6.000000000e+00, v14;
	v15 =	vmul.f32 $1.706666720e+02, v15;
	v20 =	vtrunc.f32 v11  }
0x20d: {  	v8 =	vld [tilespmem:s21+$0x40];
	vm15 =	veq.s32 v18, v2;
	v17 =	vmul.f32 $1.706666720e+02, v17;
	v20 =	vcvt.f32.s32 v20  }
0x20e: {  	[tilespmem:v16+s2+$0x0] =	vst.idx.add.s32.msk $0xffff, v1;
	v21 =	vmax.f32 v9, $0.0e+00;
	v6 =	vadd.f32 $6.000000000e+00, v6;
	v26 =	vmul.f32 $1.706666720e+02, v14  }
0x20f: {  	[tilespmem:v25+s2+$0x0] =	vst.idx.add.s32.msk $0xffff, v1;
	v15 =	vmax.f32 v15, $0.0e+00;
	v19 =	vmul.f32 $1.706666720e+02, v19;
	v14 =	vadd.s32 $0x800, v20  }
0x210: {  	v9 =	vld [tilespmem:s21+$0x60];
	v27 =	vmax.f32 v17, $0.0e+00;
	v23 =	vmul.f32 $1.706666720e+02, v6;
	v14 =	vsel vm15, v14, v20  }
0x211: {  	v12 =	vld [tilespmem:s21+$0x20];
	v17 =	vmax.f32 v26, $0.0e+00;
	v18 =	vmin.f32 v15, $2.047000000e+03;
	v28 =	vmax.f32 v19, $0.0e+00  }
0x212: {  	v11 =	vld [tilespmem:s21+$0x30];
	v23 =	vmax.f32 v23, $0.0e+00;
	v19 =	vmin.f32 v27, $2.047000000e+03;
	v20 =	vmin.f32 v21, $2.047000000e+03  }
0x213: {  	v6 =	vld [tilespmem:s21+$0x50];
	s21 =	simm.s32 $0x8;
	v21 =	vmin.f32 v22, $2.047000000e+03;
	v15 =	vmin.f32 v28, $2.047000000e+03;
	v16 =	vmin.f32 v23, $2.047000000e+03  }
.LBB2_24:
0x214: {  	s21 =	sadd.s32 $0x8, s21;
	v20 =	vtrunc.f32 v20;
	v21 =	vtrunc.f32 v21;
	v17 =	vmin.f32 v17, $2.047000000e+03;
	[tilespmem:v7+s2+$0x0] =	vst.idx.add.s32.msk $0xffff, v1  }
0x215: {  	vm0 =	veq.s32 v10, v2;
	v7 =	vtrunc.f32 v18;
	v10 =	vtrunc.f32 v19;
	s20 =	sadd.s32 $0x400, s20;
	s6 =	sshll.u32 s21, $0x4;
	p0 =	slt.u32 s21, $0x1F8;
	[tilespmem:v14+s2+$0x0] =	vst.idx.add.s32.msk $0xffff, v1  }
0x216: {  	vm1 =	veq.s32 v13, v2;
	v13 =	vtrunc.f32 v15;
	s7 =	sand.u32 $0xC00, s20;
	s22 =	sshll.u32 s21, $0x2;
	v14 =	vtrunc.f32 v16;
	s6 =	sand.u32 $0x1000, s6;
	[tilespmem:v5+s2+$0x0] =	vst.idx.add.s32.msk $0xffff, v1  }
0x217: {  	vm2 =	veq.s32 v12, v2;
	v12 =	vtrunc.f32 v17;
	s22 =	sand.u32 $0x380, s22;
	v5 =	vcvt.f32.s32 v20;
	s6 =	sor.u32 s7, s6;
	[tilespmem:v4+s2+$0x0] =	vst.idx.add.s32.msk $0xffff, v1  }
0x218: {  	vm3 =	veq.s32 v11, v2;
	v7 =	vcvt.f32.s32 v7;
	v4 =	vcvt.f32.s32 v21;
	s22 =	sor.u32 s22, s6;
	[tilespmem:v3+s2+$0x0] =	vst.idx.add.s32.msk $0xffff, v1  }
0x219: {  	v10 =	vcvt.f32.s32 v10;
	v13 =	vcvt.f32.s32 v13;
	v11 =	vadd.s32 $0x800, v5;
	v3 =	vld [tilespmem:s22+$0x10070]  }
0x21a: {  	v14 =	vcvt.f32.s32 v14;
	v12 =	vcvt.f32.s32 v12;
	v16 =	vadd.s32 $0x800, v4;
	v15 =	vld [tilespmem:s22+$0x10000]  }
0x21b: {  	v18 =	vadd.s32 $0x800, v7;
	v19 =	vadd.s32 $0x800, v10;
	v20 =	vadd.s32 $0x800, v13;
	v17 =	vld [tilespmem:s22+$0x10010]  }
0x21c: {  	vm4 =	veq.s32 v8, v2;
	v8 =	vadd.s32 $0x800, v14;
	v22 =	vadd.s32 $0x800, v12;
	v21 =	vld [tilespmem:s22+$0x10020]  }
0x21d: {  	vm5 =	veq.s32 v9, v2;
	v24 =	vsel vm0, v11, v5;
	vm0 =	veq.s32 v6, v2;
	v23 =	vld [tilespmem:s22+$0x10030]  }
0x21e: {  	v25 =	vsel vm2, v18, v7;
	v16 =	vsel vm1, v16, v4;
	v6 =	vld [tilespmem:s22+$0x10040];
	v3 =	vadd.f32 $6.000000000e+00, v3  }
0x21f: {  	v7 =	vsel vm3, v19, v10;
	v5 =	vsel vm4, v20, v13;
	v9 =	vadd.f32 $6.000000000e+00, v15;
	v11 =	vld [tilespmem:s22+$0x10050]  }
0x220: {  	v4 =	vsel vm0, v8, v14;
	v13 =	vadd.f32 $6.000000000e+00, v17;
	v15 =	vld [tilespmem:s22+$0x10060];
	v17 =	vmul.f32 $1.706666720e+02, v3  }
0x221: {  	v3 =	vsel vm5, v22, v12;
	v10 =	vld [tilespmem:s22+$0x0];
	v8 =	vmul.f32 $1.706666720e+02, v9;
	v9 =	vadd.f32 $6.000000000e+00, v21  }
0x222: {  	v14 =	vmul.f32 $1.706666720e+02, v13;
	v18 =	vadd.f32 $6.000000000e+00, v23;
	v19 =	vld [tilespmem:s22+$0x70];
	v12 =	vmax.f32 v17, $0.0e+00  }
0x223: {  	v13 =	vld [tilespmem:s22+$0x10];
	v9 =	vmul.f32 $1.706666720e+02, v9;
	v6 =	vadd.f32 $6.000000000e+00, v6;
	v17 =	vmin.f32 v12, $2.047000000e+03  }
0x224: {  	v12 =	vld [tilespmem:s22+$0x20];
	v18 =	vmul.f32 $1.706666720e+02, v18;
	v20 =	vadd.f32 $6.000000000e+00, v11;
	v17 =	vtrunc.f32 v17  }
0x225: {  	v11 =	vld [tilespmem:s22+$0x30];
	v21 =	vmul.f32 $1.706666720e+02, v6;
	v15 =	vadd.f32 $6.000000000e+00, v15;
	v17 =	vcvt.f32.s32 v17  }
0x226: {  	v22 =	vmax.f32 v8, $0.0e+00;
	v23 =	vmax.f32 v14, $0.0e+00;
	v8 =	vld [tilespmem:s22+$0x40];
	v20 =	vmul.f32 $1.706666720e+02, v20  }
.Ltmp17:
0x227: {  	v6 =	vld [tilespmem:s22+$0x50];
	v15 =	vmul.f32 $1.706666720e+02, v15;
	vm0 =	veq.s32 v19, v2;
	v14 =	vadd.s32 $0x800, v17;
	(pc) =	sbr.rel @p0 .LBB2_24-.Ltmp17, $4  }
0x228: {  	v26 =	vmax.f32 v18, $0.0e+00;
	v19 =	vmax.f32 v9, $0.0e+00;
	v9 =	vld [tilespmem:s22+$0x60];
	v14 =	vsel vm0, v14, v17  }
0x229: {  	v27 =	vmax.f32 v21, $0.0e+00;
	v28 =	vmax.f32 v20, $0.0e+00;
	v17 =	vmax.f32 v15, $0.0e+00;
	[tilespmem:v24+s2+$0x0] =	vst.idx.add.s32.msk $0xffff, v1  }
0x22a: {  	v21 =	vmin.f32 v23, $2.047000000e+03;
	v20 =	vmin.f32 v22, $2.047000000e+03;
	v18 =	vmin.f32 v19, $2.047000000e+03;
	[tilespmem:v16+s2+$0x0] =	vst.idx.add.s32.msk $0xffff, v1  }
0x22b: {  	v19 =	vmin.f32 v26, $2.047000000e+03;
	v15 =	vmin.f32 v27, $2.047000000e+03;
	v16 =	vmin.f32 v28, $2.047000000e+03;
	[tilespmem:v25+s2+$0x0] =	vst.idx.add.s32.msk $0xffff, v1  }
0x22c: {  	v20 =	vtrunc.f32 v20;
	v21 =	vtrunc.f32 v21;
	v17 =	vmin.f32 v17, $2.047000000e+03  }
0x22d: {  	v18 =	vtrunc.f32 v18;
	v19 =	vtrunc.f32 v19;
	vm0 =	veq.s32 v10, v2  }
0x22e: {  	v10 =	vtrunc.f32 v15;
	v15 =	vtrunc.f32 v16;
	vm1 =	veq.s32 v13, v2  }
0x22f: {  	vm2 =	veq.s32 v12, v2;
	vm3 =	veq.s32 v11, v2;
	v13 =	vcvt.f32.s32 v20  }
0x230: {  	vm6 =	veq.s32 v8, v2;
	vm7 =	veq.s32 v6, v2;
	v12 =	vcvt.f32.s32 v21  }
0x231: {  	[tilespmem:v7+s2+$0x0] =	vst.idx.add.s32.msk $0xffff, v1;
	v16 =	vtrunc.f32 v17;
	v17 =	vcvt.f32.s32 v18;
	v11 =	vadd.s32 $0x800, v13  }
0x232: {  	[tilespmem:v14+s2+$0x0] =	vst.idx.add.s32.msk $0xffff, v1;
	v7 =	vcvt.f32.s32 v10;
	v10 =	vadd.s32 $0x800, v12;
	v11 =	vsel vm0, v11, v13  }
0x233: {  	[tilespmem:v5+s2+$0x0] =	vst.idx.add.s32.msk $0xffff, v1;
	v18 =	vcvt.f32.s32 v19;
	v14 =	vadd.s32 $0x800, v17;
	v10 =	vsel vm1, v10, v12  }
0x234: {  	[tilespmem:v4+s2+$0x0] =	vst.idx.add.s32.msk $0xffff, v1;
	v5 =	vcvt.f32.s32 v16;
	v4 =	vadd.s32 $0x800, v7;
	v14 =	vsel vm2, v14, v17  }
0x235: {  	v13 =	vcvt.f32.s32 v15;
	v12 =	vadd.s32 $0x800, v18;
	v4 =	vsel vm6, v4, v7  }
0x236: {  	[tilespmem:v3+s2+$0x0] =	vst.idx.add.s32.msk $0xffff, v1;
	vm8 =	veq.s32 v9, v2;
	v6 =	vadd.s32 $0x800, v5;
	v8 =	vsel vm3, v12, v18  }
0x237: {  	v5 =	vsel vm8, v6, v5;
	v3 =	vadd.s32 $0x800, v13;
	[tilespmem:v11+s2+$0x0] =	vst.idx.add.s32.msk $0xffff, v1  }
0x238: {  	v3 =	vsel vm7, v3, v13;
	[tilespmem:v10+s2+$0x0] =	vst.idx.add.s32.msk $0xffff, v1  }
0x239: {  	[tilespmem:v14+s2+$0x0] =	vst.idx.add.s32.msk $0xffff, v1  }
0x23a: {  	[tilespmem:v4+s2+$0x0] =	vst.idx.add.s32.msk $0xffff, v1  }
0x23b: {  	[tilespmem:v8+s2+$0x0] =	vst.idx.add.s32.msk $0xffff, v1  }
0x23c: {  	[tilespmem:v5+s2+$0x0] =	vst.idx.add.s32.msk $0xffff, v1  }
0x23d: {  	[tilespmem:v3+s2+$0x0] =	vst.idx.add.s32.msk $0xffff, v1  }
0x23e: {  	v3 =	vld [tilespmem:s19+$0x12070]  }
0x23f: {  	v4 =	vld [tilespmem:s19+$0x12000]  }
0x240: {  	v5 =	vld [tilespmem:s19+$0x12010]  }
0x241: {  	v6 =	vld [tilespmem:s19+$0x12020]  }
0x242: {  	v7 =	vld [tilespmem:s19+$0x12030]  }
0x243: {  	v8 =	vld [tilespmem:s19+$0x12040]  }
0x244: {  	v9 =	vld [tilespmem:s19+$0x12050]  }
0x245: {  	v10 =	vld [tilespmem:s19+$0x12060]  }
0x246: {  	v11 =	vld [tilespmem:s19+$0x2070]  }
0x247: {  	v12 =	vld [tilespmem:s19+$0x2000]  }
0x248: {  	v3 =	vadd.f32 $6.000000000e+00, v3;
	v4 =	vadd.f32 $6.000000000e+00, v4  }
0x249: {  	v5 =	vadd.f32 $6.000000000e+00, v5;
	v6 =	vadd.f32 $6.000000000e+00, v6  }
0x24a: {  	v13 =	vld [tilespmem:s19+$0x2020];
	v7 =	vadd.f32 $6.000000000e+00, v7;
	v8 =	vadd.f32 $6.000000000e+00, v8  }
0x24b: {  	v9 =	vadd.f32 $6.000000000e+00, v9;
	v10 =	vadd.f32 $6.000000000e+00, v10;
	v3 =	vmul.f32 $1.706666720e+02, v3  }
0x24c: {  	vm9 =	veq.s32 v11, v2;
	vm10 =	veq.s32 v12, v2;
	v4 =	vmul.f32 $1.706666720e+02, v4  }
0x24d: {  	v5 =	vmul.f32 $1.706666720e+02, v5;
	v6 =	vmul.f32 $1.706666720e+02, v6;
	v3 =	vmax.f32 v3, $0.0e+00  }
0x24e: {  	v7 =	vmul.f32 $1.706666720e+02, v7;
	v8 =	vmul.f32 $1.706666720e+02, v8;
	v3 =	vmin.f32 v3, $2.047000000e+03  }
0x24f: {  	vm12 =	veq.s32 v13, v2;
	v9 =	vmul.f32 $1.706666720e+02, v9;
	v3 =	vtrunc.f32 v3  }
0x250: {  	v10 =	vmul.f32 $1.706666720e+02, v10;
	v4 =	vmax.f32 v4, $0.0e+00;
	v3 =	vcvt.f32.s32 v3  }
0x251: {  	v5 =	vmax.f32 v5, $0.0e+00;
	v6 =	vmax.f32 v6, $0.0e+00;
	v7 =	vmax.f32 v7, $0.0e+00  }
0x252: {  	v8 =	vmax.f32 v8, $0.0e+00;
	v9 =	vmax.f32 v9, $0.0e+00;
	v11 =	vadd.s32 $0x800, v3  }
0x253: {  	v10 =	vmax.f32 v10, $0.0e+00;
	v4 =	vmin.f32 v4, $2.047000000e+03;
	v3 =	vsel vm9, v11, v3;
	v11 =	vld [tilespmem:s19+$0x2010]  }
0x254: {  	v14 =	vld [tilespmem:s19+$0x2030];
	v5 =	vmin.f32 v5, $2.047000000e+03;
	v6 =	vmin.f32 v6, $2.047000000e+03;
	v7 =	vmin.f32 v7, $2.047000000e+03  }
0x255: {  	v15 =	vld [tilespmem:s19+$0x2040];
	v8 =	vmin.f32 v8, $2.047000000e+03;
	v4 =	vtrunc.f32 v4;
	v5 =	vtrunc.f32 v5  }
0x256: {  	s6 =	simm.s32 $0x80;
	s20 =	simm.s32 $0x400;
	v12 =	vld [tilespmem:s19+$0x2050];
	v9 =	vmin.f32 v9, $2.047000000e+03;
	v6 =	vtrunc.f32 v6;
	v7 =	vtrunc.f32 v7  }
0x257: {  	s21 =	simm.s32 $0x20;
	s6 =	sand.u32 $0x1000, s6;
	s7 =	sand.u32 $0xC00, s20;
	v10 =	vmin.f32 v10, $2.047000000e+03;
	v8 =	vtrunc.f32 v8;
	v9 =	vtrunc.f32 v9  }
0x258: {  	s22 =	sand.u32 $0x380, s21;
	s6 =	sor.u32 s7, s6;
	v10 =	vtrunc.f32 v10;
	v4 =	vcvt.f32.s32 v4;
	vm11 =	veq.s32 v11, v2;
	v11 =	vld [tilespmem:s19+$0x2060]  }
0x259: {  	vm13 =	veq.s32 v14, v2;
	v7 =	vcvt.f32.s32 v7;
	v8 =	vcvt.f32.s32 v8;
	[tilespmem:v3+s2+$0x0] =	vst.idx.add.s32.msk $0xffff, v1;
	s19 =	sor.u32 s22, s6  }
0x25a: {  	vm4 =	veq.s32 v15, v2;
	v3 =	vcvt.f32.s32 v5;
	v5 =	vcvt.f32.s32 v6;
	v6 =	vld [tilespmem:s19+$0x12070]  }
0x25b: {  	vm14 =	veq.s32 v12, v2;
	v9 =	vcvt.f32.s32 v9;
	v17 =	vcvt.f32.s32 v10;
	v14 =	vld [tilespmem:s19+$0x12000]  }
0x25c: {  	v13 =	vadd.s32 $0x800, v4;
	v19 =	vadd.s32 $0x800, v7;
	v20 =	vadd.s32 $0x800, v8;
	v10 =	vld [tilespmem:s19+$0x12010]  }
0x25d: {  	v15 =	vadd.s32 $0x800, v9;
	v22 =	vadd.s32 $0x800, v17;
	v24 =	vsel vm10, v13, v4;
	v21 =	vld [tilespmem:s19+$0x12020]  }
0x25e: {  	v7 =	vsel vm13, v19, v7;
	v23 =	vld [tilespmem:s19+$0x12030];
	v16 =	vadd.s32 $0x800, v3;
	v18 =	vadd.s32 $0x800, v5  }
0x25f: {  	v16 =	vsel vm11, v16, v3;
	vm5 =	veq.s32 v11, v2;
	v11 =	vld [tilespmem:s19+$0x12040];
	v4 =	vadd.f32 $6.000000000e+00, v6  }
0x260: {  	v25 =	vsel vm12, v18, v5;
	v5 =	vsel vm4, v20, v8;
	v18 =	vld [tilespmem:s19+$0x2070];
	v3 =	vadd.f32 $6.000000000e+00, v14  }
0x261: {  	v8 =	vadd.f32 $6.000000000e+00, v10;
	v14 =	vld [tilespmem:s19+$0x12060];
	v12 =	vmul.f32 $1.706666720e+02, v4;
	v4 =	vsel vm14, v15, v9  }
0x262: {  	v6 =	vld [tilespmem:s19+$0x12050];
	v9 =	vmul.f32 $1.706666720e+02, v3;
	v15 =	vadd.f32 $6.000000000e+00, v21;
	v3 =	vsel vm5, v22, v17  }
0x263: {  	[tilespmem:v24+s2+$0x0] =	vst.idx.add.s32.msk $0xffff, v1;
	v8 =	vmul.f32 $1.706666720e+02, v8;
	v17 =	vadd.f32 $6.000000000e+00, v23;
	v12 =	vmax.f32 v12, $0.0e+00  }
0x264: {  	v13 =	vld [tilespmem:s19+$0x2010];
	v15 =	vmul.f32 $1.706666720e+02, v15;
	v19 =	vadd.f32 $6.000000000e+00, v11;
	v11 =	vmin.f32 v12, $2.047000000e+03  }
0x265: {  	v10 =	vld [tilespmem:s19+$0x2000];
	vm15 =	veq.s32 v18, v2;
	v17 =	vmul.f32 $1.706666720e+02, v17;
	v20 =	vtrunc.f32 v11  }
0x266: {  	[tilespmem:v16+s2+$0x0] =	vst.idx.add.s32.msk $0xffff, v1;
	v21 =	vmax.f32 v9, $0.0e+00;
	v14 =	vadd.f32 $6.000000000e+00, v14;
	v20 =	vcvt.f32.s32 v20  }
0x267: {  	[tilespmem:v25+s2+$0x0] =	vst.idx.add.s32.msk $0xffff, v1;
	v22 =	vmax.f32 v8, $0.0e+00;
	v6 =	vadd.f32 $6.000000000e+00, v6;
	v19 =	vmul.f32 $1.706666720e+02, v19  }
0x268: {  	v8 =	vld [tilespmem:s19+$0x2040];
	v15 =	vmax.f32 v15, $0.0e+00;
	v26 =	vmul.f32 $1.706666720e+02, v14;
	v14 =	vadd.s32 $0x800, v20  }
0x269: {  	v9 =	vld [tilespmem:s19+$0x2060];
	v27 =	vmax.f32 v17, $0.0e+00;
	v23 =	vmul.f32 $1.706666720e+02, v6;
	v14 =	vsel vm15, v14, v20  }
0x26a: {  	v12 =	vld [tilespmem:s19+$0x2020];
	v18 =	vmin.f32 v15, $2.047000000e+03;
	v28 =	vmax.f32 v19, $0.0e+00;
	v19 =	vmin.f32 v27, $2.047000000e+03  }
0x26b: {  	v11 =	vld [tilespmem:s19+$0x2030];
	v23 =	vmax.f32 v23, $0.0e+00;
	v17 =	vmax.f32 v26, $0.0e+00;
	v15 =	vmin.f32 v28, $2.047000000e+03  }
0x26c: {  	v6 =	vld [tilespmem:s19+$0x2050];
	s19 =	simm.s32 $0x8;
	v20 =	vmin.f32 v21, $2.047000000e+03;
	v21 =	vmin.f32 v22, $2.047000000e+03;
	v16 =	vmin.f32 v23, $2.047000000e+03  }
.LBB2_26:
0x26d: {  	s19 =	sadd.s32 $0x8, s19;
	v20 =	vtrunc.f32 v20;
	v21 =	vtrunc.f32 v21;
	v17 =	vmin.f32 v17, $2.047000000e+03;
	[tilespmem:v7+s2+$0x0] =	vst.idx.add.s32.msk $0xffff, v1  }
0x26e: {  	vm0 =	veq.s32 v10, v2;
	v7 =	vtrunc.f32 v18;
	v10 =	vtrunc.f32 v19;
	s20 =	sadd.s32 $0x400, s20;
	s6 =	sshll.u32 s19, $0x4;
	p0 =	slt.u32 s19, $0x1F8;
	[tilespmem:v14+s2+$0x0] =	vst.idx.add.s32.msk $0xffff, v1  }
0x26f: {  	vm1 =	veq.s32 v13, v2;
	v13 =	vtrunc.f32 v15;
	s7 =	sand.u32 $0xC00, s20;
	s21 =	sshll.u32 s19, $0x2;
	v14 =	vtrunc.f32 v16;
	s6 =	sand.u32 $0x1000, s6;
	[tilespmem:v5+s2+$0x0] =	vst.idx.add.s32.msk $0xffff, v1  }
0x270: {  	vm2 =	veq.s32 v12, v2;
	v12 =	vtrunc.f32 v17;
	s21 =	sand.u32 $0x380, s21;
	v5 =	vcvt.f32.s32 v20;
	s6 =	sor.u32 s7, s6;
	[tilespmem:v4+s2+$0x0] =	vst.idx.add.s32.msk $0xffff, v1  }
0x271: {  	vm3 =	veq.s32 v11, v2;
	v7 =	vcvt.f32.s32 v7;
	v4 =	vcvt.f32.s32 v21;
	s21 =	sor.u32 s21, s6;
	[tilespmem:v3+s2+$0x0] =	vst.idx.add.s32.msk $0xffff, v1  }
0x272: {  	v10 =	vcvt.f32.s32 v10;
	v13 =	vcvt.f32.s32 v13;
	v11 =	vadd.s32 $0x800, v5;
	v3 =	vld [tilespmem:s21+$0x12070]  }
0x273: {  	v14 =	vcvt.f32.s32 v14;
	v12 =	vcvt.f32.s32 v12;
	v16 =	vadd.s32 $0x800, v4;
	v15 =	vld [tilespmem:s21+$0x12000]  }
0x274: {  	v18 =	vadd.s32 $0x800, v7;
	v19 =	vadd.s32 $0x800, v10;
	v20 =	vadd.s32 $0x800, v13;
	v17 =	vld [tilespmem:s21+$0x12010]  }
0x275: {  	vm4 =	veq.s32 v8, v2;
	v8 =	vadd.s32 $0x800, v14;
	v22 =	vadd.s32 $0x800, v12;
	v21 =	vld [tilespmem:s21+$0x12020]  }
0x276: {  	vm5 =	veq.s32 v9, v2;
	v24 =	vsel vm0, v11, v5;
	vm0 =	veq.s32 v6, v2;
	v23 =	vld [tilespmem:s21+$0x12030]  }
0x277: {  	v25 =	vsel vm2, v18, v7;
	v16 =	vsel vm1, v16, v4;
	v6 =	vld [tilespmem:s21+$0x12040];
	v3 =	vadd.f32 $6.000000000e+00, v3  }
0x278: {  	v7 =	vsel vm3, v19, v10;
	v5 =	vsel vm4, v20, v13;
	v9 =	vadd.f32 $6.000000000e+00, v15;
	v11 =	vld [tilespmem:s21+$0x12050]  }
0x279: {  	v4 =	vsel vm0, v8, v14;
	v13 =	vadd.f32 $6.000000000e+00, v17;
	v15 =	vld [tilespmem:s21+$0x12060];
	v17 =	vmul.f32 $1.706666720e+02, v3  }
0x27a: {  	v3 =	vsel vm5, v22, v12;
	v10 =	vld [tilespmem:s21+$0x2000];
	v8 =	vmul.f32 $1.706666720e+02, v9;
	v9 =	vadd.f32 $6.000000000e+00, v21  }
0x27b: {  	v14 =	vmul.f32 $1.706666720e+02, v13;
	v18 =	vadd.f32 $6.000000000e+00, v23;
	v19 =	vld [tilespmem:s21+$0x2070];
	v12 =	vmax.f32 v17, $0.0e+00  }
0x27c: {  	v13 =	vld [tilespmem:s21+$0x2010];
	v9 =	vmul.f32 $1.706666720e+02, v9;
	v6 =	vadd.f32 $6.000000000e+00, v6;
	v17 =	vmin.f32 v12, $2.047000000e+03  }
0x27d: {  	v12 =	vld [tilespmem:s21+$0x2020];
	v18 =	vmul.f32 $1.706666720e+02, v18;
	v20 =	vadd.f32 $6.000000000e+00, v11;
	v17 =	vtrunc.f32 v17  }
0x27e: {  	v11 =	vld [tilespmem:s21+$0x2030];
	v21 =	vmul.f32 $1.706666720e+02, v6;
	v15 =	vadd.f32 $6.000000000e+00, v15;
	v17 =	vcvt.f32.s32 v17  }
0x27f: {  	v22 =	vmax.f32 v8, $0.0e+00;
	v23 =	vmax.f32 v14, $0.0e+00;
	v8 =	vld [tilespmem:s21+$0x2040];
	v20 =	vmul.f32 $1.706666720e+02, v20  }
.Ltmp18:
0x280: {  	v6 =	vld [tilespmem:s21+$0x2050];
	v15 =	vmul.f32 $1.706666720e+02, v15;
	vm0 =	veq.s32 v19, v2;
	v14 =	vadd.s32 $0x800, v17;
	(pc) =	sbr.rel @p0 .LBB2_26-.Ltmp18, $4  }
0x281: {  	v26 =	vmax.f32 v18, $0.0e+00;
	v19 =	vmax.f32 v9, $0.0e+00;
	v9 =	vld [tilespmem:s21+$0x2060];
	v14 =	vsel vm0, v14, v17  }
0x282: {  	v27 =	vmax.f32 v21, $0.0e+00;
	v28 =	vmax.f32 v20, $0.0e+00;
	v17 =	vmax.f32 v15, $0.0e+00;
	[tilespmem:v24+s2+$0x0] =	vst.idx.add.s32.msk $0xffff, v1  }
0x283: {  	v21 =	vmin.f32 v23, $2.047000000e+03;
	v20 =	vmin.f32 v22, $2.047000000e+03;
	v18 =	vmin.f32 v19, $2.047000000e+03;
	[tilespmem:v16+s2+$0x0] =	vst.idx.add.s32.msk $0xffff, v1  }
0x284: {  	v19 =	vmin.f32 v26, $2.047000000e+03;
	v15 =	vmin.f32 v27, $2.047000000e+03;
	v16 =	vmin.f32 v28, $2.047000000e+03;
	[tilespmem:v25+s2+$0x0] =	vst.idx.add.s32.msk $0xffff, v1  }
0x285: {  	v20 =	vtrunc.f32 v20;
	v21 =	vtrunc.f32 v21;
	v17 =	vmin.f32 v17, $2.047000000e+03  }
0x286: {  	v18 =	vtrunc.f32 v18;
	v19 =	vtrunc.f32 v19;
	vm0 =	veq.s32 v10, v2  }
0x287: {  	v10 =	vtrunc.f32 v15;
	v15 =	vtrunc.f32 v16;
	vm1 =	veq.s32 v13, v2  }
0x288: {  	vm2 =	veq.s32 v12, v2;
	vm3 =	veq.s32 v11, v2;
	v13 =	vcvt.f32.s32 v20  }
0x289: {  	vm12 =	veq.s32 v8, v2;
	vm13 =	veq.s32 v6, v2;
	v12 =	vcvt.f32.s32 v21  }
0x28a: {  	[tilespmem:v7+s2+$0x0] =	vst.idx.add.s32.msk $0xffff, v1;
	v16 =	vtrunc.f32 v17;
	v17 =	vcvt.f32.s32 v18;
	v11 =	vadd.s32 $0x800, v13  }
0x28b: {  	[tilespmem:v14+s2+$0x0] =	vst.idx.add.s32.msk $0xffff, v1;
	v7 =	vcvt.f32.s32 v10;
	v10 =	vadd.s32 $0x800, v12;
	v11 =	vsel vm0, v11, v13  }
0x28c: {  	[tilespmem:v5+s2+$0x0] =	vst.idx.add.s32.msk $0xffff, v1;
	v18 =	vcvt.f32.s32 v19;
	v14 =	vadd.s32 $0x800, v17;
	v10 =	vsel vm1, v10, v12  }
0x28d: {  	[tilespmem:v4+s2+$0x0] =	vst.idx.add.s32.msk $0xffff, v1;
	v5 =	vcvt.f32.s32 v16;
	v4 =	vadd.s32 $0x800, v7;
	v14 =	vsel vm2, v14, v17  }
0x28e: {  	v13 =	vcvt.f32.s32 v15;
	v12 =	vadd.s32 $0x800, v18;
	v4 =	vsel vm12, v4, v7  }
0x28f: {  	[tilespmem:v3+s2+$0x0] =	vst.idx.add.s32.msk $0xffff, v1;
	vm14 =	veq.s32 v9, v2;
	v6 =	vadd.s32 $0x800, v5;
	v8 =	vsel vm3, v12, v18  }
0x290: {  	v5 =	vsel vm14, v6, v5;
	v3 =	vadd.s32 $0x800, v13;
	[tilespmem:v11+s2+$0x0] =	vst.idx.add.s32.msk $0xffff, v1  }
0x291: {  	v3 =	vsel vm13, v3, v13;
	[tilespmem:v10+s2+$0x0] =	vst.idx.add.s32.msk $0xffff, v1  }
0x292: {  	[tilespmem:v14+s2+$0x0] =	vst.idx.add.s32.msk $0xffff, v1  }
0x293: {  	s6 =	simm.s32 $0x0;
	s7 =	simm.s32 $0x0;
	[tilespmem:v4+s2+$0x0] =	vst.idx.add.s32.msk $0xffff, v1  }
0x294: {  	s19 =	simm.s32 $0x0;
	s7 =	sand.u32 $0x1000, s7;
	s6 =	sand.u32 $0xC00, s6;
	[tilespmem:v8+s2+$0x0] =	vst.idx.add.s32.msk $0xffff, v1  }
0x295: {  	s19 =	sand.u32 $0x380, s19;
	s6 =	sor.u32 s6, s7;
	[tilespmem:v5+s2+$0x0] =	vst.idx.add.s32.msk $0xffff, v1  }
0x296: {  	s19 =	sor.u32 s19, s6;
	[tilespmem:v3+s2+$0x0] =	vst.idx.add.s32.msk $0xffff, v1  }
0x297: {  	v3 =	vld [tilespmem:s19+$0x14070]  }
0x298: {  	v4 =	vld [tilespmem:s19+$0x14000]  }
0x299: {  	v5 =	vld [tilespmem:s19+$0x14010]  }
0x29a: {  	v6 =	vld [tilespmem:s19+$0x14020]  }
0x29b: {  	v7 =	vld [tilespmem:s19+$0x14030]  }
0x29c: {  	v8 =	vld [tilespmem:s19+$0x14040]  }
0x29d: {  	v9 =	vld [tilespmem:s19+$0x14050]  }
0x29e: {  	v10 =	vld [tilespmem:s19+$0x14060]  }
0x29f: {  	v13 =	vld [tilespmem:s19+$0x4070]  }
0x2a0: {  	v3 =	vadd.f32 $6.000000000e+00, v3;
	v4 =	vadd.f32 $6.000000000e+00, v4  }
0x2a1: {  	v5 =	vadd.f32 $6.000000000e+00, v5;
	v6 =	vadd.f32 $6.000000000e+00, v6  }
0x2a2: {  	v7 =	vadd.f32 $6.000000000e+00, v7;
	v8 =	vadd.f32 $6.000000000e+00, v8  }
0x2a3: {  	v9 =	vadd.f32 $6.000000000e+00, v9;
	v14 =	vadd.f32 $6.000000000e+00, v10;
	v3 =	vmul.f32 $1.706666720e+02, v3  }
0x2a4: {  	vm15 =	veq.s32 v13, v2;
	v4 =	vmul.f32 $1.706666720e+02, v4;
	v5 =	vmul.f32 $1.706666720e+02, v5  }
0x2a5: {  	v6 =	vmul.f32 $1.706666720e+02, v6;
	v7 =	vmul.f32 $1.706666720e+02, v7;
	v3 =	vmax.f32 v3, $0.0e+00  }
0x2a6: {  	v11 =	vld [tilespmem:s19+$0x4000];
	v8 =	vmul.f32 $1.706666720e+02, v8;
	v16 =	vmul.f32 $1.706666720e+02, v9;
	v3 =	vmin.f32 v3, $2.047000000e+03  }
0x2a7: {  	p1 =	por $0x1, $0x1;
	v12 =	vld [tilespmem:s19+$0x4010];
	v17 =	vmul.f32 $1.706666720e+02, v14;
	v15 =	vmax.f32 v4, $0.0e+00;
	v3 =	vtrunc.f32 v3  }
.Ltmp19:
0x2a8: {  	v10 =	vld [tilespmem:s19+$0x4020];
	v5 =	vmax.f32 v5, $0.0e+00;
	v6 =	vmax.f32 v6, $0.0e+00;
	v3 =	vcvt.f32.s32 v3;
	(pc) =	sbr.rel @!p1 .LBB2_28-.Ltmp19, $4  }
0x2a9: {  	v9 =	vld [tilespmem:s19+$0x4030];
	v7 =	vmax.f32 v7, $0.0e+00;
	v8 =	vmax.f32 v8, $0.0e+00;
	v13 =	vmax.f32 v16, $0.0e+00  }
0x2aa: {  	v17 =	vmax.f32 v17, $0.0e+00;
	v21 =	vmin.f32 v5, $2.047000000e+03;
	v5 =	vld [tilespmem:s19+$0x4060];
	v4 =	vadd.s32 $0x800, v3  }
0x2ab: {  	v20 =	vmin.f32 v15, $2.047000000e+03;
	v18 =	vmin.f32 v6, $2.047000000e+03;
	v14 =	vsel vm15, v4, v3;
	v4 =	vld [tilespmem:s19+$0x4040]  }
0x2ac: {  	p0 =	por $0x0, $0x0;
	v19 =	vmin.f32 v7, $2.047000000e+03;
	v15 =	vmin.f32 v8, $2.047000000e+03;
	v16 =	vmin.f32 v13, $2.047000000e+03;
	v3 =	vld [tilespmem:s19+$0x4050]  }
0x2ad: {  	_ = 	snop  }
0x2ae: {  	v6 =	vtrunc.f32 v20;
	s6 =	simm.s32 $0x80;
	s20 =	simm.s32 $0x400  }
0x2af: {  	v7 =	vtrunc.f32 v21;
	vm0 =	veq.s32 v11, v2;
	v11 =	vtrunc.f32 v18;
	s21 =	simm.s32 $0x20;
	s6 =	sand.u32 $0x1000, s6;
	s7 =	sand.u32 $0xC00, s20  }
0x2b0: {  	v13 =	vtrunc.f32 v19;
	vm1 =	veq.s32 v12, v2;
	v12 =	vtrunc.f32 v15;
	s21 =	sand.u32 $0x380, s21;
	s6 =	sor.u32 s7, s6  }
0x2b1: {  	v8 =	vmin.f32 v17, $2.047000000e+03;
	v15 =	vtrunc.f32 v16;
	[tilespmem:v14+s2+$0x0] =	vst.idx.add.s32.msk $0xffff, v1;
	v6 =	vcvt.f32.s32 v6;
	s21 =	sor.u32 s21, s6  }
0x2b2: {  	v8 =	vtrunc.f32 v8;
	v7 =	vcvt.f32.s32 v7;
	vm3 =	veq.s32 v9, v2;
	v9 =	vld [tilespmem:s21+$0x14070]  }
0x2b3: {  	vm2 =	veq.s32 v10, v2;
	v10 =	vcvt.f32.s32 v11;
	v13 =	vcvt.f32.s32 v13;
	v14 =	vld [tilespmem:s21+$0x14000]  }
0x2b4: {  	v12 =	vcvt.f32.s32 v12;
	v15 =	vcvt.f32.s32 v15;
	v18 =	vld [tilespmem:s21+$0x14010]  }
0x2b5: {  	v17 =	vcvt.f32.s32 v8;
	vm5 =	veq.s32 v5, v2;
	v11 =	vadd.s32 $0x800, v6;
	v21 =	vld [tilespmem:s21+$0x14020]  }
0x2b6: {  	v16 =	vadd.s32 $0x800, v7;
	v8 =	vadd.s32 $0x800, v10;
	v19 =	vadd.s32 $0x800, v13;
	v23 =	vld [tilespmem:s21+$0x14030]  }
0x2b7: {  	v20 =	vadd.s32 $0x800, v12;
	vm4 =	veq.s32 v4, v2;
	vm14 =	veq.s32 v3, v2;
	v3 =	vld [tilespmem:s21+$0x14040]  }
0x2b8: {  	v4 =	vadd.s32 $0x800, v15;
	v22 =	vadd.s32 $0x800, v17;
	v24 =	vsel vm0, v11, v6  }
0x2b9: {  	v16 =	vsel vm1, v16, v7;
	v13 =	vsel vm3, v19, v13;
	v19 =	vld [tilespmem:s21+$0x4070];
	v5 =	vadd.f32 $6.000000000e+00, v9  }
0x2ba: {  	v25 =	vsel vm2, v8, v10;
	v6 =	vsel vm14, v4, v15;
	v7 =	vadd.f32 $6.000000000e+00, v14;
	v9 =	vld [tilespmem:s21+$0x14050]  }
0x2bb: {  	v10 =	vadd.f32 $6.000000000e+00, v18;
	v14 =	vld [tilespmem:s21+$0x14060];
	v15 =	vadd.f32 $6.000000000e+00, v21;
	v5 =	vmul.f32 $1.706666720e+02, v5  }
0x2bc: {  	v8 =	vsel vm4, v20, v12;
	v18 =	vadd.f32 $6.000000000e+00, v23;
	v3 =	vadd.f32 $6.000000000e+00, v3  }
0x2bd: {  	v11 =	vld [tilespmem:s21+$0x4000];
	v4 =	vmul.f32 $1.706666720e+02, v7;
	v7 =	vsel vm5, v22, v17;
	v5 =	vmax.f32 v5, $0.0e+00  }
0x2be: {  	v12 =	vld [tilespmem:s21+$0x4010];
	v17 =	vmul.f32 $1.706666720e+02, v10;
	v15 =	vmul.f32 $1.706666720e+02, v15;
	v5 =	vmin.f32 v5, $2.047000000e+03  }
0x2bf: {  	vm15 =	veq.s32 v19, v2;
	[tilespmem:v24+s2+$0x0] =	vst.idx.add.s32.msk $0xffff, v1;
	v18 =	vmul.f32 $1.706666720e+02, v18;
	v5 =	vtrunc.f32 v5  }
0x2c0: {  	[tilespmem:v16+s2+$0x0] =	vst.idx.add.s32.msk $0xffff, v1;
	v20 =	vadd.f32 $6.000000000e+00, v9;
	v14 =	vadd.f32 $6.000000000e+00, v14;
	v22 =	vcvt.f32.s32 v5  }
0x2c1: {  	p3 =	por $0x1, $0x1;
	[tilespmem:v25+s2+$0x0] =	vst.idx.add.s32.msk $0xffff, v1;
	v21 =	vmul.f32 $1.706666720e+02, v3;
	v23 =	vmax.f32 v4, $0.0e+00;
	v26 =	vmax.f32 v17, $0.0e+00  }
.Ltmp20:
0x2c2: {  	v10 =	vld [tilespmem:s21+$0x4020];
	v17 =	vmul.f32 $1.706666720e+02, v20;
	v20 =	vmul.f32 $1.706666720e+02, v14;
	v14 =	vadd.s32 $0x800, v22;
	(pc) =	sbr.rel @!p3 .LBB2_31-.Ltmp20, $4  }
0x2c3: {  	v3 =	vld [tilespmem:s21+$0x4050];
	v15 =	vmax.f32 v15, $0.0e+00;
	v19 =	vmax.f32 v18, $0.0e+00;
	v14 =	vsel vm15, v14, v22  }
0x2c4: {  	v4 =	vld [tilespmem:s21+$0x4040];
	v18 =	vmin.f32 v15, $2.047000000e+03;
	v19 =	vmin.f32 v19, $2.047000000e+03;
	v27 =	vmax.f32 v17, $0.0e+00  }
0x2c5: {  	v9 =	vld [tilespmem:s21+$0x4030];
	v17 =	vmax.f32 v20, $0.0e+00;
	v20 =	vmin.f32 v23, $2.047000000e+03;
	v22 =	vmax.f32 v21, $0.0e+00  }
0x2c6: {  	p2 =	por $0x1, $0x1;
	v5 =	vld [tilespmem:s21+$0x4060];
	s21 =	simm.s32 $0x8;
	v21 =	vmin.f32 v26, $2.047000000e+03;
	v16 =	vmin.f32 v27, $2.047000000e+03;
	v15 =	vmin.f32 v22, $2.047000000e+03  }
.LBB2_30:
0x2c7: {  	s21 =	sadd.s32 $0x8, s21;
	v20 =	vtrunc.f32 v20;
	v21 =	vtrunc.f32 v21;
	v17 =	vmin.f32 v17, $2.047000000e+03;
	[tilespmem:v13+s2+$0x0] =	vst.idx.add.s32.msk $0xffff, v1  }
0x2c8: {  	vm0 =	veq.s32 v11, v2;
	v11 =	vtrunc.f32 v18;
	v13 =	vtrunc.f32 v19;
	s20 =	sadd.s32 $0x400, s20;
	s6 =	sshll.u32 s21, $0x4;
	p3 =	slt.u32 s21, $0x1F8;
	[tilespmem:v14+s2+$0x0] =	vst.idx.add.s32.msk $0xffff, v1  }
0x2c9: {  	vm1 =	veq.s32 v12, v2;
	v12 =	vtrunc.f32 v15;
	s7 =	sand.u32 $0xC00, s20;
	s22 =	sshll.u32 s21, $0x2;
	v14 =	vtrunc.f32 v16;
	s6 =	sand.u32 $0x1000, s6;
	[tilespmem:v8+s2+$0x0] =	vst.idx.add.s32.msk $0xffff, v1  }
0x2ca: {  	vm2 =	veq.s32 v10, v2;
	v10 =	vtrunc.f32 v17;
	s22 =	sand.u32 $0x380, s22;
	v8 =	vcvt.f32.s32 v20;
	s6 =	sor.u32 s7, s6;
	[tilespmem:v6+s2+$0x0] =	vst.idx.add.s32.msk $0xffff, v1  }
0x2cb: {  	vm3 =	veq.s32 v9, v2;
	v11 =	vcvt.f32.s32 v11;
	v6 =	vcvt.f32.s32 v21;
	s22 =	sor.u32 s22, s6;
	[tilespmem:v7+s2+$0x0] =	vst.idx.add.s32.msk $0xffff, v1  }
0x2cc: {  	v13 =	vcvt.f32.s32 v13;
	v12 =	vcvt.f32.s32 v12;
	v9 =	vadd.s32 $0x800, v8;
	v7 =	vld [tilespmem:s22+$0x14070]  }
0x2cd: {  	v14 =	vcvt.f32.s32 v14;
	v10 =	vcvt.f32.s32 v10;
	v16 =	vadd.s32 $0x800, v6;
	v15 =	vld [tilespmem:s22+$0x14000]  }
0x2ce: {  	v18 =	vadd.s32 $0x800, v11;
	v19 =	vadd.s32 $0x800, v13;
	v20 =	vadd.s32 $0x800, v12;
	v17 =	vld [tilespmem:s22+$0x14010]  }
0x2cf: {  	vm4 =	veq.s32 v4, v2;
	v4 =	vadd.s32 $0x800, v14;
	v22 =	vadd.s32 $0x800, v10;
	v21 =	vld [tilespmem:s22+$0x14020]  }
0x2d0: {  	vm5 =	veq.s32 v5, v2;
	v24 =	vsel vm0, v9, v8;
	vm0 =	veq.s32 v3, v2;
	v23 =	vld [tilespmem:s22+$0x14030]  }
0x2d1: {  	v25 =	vsel vm2, v18, v11;
	v16 =	vsel vm1, v16, v6;
	v3 =	vld [tilespmem:s22+$0x14040];
	v5 =	vadd.f32 $6.000000000e+00, v7  }
0x2d2: {  	v13 =	vsel vm3, v19, v13;
	v8 =	vsel vm4, v20, v12;
	v7 =	vadd.f32 $6.000000000e+00, v15;
	v9 =	vld [tilespmem:s22+$0x14050]  }
0x2d3: {  	v6 =	vsel vm0, v4, v14;
	v12 =	vadd.f32 $6.000000000e+00, v17;
	v15 =	vld [tilespmem:s22+$0x14060];
	v5 =	vmul.f32 $1.706666720e+02, v5  }
0x2d4: {  	v11 =	vld [tilespmem:s22+$0x4000];
	v4 =	vmul.f32 $1.706666720e+02, v7;
	v14 =	vadd.f32 $6.000000000e+00, v21;
	v7 =	vsel vm5, v22, v10  }
0x2d5: {  	v17 =	vmul.f32 $1.706666720e+02, v12;
	v18 =	vadd.f32 $6.000000000e+00, v23;
	v19 =	vld [tilespmem:s22+$0x4070];
	v5 =	vmax.f32 v5, $0.0e+00  }
0x2d6: {  	v12 =	vld [tilespmem:s22+$0x4010];
	v14 =	vmul.f32 $1.706666720e+02, v14;
	v3 =	vadd.f32 $6.000000000e+00, v3;
	v5 =	vmin.f32 v5, $2.047000000e+03  }
0x2d7: {  	v10 =	vld [tilespmem:s22+$0x4020];
	v18 =	vmul.f32 $1.706666720e+02, v18;
	v20 =	vadd.f32 $6.000000000e+00, v9;
	v5 =	vtrunc.f32 v5  }
0x2d8: {  	v9 =	vld [tilespmem:s22+$0x4030];
	v21 =	vmul.f32 $1.706666720e+02, v3;
	v15 =	vadd.f32 $6.000000000e+00, v15;
	v22 =	vcvt.f32.s32 v5  }
0x2d9: {  	v23 =	vmax.f32 v4, $0.0e+00;
	v26 =	vmax.f32 v17, $0.0e+00;
	v4 =	vld [tilespmem:s22+$0x4040];
	v17 =	vmul.f32 $1.706666720e+02, v20  }
.Ltmp21:
0x2da: {  	v3 =	vld [tilespmem:s22+$0x4050];
	v15 =	vmul.f32 $1.706666720e+02, v15;
	vm0 =	veq.s32 v19, v2;
	v19 =	vadd.s32 $0x800, v22;
	(pc) =	sbr.rel @p3 .LBB2_30-.Ltmp21, $4  }
0x2db: {  	v27 =	vmax.f32 v14, $0.0e+00;
	v28 =	vmax.f32 v18, $0.0e+00;
	v5 =	vld [tilespmem:s22+$0x4060];
	v14 =	vsel vm0, v19, v22  }
0x2dc: {  	v22 =	vmax.f32 v21, $0.0e+00;
	v29 =	vmax.f32 v17, $0.0e+00;
	v17 =	vmax.f32 v15, $0.0e+00;
	[tilespmem:v24+s2+$0x0] =	vst.idx.add.s32.msk $0xffff, v1  }
0x2dd: {  	v20 =	vmin.f32 v23, $2.047000000e+03;
	v18 =	vmin.f32 v27, $2.047000000e+03;
	v21 =	vmin.f32 v26, $2.047000000e+03;
	[tilespmem:v16+s2+$0x0] =	vst.idx.add.s32.msk $0xffff, v1  }
0x2de: {  	v19 =	vmin.f32 v28, $2.047000000e+03;
	v15 =	vmin.f32 v22, $2.047000000e+03;
	v16 =	vmin.f32 v29, $2.047000000e+03;
	[tilespmem:v25+s2+$0x0] =	vst.idx.add.s32.msk $0xffff, v1  }
.LBB2_31:
0x2df: {  	v20 =	vtrunc.f32 v20  }
0x2e0: {  	v21 =	vtrunc.f32 v21;
	v17 =	vmin.f32 v17, $2.047000000e+03;
	v18 =	vtrunc.f32 v18  }
0x2e1: {  	v19 =	vtrunc.f32 v19;
	vm0 =	veq.s32 v11, v2;
	v11 =	vtrunc.f32 v15  }
0x2e2: {  	v15 =	vtrunc.f32 v16;
	vm1 =	veq.s32 v12, v2;
	v12 =	vcvt.f32.s32 v20  }
0x2e3: {  	vm2 =	veq.s32 v10, v2;
	v16 =	vtrunc.f32 v17;
	v10 =	vcvt.f32.s32 v21  }
0x2e4: {  	v17 =	vcvt.f32.s32 v18;
	v18 =	vcvt.f32.s32 v19  }
0x2e5: {  	[tilespmem:v13+s2+$0x0] =	vst.idx.add.s32.msk @p2 $0xffff, v1;
	v11 =	vcvt.f32.s32 v11;
	vm3 =	veq.s32 v9, v2;
	v9 =	vadd.s32 $0x800, v12  }
0x2e6: {  	[tilespmem:v14+s2+$0x0] =	vst.idx.add.s32.msk $0xffff, v1;
	vm13 =	veq.s32 v3, v2;
	v13 =	vadd.s32 $0x800, v10;
	v9 =	vsel vm0, v9, v12  }
0x2e7: {  	[tilespmem:v8+s2+$0x0] =	vst.idx.add.s32.msk @p2 $0xffff, v1;
	v8 =	vcvt.f32.s32 v16;
	v14 =	vadd.s32 $0x800, v17;
	v10 =	vsel vm1, v13, v10  }
0x2e8: {  	[tilespmem:v6+s2+$0x0] =	vst.idx.add.s32.msk @p2 $0xffff, v1;
	vm12 =	veq.s32 v4, v2;
	v6 =	vadd.s32 $0x800, v11;
	v14 =	vsel vm2, v14, v17  }
0x2e9: {  	v12 =	vcvt.f32.s32 v15;
	v13 =	vadd.s32 $0x800, v18;
	v3 =	vsel vm12, v6, v11  }
0x2ea: {  	[tilespmem:v7+s2+$0x0] =	vst.idx.add.s32.msk @p2 $0xffff, v1;
	v6 =	vadd.s32 $0x800, v8;
	vm14 =	veq.s32 v5, v2;
	v4 =	vsel vm3, v13, v18  }
0x2eb: {  	v6 =	vsel vm14, v6, v8;
	v7 =	vadd.s32 $0x800, v12;
	[tilespmem:v9+s2+$0x0] =	vst.idx.add.s32.msk $0xffff, v1  }
0x2ec: {  	v5 =	vsel vm13, v7, v12;
	[tilespmem:v10+s2+$0x0] =	vst.idx.add.s32.msk $0xffff, v1  }
0x2ed: {  	[tilespmem:v14+s2+$0x0] =	vst.idx.add.s32.msk $0xffff, v1  }
0x2ee: {  	[tilespmem:v3+s2+$0x0] =	vst.idx.add.s32.msk $0xffff, v1  }
0x2ef: {  	[tilespmem:v4+s2+$0x0] =	vst.idx.add.s32.msk $0xffff, v1  }
0x2f0: {  	[tilespmem:v6+s2+$0x0] =	vst.idx.add.s32.msk $0xffff, v1  }
0x2f1: {  	[tilespmem:v5+s2+$0x0] =	vst.idx.add.s32.msk $0xffff, v1  }
0x2f2: {  	v3 =	vld [tilespmem:s19+$0x16070]  }
0x2f3: {  	v4 =	vld [tilespmem:s19+$0x16000]  }
0x2f4: {  	v5 =	vld [tilespmem:s19+$0x16010]  }
0x2f5: {  	v6 =	vld [tilespmem:s19+$0x16020]  }
0x2f6: {  	v7 =	vld [tilespmem:s19+$0x16030]  }
0x2f7: {  	v8 =	vld [tilespmem:s19+$0x16040]  }
0x2f8: {  	v9 =	vld [tilespmem:s19+$0x16050]  }
0x2f9: {  	v10 =	vld [tilespmem:s19+$0x16060]  }
0x2fa: {  	v13 =	vld [tilespmem:s19+$0x6070]  }
0x2fb: {  	v3 =	vadd.f32 $6.000000000e+00, v3;
	v4 =	vadd.f32 $6.000000000e+00, v4  }
0x2fc: {  	v5 =	vadd.f32 $6.000000000e+00, v5;
	v6 =	vadd.f32 $6.000000000e+00, v6  }
0x2fd: {  	v7 =	vadd.f32 $6.000000000e+00, v7;
	v8 =	vadd.f32 $6.000000000e+00, v8  }
0x2fe: {  	v9 =	vadd.f32 $6.000000000e+00, v9;
	v14 =	vadd.f32 $6.000000000e+00, v10;
	v3 =	vmul.f32 $1.706666720e+02, v3  }
0x2ff: {  	vm15 =	veq.s32 v13, v2;
	v4 =	vmul.f32 $1.706666720e+02, v4;
	v5 =	vmul.f32 $1.706666720e+02, v5  }
0x300: {  	v6 =	vmul.f32 $1.706666720e+02, v6;
	v7 =	vmul.f32 $1.706666720e+02, v7;
	v3 =	vmax.f32 v3, $0.0e+00  }
0x301: {  	v11 =	vld [tilespmem:s19+$0x6000];
	v8 =	vmul.f32 $1.706666720e+02, v8;
	v16 =	vmul.f32 $1.706666720e+02, v9;
	v3 =	vmin.f32 v3, $2.047000000e+03  }
0x302: {  	v12 =	vld [tilespmem:s19+$0x6010];
	v17 =	vmul.f32 $1.706666720e+02, v14;
	v15 =	vmax.f32 v4, $0.0e+00;
	v3 =	vtrunc.f32 v3  }
.Ltmp22:
0x303: {  	v10 =	vld [tilespmem:s19+$0x6020];
	v5 =	vmax.f32 v5, $0.0e+00;
	v6 =	vmax.f32 v6, $0.0e+00;
	v3 =	vcvt.f32.s32 v3;
	(pc) =	sbr.rel @!p1 .LBB2_32-.Ltmp22, $4  }
0x304: {  	v9 =	vld [tilespmem:s19+$0x6030];
	v7 =	vmax.f32 v7, $0.0e+00;
	v8 =	vmax.f32 v8, $0.0e+00;
	v13 =	vmax.f32 v16, $0.0e+00  }
0x305: {  	v17 =	vmax.f32 v17, $0.0e+00;
	v21 =	vmin.f32 v5, $2.047000000e+03;
	v5 =	vld [tilespmem:s19+$0x6060];
	v4 =	vadd.s32 $0x800, v3  }
0x306: {  	v20 =	vmin.f32 v15, $2.047000000e+03;
	v18 =	vmin.f32 v6, $2.047000000e+03;
	v14 =	vsel vm15, v4, v3;
	v4 =	vld [tilespmem:s19+$0x6040]  }
0x307: {  	v19 =	vmin.f32 v7, $2.047000000e+03;
	v15 =	vmin.f32 v8, $2.047000000e+03;
	v16 =	vmin.f32 v13, $2.047000000e+03;
	v3 =	vld [tilespmem:s19+$0x6050]  }
0x308: {  	_ = 	snop  }
0x309: {  	v6 =	vtrunc.f32 v20;
	s6 =	simm.s32 $0x80;
	s19 =	simm.s32 $0x400  }
0x30a: {  	v7 =	vtrunc.f32 v21;
	vm0 =	veq.s32 v11, v2;
	v11 =	vtrunc.f32 v18;
	s20 =	simm.s32 $0x20;
	s6 =	sand.u32 $0x1000, s6;
	s7 =	sand.u32 $0xC00, s19  }
0x30b: {  	v13 =	vtrunc.f32 v19;
	vm1 =	veq.s32 v12, v2;
	v12 =	vtrunc.f32 v15;
	s20 =	sand.u32 $0x380, s20;
	s6 =	sor.u32 s7, s6  }
0x30c: {  	v8 =	vmin.f32 v17, $2.047000000e+03;
	v15 =	vtrunc.f32 v16;
	[tilespmem:v14+s2+$0x0] =	vst.idx.add.s32.msk $0xffff, v1;
	v6 =	vcvt.f32.s32 v6;
	s20 =	sor.u32 s20, s6  }
0x30d: {  	v8 =	vtrunc.f32 v8;
	v7 =	vcvt.f32.s32 v7;
	vm3 =	veq.s32 v9, v2;
	v9 =	vld [tilespmem:s20+$0x16070]  }
0x30e: {  	vm2 =	veq.s32 v10, v2;
	v10 =	vcvt.f32.s32 v11;
	v13 =	vcvt.f32.s32 v13;
	v14 =	vld [tilespmem:s20+$0x16000]  }
0x30f: {  	v12 =	vcvt.f32.s32 v12;
	v15 =	vcvt.f32.s32 v15;
	v18 =	vld [tilespmem:s20+$0x16010]  }
0x310: {  	v17 =	vcvt.f32.s32 v8;
	vm5 =	veq.s32 v5, v2;
	v11 =	vadd.s32 $0x800, v6;
	v21 =	vld [tilespmem:s20+$0x16020]  }
0x311: {  	v16 =	vadd.s32 $0x800, v7;
	v8 =	vadd.s32 $0x800, v10;
	v19 =	vadd.s32 $0x800, v13;
	v23 =	vld [tilespmem:s20+$0x16030]  }
0x312: {  	v20 =	vadd.s32 $0x800, v12;
	vm4 =	veq.s32 v4, v2;
	vm14 =	veq.s32 v3, v2;
	v3 =	vld [tilespmem:s20+$0x16040]  }
0x313: {  	v4 =	vadd.s32 $0x800, v15;
	v22 =	vadd.s32 $0x800, v17;
	v24 =	vsel vm0, v11, v6  }
0x314: {  	v16 =	vsel vm1, v16, v7;
	v13 =	vsel vm3, v19, v13;
	v19 =	vld [tilespmem:s20+$0x6070];
	v5 =	vadd.f32 $6.000000000e+00, v9  }
0x315: {  	v25 =	vsel vm2, v8, v10;
	v6 =	vsel vm14, v4, v15;
	v7 =	vadd.f32 $6.000000000e+00, v14;
	v9 =	vld [tilespmem:s20+$0x16050]  }
0x316: {  	v10 =	vadd.f32 $6.000000000e+00, v18;
	v14 =	vld [tilespmem:s20+$0x16060];
	v15 =	vadd.f32 $6.000000000e+00, v21;
	v5 =	vmul.f32 $1.706666720e+02, v5  }
0x317: {  	v8 =	vsel vm4, v20, v12;
	v18 =	vadd.f32 $6.000000000e+00, v23;
	v3 =	vadd.f32 $6.000000000e+00, v3  }
0x318: {  	v11 =	vld [tilespmem:s20+$0x6000];
	v4 =	vmul.f32 $1.706666720e+02, v7;
	v7 =	vsel vm5, v22, v17;
	v5 =	vmax.f32 v5, $0.0e+00  }
0x319: {  	v12 =	vld [tilespmem:s20+$0x6010];
	v17 =	vmul.f32 $1.706666720e+02, v10;
	v15 =	vmul.f32 $1.706666720e+02, v15;
	v5 =	vmin.f32 v5, $2.047000000e+03  }
0x31a: {  	vm15 =	veq.s32 v19, v2;
	[tilespmem:v24+s2+$0x0] =	vst.idx.add.s32.msk $0xffff, v1;
	v18 =	vmul.f32 $1.706666720e+02, v18;
	v5 =	vtrunc.f32 v5  }
0x31b: {  	[tilespmem:v16+s2+$0x0] =	vst.idx.add.s32.msk $0xffff, v1;
	v20 =	vadd.f32 $6.000000000e+00, v9;
	v14 =	vadd.f32 $6.000000000e+00, v14;
	v22 =	vcvt.f32.s32 v5  }
0x31c: {  	p1 =	por $0x1, $0x1;
	[tilespmem:v25+s2+$0x0] =	vst.idx.add.s32.msk $0xffff, v1;
	v21 =	vmul.f32 $1.706666720e+02, v3;
	v23 =	vmax.f32 v4, $0.0e+00;
	v26 =	vmax.f32 v17, $0.0e+00  }
.Ltmp23:
0x31d: {  	v10 =	vld [tilespmem:s20+$0x6020];
	v17 =	vmul.f32 $1.706666720e+02, v20;
	v20 =	vmul.f32 $1.706666720e+02, v14;
	v14 =	vadd.s32 $0x800, v22;
	(pc) =	sbr.rel @!p1 .LBB2_35-.Ltmp23, $4  }
0x31e: {  	v3 =	vld [tilespmem:s20+$0x6050];
	v15 =	vmax.f32 v15, $0.0e+00;
	v19 =	vmax.f32 v18, $0.0e+00;
	v14 =	vsel vm15, v14, v22  }
0x31f: {  	v4 =	vld [tilespmem:s20+$0x6040];
	v18 =	vmin.f32 v15, $2.047000000e+03;
	v19 =	vmin.f32 v19, $2.047000000e+03;
	v27 =	vmax.f32 v17, $0.0e+00  }
0x320: {  	v9 =	vld [tilespmem:s20+$0x6030];
	v17 =	vmax.f32 v20, $0.0e+00;
	v20 =	vmin.f32 v23, $2.047000000e+03;
	v22 =	vmax.f32 v21, $0.0e+00  }
0x321: {  	p0 =	por $0x1, $0x1;
	v5 =	vld [tilespmem:s20+$0x6060];
	s20 =	simm.s32 $0x8;
	v21 =	vmin.f32 v26, $2.047000000e+03;
	v16 =	vmin.f32 v27, $2.047000000e+03;
	v15 =	vmin.f32 v22, $2.047000000e+03  }
.LBB2_34:
0x322: {  	s20 =	sadd.s32 $0x8, s20;
	v20 =	vtrunc.f32 v20;
	v21 =	vtrunc.f32 v21;
	v17 =	vmin.f32 v17, $2.047000000e+03;
	[tilespmem:v13+s2+$0x0] =	vst.idx.add.s32.msk $0xffff, v1  }
0x323: {  	vm0 =	veq.s32 v11, v2;
	v11 =	vtrunc.f32 v18;
	v13 =	vtrunc.f32 v19;
	s19 =	sadd.s32 $0x400, s19;
	s6 =	sshll.u32 s20, $0x4;
	p1 =	slt.u32 s20, $0x1F8;
	[tilespmem:v14+s2+$0x0] =	vst.idx.add.s32.msk $0xffff, v1  }
0x324: {  	vm1 =	veq.s32 v12, v2;
	v12 =	vtrunc.f32 v15;
	s7 =	sand.u32 $0xC00, s19;
	s21 =	sshll.u32 s20, $0x2;
	v14 =	vtrunc.f32 v16;
	s6 =	sand.u32 $0x1000, s6;
	[tilespmem:v8+s2+$0x0] =	vst.idx.add.s32.msk $0xffff, v1  }
0x325: {  	vm2 =	veq.s32 v10, v2;
	v10 =	vtrunc.f32 v17;
	s21 =	sand.u32 $0x380, s21;
	v8 =	vcvt.f32.s32 v20;
	s6 =	sor.u32 s7, s6;
	[tilespmem:v6+s2+$0x0] =	vst.idx.add.s32.msk $0xffff, v1  }
0x326: {  	vm3 =	veq.s32 v9, v2;
	v11 =	vcvt.f32.s32 v11;
	v6 =	vcvt.f32.s32 v21;
	s21 =	sor.u32 s21, s6;
	[tilespmem:v7+s2+$0x0] =	vst.idx.add.s32.msk $0xffff, v1  }
0x327: {  	v13 =	vcvt.f32.s32 v13;
	v12 =	vcvt.f32.s32 v12;
	v9 =	vadd.s32 $0x800, v8;
	v7 =	vld [tilespmem:s21+$0x16070]  }
0x328: {  	v14 =	vcvt.f32.s32 v14;
	v10 =	vcvt.f32.s32 v10;
	v16 =	vadd.s32 $0x800, v6;
	v15 =	vld [tilespmem:s21+$0x16000]  }
0x329: {  	v18 =	vadd.s32 $0x800, v11;
	v19 =	vadd.s32 $0x800, v13;
	v20 =	vadd.s32 $0x800, v12;
	v17 =	vld [tilespmem:s21+$0x16010]  }
0x32a: {  	vm4 =	veq.s32 v4, v2;
	v4 =	vadd.s32 $0x800, v14;
	v22 =	vadd.s32 $0x800, v10;
	v21 =	vld [tilespmem:s21+$0x16020]  }
0x32b: {  	vm5 =	veq.s32 v5, v2;
	v24 =	vsel vm0, v9, v8;
	vm0 =	veq.s32 v3, v2;
	v23 =	vld [tilespmem:s21+$0x16030]  }
0x32c: {  	v25 =	vsel vm2, v18, v11;
	v16 =	vsel vm1, v16, v6;
	v3 =	vld [tilespmem:s21+$0x16040];
	v5 =	vadd.f32 $6.000000000e+00, v7  }
0x32d: {  	v13 =	vsel vm3, v19, v13;
	v8 =	vsel vm4, v20, v12;
	v7 =	vadd.f32 $6.000000000e+00, v15;
	v9 =	vld [tilespmem:s21+$0x16050]  }
0x32e: {  	v6 =	vsel vm0, v4, v14;
	v12 =	vadd.f32 $6.000000000e+00, v17;
	v15 =	vld [tilespmem:s21+$0x16060];
	v5 =	vmul.f32 $1.706666720e+02, v5  }
0x32f: {  	v11 =	vld [tilespmem:s21+$0x6000];
	v4 =	vmul.f32 $1.706666720e+02, v7;
	v14 =	vadd.f32 $6.000000000e+00, v21;
	v7 =	vsel vm5, v22, v10  }
0x330: {  	v17 =	vmul.f32 $1.706666720e+02, v12;
	v18 =	vadd.f32 $6.000000000e+00, v23;
	v19 =	vld [tilespmem:s21+$0x6070];
	v5 =	vmax.f32 v5, $0.0e+00  }
0x331: {  	v12 =	vld [tilespmem:s21+$0x6010];
	v14 =	vmul.f32 $1.706666720e+02, v14;
	v3 =	vadd.f32 $6.000000000e+00, v3;
	v5 =	vmin.f32 v5, $2.047000000e+03  }
0x332: {  	v10 =	vld [tilespmem:s21+$0x6020];
	v18 =	vmul.f32 $1.706666720e+02, v18;
	v20 =	vadd.f32 $6.000000000e+00, v9;
	v5 =	vtrunc.f32 v5  }
0x333: {  	v9 =	vld [tilespmem:s21+$0x6030];
	v21 =	vmul.f32 $1.706666720e+02, v3;
	v15 =	vadd.f32 $6.000000000e+00, v15;
	v22 =	vcvt.f32.s32 v5  }
0x334: {  	v23 =	vmax.f32 v4, $0.0e+00;
	v26 =	vmax.f32 v17, $0.0e+00;
	v4 =	vld [tilespmem:s21+$0x6040];
	v17 =	vmul.f32 $1.706666720e+02, v20  }
.Ltmp24:
0x335: {  	v3 =	vld [tilespmem:s21+$0x6050];
	v15 =	vmul.f32 $1.706666720e+02, v15;
	vm0 =	veq.s32 v19, v2;
	v19 =	vadd.s32 $0x800, v22;
	(pc) =	sbr.rel @p1 .LBB2_34-.Ltmp24, $4  }
0x336: {  	v27 =	vmax.f32 v14, $0.0e+00;
	v28 =	vmax.f32 v18, $0.0e+00;
	v5 =	vld [tilespmem:s21+$0x6060];
	v14 =	vsel vm0, v19, v22  }
0x337: {  	v22 =	vmax.f32 v21, $0.0e+00;
	v29 =	vmax.f32 v17, $0.0e+00;
	v17 =	vmax.f32 v15, $0.0e+00;
	[tilespmem:v24+s2+$0x0] =	vst.idx.add.s32.msk $0xffff, v1  }
0x338: {  	v20 =	vmin.f32 v23, $2.047000000e+03;
	v18 =	vmin.f32 v27, $2.047000000e+03;
	v21 =	vmin.f32 v26, $2.047000000e+03;
	[tilespmem:v16+s2+$0x0] =	vst.idx.add.s32.msk $0xffff, v1  }
0x339: {  	v19 =	vmin.f32 v28, $2.047000000e+03;
	v15 =	vmin.f32 v22, $2.047000000e+03;
	v16 =	vmin.f32 v29, $2.047000000e+03;
	[tilespmem:v25+s2+$0x0] =	vst.idx.add.s32.msk $0xffff, v1  }
.LBB2_35:
0x33a: {  	v20 =	vtrunc.f32 v20;
	v21 =	vtrunc.f32 v21  }
0x33b: {  	v17 =	vmin.f32 v17, $2.047000000e+03;
	v18 =	vtrunc.f32 v18;
	v19 =	vtrunc.f32 v19  }
0x33c: {  	vm0 =	veq.s32 v11, v2;
	v47 =	vtrunc.f32 v15;
	v48 =	vtrunc.f32 v16  }
0x33d: {  	vm1 =	veq.s32 v12, v2;
	v49 =	vcvt.f32.s32 v20;
	v50 =	vtrunc.f32 v17  }
0x33e: {  	vm2 =	veq.s32 v10, v2;
	v51 =	vcvt.f32.s32 v21;
	v52 =	vcvt.f32.s32 v18  }
0x33f: {  	v54 =	vcvt.f32.s32 v19;
	v11 =	vcvt.f32.s32 v47;
	v53 =	vadd.s32 $0x800, v49  }
0x340: {  	[tilespmem:v13+s2+$0x0] =	vst.idx.add.s32.msk @p0 $0xffff, v1;
	vm3 =	veq.s32 v9, v2;
	v55 =	vadd.s32 $0x800, v51;
	v9 =	vsel vm0, v53, v49  }
0x341: {  	[tilespmem:v14+s2+$0x0] =	vst.idx.add.s32.msk $0xffff, v1;
	v56 =	vcvt.f32.s32 v48;
	v57 =	vadd.s32 $0x800, v52;
	v10 =	vsel vm1, v55, v51  }
0x342: {  	[tilespmem:v8+s2+$0x0] =	vst.idx.add.s32.msk @p0 $0xffff, v1;
	v58 =	vcvt.f32.s32 v50;
	v59 =	vadd.s32 $0x800, v54;
	v14 =	vsel vm2, v57, v52  }
0x343: {  	[tilespmem:v6+s2+$0x0] =	vst.idx.add.s32.msk @p0 $0xffff, v1;
	vm13 =	veq.s32 v4, v2;
	v60 =	vadd.s32 $0x800, v11;
	v61 =	vsel vm3, v59, v54  }
0x344: {  	[tilespmem:v7+s2+$0x0] =	vst.idx.add.s32.msk @p0 $0xffff, v1;
	vm14 =	veq.s32 v3, v2;
	v62 =	vadd.s32 $0x800, v56;
	v3 =	vsel vm13, v60, v11  }
0x345: {  	v63 =	vadd.s32 $0x800, v58;
	vm15 =	veq.s32 v5, v2;
	v2 =	vsel vm14, v62, v56;
	[tilespmem:v9+s2+$0x0] =	vst.idx.add.s32.msk $0xffff, v1  }
0x346: {  	v5 =	vsel vm15, v63, v58;
	[tilespmem:v10+s2+$0x0] =	vst.idx.add.s32.msk $0xffff, v1  }
0x347: {  	[tilespmem:v14+s2+$0x0] =	vst.idx.add.s32.msk $0xffff, v1  }
.Ltmp25:
0x348: {  	[tilespmem:v61+s2+$0x0] =	vst.idx.add.s32.msk $0xffff, v1;
	(pc) =	sbr.rel .LBB2_36-.Ltmp25, $4  }
0x349: {  	[tilespmem:v3+s2+$0x0] =	vst.idx.add.s32.msk $0xffff, v1  }
0x34a: {  	s6 =	sshll.u32 s17, $0xE;
	[tilespmem:v2+s2+$0x0] =	vst.idx.add.s32.msk $0xffff, v1  }
0x34b: {  	s6 =	sadd.s32 s6, s13;
	[tilespmem:v5+s2+$0x0] =	vst.idx.add.s32.msk $0xffff, v1  }
0x34c: {  	[hbm4b:s6+s30] =	stream.strided.scatter [tilespmem:s2], [sflag:$0x6], $0x1000, s31, s30, $0x38;
	[tilespmem:$0x1A000] =	vst v63  }
.LBB2_4:
.Ltmp26:
0x34d: {  	(pc) =	sbr.rel @p0 .LBB2_13-.Ltmp26, $4  }
.Ltmp27:
0x34e: {  	(pc) =	sbr.rel @!p0 .LBB2_5-.Ltmp27, $4  }
0x34f: {  	_ = 	snop  }
0x350: {  	_ = 	snop  }
0x351: {  	_ = 	snop  }
0x352: {  	_ = 	snop  }
.LBB2_12:
.Ltmp28:
0x353: {  	(pc) =	sbr.rel .LBB2_16-.Ltmp28, $2  }
0x354: {  	_ =	sdelay $0x2  }
0x355: {  	p2 =	por $0x0, $0x0  }
.LBB2_28:
.Ltmp29:
0x356: {  	(pc) =	sbr.rel .LBB2_31-.Ltmp29, $2  }
0x357: {  	_ =	sdelay $0x2  }
0x358: {  	p2 =	por $0x0, $0x0  }
.LBB2_32:
.Ltmp30:
0x359: {  	(pc) =	sbr.rel .LBB2_35-.Ltmp30, $2  }
0x35a: {  	_ =	sdelay $0x2  }
0x35b: {  	_ = 	snop  }
.LBB2_38:
0x35c: {  	_ =	sfence.sel $0x180000  }
0x35d: {  	[bflag:$0x0] =	sbarrier.arrive $0xFFFF  }
0x35e: {  	_ =	strace $0x90000047  }
0x35f: {  	s0 =	stileid.u32;
	[bflag:$0x2] =	sbarrier.arrive $0xFFFF  }
0x360: {  	p0 =	sne.s32 s0, $0x0;
	s0 =	rddreg [dreg:$0x3]  }
0x361: {  	s0 =	sadd.s32 @!p0 $0x100000, s0  }
0x362: {  	[sflag:s0] =	ssyncadd.tile.s32 @!p0 $0x1;
	_ =	shalt  }
.Lfunc_end2:
_tile_overlayer_lowered:
.L_overlay_start_2:
0x363: {  	(tag) =	ssettag $0x2  }
0x364: {  	s0 =	rddreg [dreg:$0x0];
	s2 =	stileid.u32  }
0x365: {  	s1 =	rddreg [dreg:$0x1];
	p0 =	sne.s32 s2, $0x0  }
0x366: {  	s3 =	rddreg [dreg:$0x2];
	[bflag:$0x3] =	sbarrier.arrive $0xFFFF;
	s2 =	simm.s32 @!p0 $0x1C07  }
0x367: {  	[timem:s3], [sflag:s2] =	dma.local @!p0 [hbm:s0], s1  }
0x368: {  	s0 =	simm.s32 @!p0 $0x7  }
0x369: {  	_ =	swait.ge @!p0 [sflag:s0], s1  }
0x36a: {  	s1 =	ssub.s32 @!p0 $0x0, s1;
	[sflag:s0] =	ssyncset.done @!p0 $0x0  }
0x36b: {  	[sflag:s0] =	ssyncadd.s32 @!p0 s1  }
0x36c: {  	[bflag:$0x3] =	sbarrier.arrive $0xFFFF  }
0x36d: {  	_ =	shalt  }

</sc_bundles>
